<compile_context>
chip_gen: v7x
topology: tpu7x:2x2x1
jax: 0.10.2.dev20260603
libtpu: 0.0.44.dev20260713+nightly
codegen_flags: <defaults>
</compile_context>

<pallas_src>
import functools

import jax
import jax.numpy as jnp
from jax import lax
from jax.experimental import pallas as pl
from jax.experimental.pallas import tpu as pltpu
from jax.experimental.pallas import tpu_sc as plsc

N_NODES = 10000
N_EDGES = 320000
DIM = 128
NUM_REL = 2

N_TILES = 16
CHUNK = 128
CHUNKS_PER_TILE = 160
EDGES_PAD = N_TILES * CHUNKS_PER_TILE * CHUNK
UNROLL = 32
PIPE_ITERS = CHUNKS_PER_TILE // UNROLL
ACC_ROWS = 10240
ZROWS = ACC_ROWS // N_TILES
OROWS = ACC_ROWS // N_TILES


def _sc_body(src_hbm, tgt_hbm, x_hbm, z_hbm, out_hbm,
             srcv, tgtv, rows0, rows1, acc, gs0, gs1):
    rows = [rows0, rows1]
    gsems = [gs0, gs1]
    c = lax.axis_index("c")
    t = lax.axis_index("s")

    pltpu.sync_copy(z_hbm, acc.at[pl.ds(t * ZROWS, ZROWS)])
    plsc.subcore_barrier()

    def pipe_step(i, carry):
        pltpu.sync_copy(src_hbm.at[c, t, i], srcv)
        pltpu.sync_copy(tgt_hbm.at[c, t, i], tgtv)
        gathers = [None, None]
        gathers[0] = pltpu.async_copy(x_hbm.at[srcv.at[0]], rows[0], gs0)
        for b in range(UNROLL):
            rb = b & 1
            if b + 1 < UNROLL:
                gathers[1 - rb] = pltpu.async_copy(
                    x_hbm.at[srcv.at[b + 1]], rows[1 - rb], gsems[1 - rb])
            gathers[rb].wait()
            pltpu.sync_copy(rows[rb], acc.at[tgtv.at[b]], add=True)
        return carry

    lax.fori_loop(0, PIPE_ITERS, pipe_step, 0)
    plsc.subcore_barrier()

    pltpu.sync_copy(acc.at[pl.ds(t * OROWS, OROWS)],
                    out_hbm.at[c, pl.ds(t * OROWS, OROWS)])


_sc_scatter = functools.partial(
    pl.kernel,
    mesh=plsc.VectorSubcoreMesh(core_axis_name="c", subcore_axis_name="s"),
    out_type=jax.ShapeDtypeStruct((NUM_REL, ACC_ROWS, DIM), jnp.float32),
    scratch_types=[
        pltpu.VMEM((UNROLL, CHUNK), jnp.int32),
        pltpu.VMEM((UNROLL, CHUNK), jnp.int32),
        pltpu.VMEM((CHUNK, DIM), jnp.float32),
        pltpu.VMEM((CHUNK, DIM), jnp.float32),
        pltpu.VMEM_SHARED((ACC_ROWS, DIM), jnp.float32),
        pltpu.SemaphoreType.DMA,
        pltpu.SemaphoreType.DMA,
    ],
)(_sc_body)


def _tc_body(x_ref, parts_ref, w_ref, o_ref):
    dn = (((1,), (1,)), ((), ()))
    o = lax.dot_general(x_ref[...], w_ref[0], dn,
                        preferred_element_type=jnp.float32)
    o += lax.dot_general(parts_ref[0], w_ref[1], dn,
                         preferred_element_type=jnp.float32)
    o += lax.dot_general(parts_ref[1], w_ref[2], dn,
                         preferred_element_type=jnp.float32)
    o_ref[...] = o


_TC_BLOCK = 1000


def kernel(x, edge_indices, W0, W1, W_self):
    src = edge_indices[:, 0, :]
    tgt = edge_indices[:, 1, :]
    pad = EDGES_PAD - N_EDGES
    pad_tgt = N_NODES + (jnp.arange(pad, dtype=jnp.int32) % (ACC_ROWS - N_NODES))
    pad_src = jnp.arange(pad, dtype=jnp.int32) % N_NODES
    src_p = jnp.concatenate(
        [src, jnp.broadcast_to(pad_src, (NUM_REL, pad))], axis=1
    ).reshape(NUM_REL, N_TILES, PIPE_ITERS, UNROLL, CHUNK)
    tgt_p = jnp.concatenate(
        [tgt, jnp.broadcast_to(pad_tgt, (NUM_REL, pad))], axis=1
    ).reshape(NUM_REL, N_TILES, PIPE_ITERS, UNROLL, CHUNK)
    zeros_blk = jnp.zeros((ZROWS, DIM), jnp.float32)

    parts = _sc_scatter(src_p, tgt_p, x, zeros_blk)

    w = jnp.stack([W_self, W0, W1])
    grid = (N_NODES // _TC_BLOCK,)
    out = pl.pallas_call(
        _tc_body,
        grid=grid,
        in_specs=[
            pl.BlockSpec((_TC_BLOCK, DIM), lambda i: (i, 0)),
            pl.BlockSpec((NUM_REL, _TC_BLOCK, DIM), lambda i: (0, i, 0)),
            pl.BlockSpec((3, DIM, DIM), lambda i: (0, 0, 0)),
        ],
        out_specs=pl.BlockSpec((_TC_BLOCK, DIM), lambda i: (i, 0)),
        out_shape=jax.ShapeDtypeStruct((N_NODES, DIM), jnp.float32),
    )(x, parts, w)
    return out

# --- scband reference (transcript-rebuilt; emitter-appended) ---
"""Pipeline reference for scband-aiger-conv-56195352101292 (READ-ONLY COPY).

The authoritative reference and input builder live on the scoring server;
editing this copy changes nothing except your own understanding.
"""

import jax, jax.numpy as jnp
import numpy as np

IN_DIM = 128
OUT_DIM = 128
NUM_RELATIONS = 2
N_NODES = 10000
N_EDGES = 320000


def _xavier(key, out_dim, in_dim):
    limit = float(np.sqrt(6.0 / (in_dim + out_dim)))
    return jax.random.uniform(key, (out_dim, in_dim), dtype=jnp.float32, minval=-limit, maxval=limit)


def setup_inputs(seed: int = 0) -> dict:
    key = jax.random.key(seed)
    k_x, k_e, k_w0, k_w1, k_ws = jax.random.split(key, 5)
    x = jax.random.normal(k_x, (N_NODES, IN_DIM), dtype=jnp.float32)
    edge_indices = jax.random.randint(k_e, (NUM_RELATIONS, 2, N_EDGES), 0, N_NODES, dtype=jnp.int64 if jax.config.read('jax_enable_x64') else jnp.int32)
    W0 = _xavier(k_w0, OUT_DIM, IN_DIM)
    W1 = _xavier(k_w1, OUT_DIM, IN_DIM)
    W_self = _xavier(k_ws, OUT_DIM, IN_DIM)
    return {"x": x, "edge_indices": edge_indices, "W0": W0, "W1": W1, "W_self": W_self}


def reference(x, edge_indices, W0, W1, W_self):
    n = x.shape[0]
    rel_weights = [W0, W1]
    agg = jnp.zeros((n, rel_weights[0].shape[0]), dtype=x.dtype)
    for i in range(NUM_RELATIONS):
        edge_index = edge_indices[i]
        source = edge_index[0]
        target = edge_index[1]
        messages = x[source] @ rel_weights[i].T
        agg_per_rel = jnp.zeros((n, messages.shape[1]), dtype=messages.dtype).at[target].add(messages)
        agg = agg + agg_per_rel
    agg = agg + x @ W_self.T
    return agg

if __name__ == "__main__":
    import jax
    _d = setup_inputs()
    print(jax.jit(kernel)(*tuple(_d.values())))

</pallas_src>

<mosaic_0001>
#map = affine_map<(d0, d1) -> (0, 0, 0, 0, 0)>
#map1 = affine_map<(d0, d1) -> (0, 0)>
#map2 = affine_map<(d0, d1) -> (0, 0, 0)>
module attributes {stable_mosaic.version = 14 : i64} {
  func.func @_sc_body(%arg0: i32, %arg1: i32, %arg2: memref<2x16x5x32x128xi32, #tpu.memory_space<hbm>>, %arg3: memref<2x16x5x32x128xi32, #tpu.memory_space<hbm>>, %arg4: memref<10000x128xf32, #tpu.memory_space<hbm>>, %arg5: memref<640x128xf32, #tpu.memory_space<hbm>>, %arg6: memref<2x10240x128xf32, #tpu.memory_space<hbm>>, %arg7: memref<32x128xi32, #tpu.memory_space<vmem>>, %arg8: memref<32x128xi32, #tpu.memory_space<vmem>>, %arg9: memref<128x128xf32, #tpu.memory_space<vmem>>, %arg10: memref<128x128xf32, #tpu.memory_space<vmem>>, %arg11: memref<10240x128xf32, #tpu.memory_space<vmem_shared>>, %arg12: memref<!tpu.dma_semaphore, #tpu.memory_space<semaphore_mem>>, %arg13: memref<!tpu.dma_semaphore, #tpu.memory_space<semaphore_mem>>) attributes {dimension_semantics = [#tpu.dimension_semantics<core_parallel>, #tpu.dimension_semantics<subcore_parallel>], iteration_bounds = array<i64: 2, 16>, scalar_prefetch = 0 : i64, scratch_operands = 7 : i64, tpu.core_type = #tpu.core_type<sc_vector_subcore>, window_params = [{transform_indices = #map}, {transform_indices = #map}, {transform_indices = #map1}, {transform_indices = #map1}, {transform_indices = #map2}]} {
    %mul3A = arith.constant 640 : i32
    %mul3A_0 = arith.muli %arg1, %mul3A : i32
    "tpu.region"() ({
      %run_scoped3A = tpu.sem_alloc : memref<!tpu.dma_semaphore, #tpu.memory_space<semaphore_mem>>
      %dma_start3A = arith.constant 0 : i32
      %dma_start3A_11 = tpu.memref_slice %arg11[%mul3A_0, %dma_start3A] : memref<10240x128xf32, #tpu.memory_space<vmem_shared>> -> memref<640x128xf32, #tpu.memory_space<vmem_shared>>
      tpu.enqueue_dma source(%arg5 : memref<640x128xf32, #tpu.memory_space<hbm>>) target(%dma_start3A_11 : memref<640x128xf32, #tpu.memory_space<vmem_shared>>) target_semaphore(%run_scoped3A : memref<!tpu.dma_semaphore, #tpu.memory_space<semaphore_mem>>)
      %dma_wait3A = arith.constant 0 : i32
      %dma_wait3A_12 = tpu.memref_slice %arg11[%mul3A_0, %dma_wait3A] : memref<10240x128xf32, #tpu.memory_space<vmem_shared>> -> memref<640x128xf32, #tpu.memory_space<vmem_shared>>
      tpu.wait_dma2 semaphore(%run_scoped3A : memref<!tpu.dma_semaphore, #tpu.memory_space<semaphore_mem>>) src(%arg5 : memref<640x128xf32, #tpu.memory_space<hbm>>) dst(%dma_wait3A_12 : memref<640x128xf32, #tpu.memory_space<vmem_shared>>)
      tpu.yield
    }) : () -> ()
    %barrier3A = arith.constant 0 : index
    tpu.barrier barrier_id(%barrier3A)
    %scan3A = arith.constant 0 : i32
    %scan3A_1 = arith.constant 0 : i32
    %scan3A_2 = arith.constant 5 : i32
    %scan3A_3 = arith.addi %scan3A_1, %scan3A_2 : i32
    %scan3A_4 = arith.constant 1 : i32
    scf.for %scan3A_11 = %scan3A_1 to %scan3A_3 step %scan3A_4  : i32 {
      "tpu.region"() ({
        %run_scoped3A_489 = tpu.sem_alloc : memref<!tpu.dma_semaphore, #tpu.memory_space<semaphore_mem>>
        %dma_start3A_490 = arith.constant 0 : i32
        %dma_start3A_491 = arith.constant 0 : i32
        %dma_start3A_492 = tpu.memref_slice %arg2[%arg0, %arg1, %scan3A_11, %dma_start3A_490, %dma_start3A_491] : memref<2x16x5x32x128xi32, #tpu.memory_space<hbm>> -> memref<1x1x1x32x128xi32, #tpu.memory_space<hbm>>
        %dma_start3A_493 = tpu.memref_squeeze %dma_start3A_492 : memref<1x1x1x32x128xi32, #tpu.memory_space<hbm>> -> memref<32x128xi32, #tpu.memory_space<hbm>>
        %dma_start3A_494 = arith.constant 0 : i32
        %dma_start3A_495 = arith.constant 0 : i32
        %dma_start3A_496 = tpu.memref_slice %arg2[%arg0, %arg1, %scan3A_11, %dma_start3A_494, %dma_start3A_495] : memref<2x16x5x32x128xi32, #tpu.memory_space<hbm>> -> memref<1x1x1x32x128xi32, #tpu.memory_space<hbm>>
        %dma_start3A_497 = tpu.memref_squeeze %dma_start3A_496 : memref<1x1x1x32x128xi32, #tpu.memory_space<hbm>> -> memref<32x128xi32, #tpu.memory_space<hbm>>
        tpu.enqueue_dma source(%dma_start3A_497 : memref<32x128xi32, #tpu.memory_space<hbm>>) target(%arg7 : memref<32x128xi32, #tpu.memory_space<vmem>>) target_semaphore(%run_scoped3A_489 : memref<!tpu.dma_semaphore, #tpu.memory_space<semaphore_mem>>)
        %dma_wait3A_498 = arith.constant 0 : i32
        %dma_wait3A_499 = arith.constant 0 : i32
        %dma_wait3A_500 = tpu.memref_slice %arg2[%arg0, %arg1, %scan3A_11, %dma_wait3A_498, %dma_wait3A_499] : memref<2x16x5x32x128xi32, #tpu.memory_space<hbm>> -> memref<1x1x1x32x128xi32, #tpu.memory_space<hbm>>
        %dma_wait3A_501 = tpu.memref_squeeze %dma_wait3A_500 : memref<1x1x1x32x128xi32, #tpu.memory_space<hbm>> -> memref<32x128xi32, #tpu.memory_space<hbm>>
        %dma_wait3A_502 = arith.constant 0 : i32
        %dma_wait3A_503 = arith.constant 0 : i32
        %dma_wait3A_504 = tpu.memref_slice %arg2[%arg0, %arg1, %scan3A_11, %dma_wait3A_502, %dma_wait3A_503] : memref<2x16x5x32x128xi32, #tpu.memory_space<hbm>> -> memref<1x1x1x32x128xi32, #tpu.memory_space<hbm>>
        %dma_wait3A_505 = tpu.memref_squeeze %dma_wait3A_504 : memref<1x1x1x32x128xi32, #tpu.memory_space<hbm>> -> memref<32x128xi32, #tpu.memory_space<hbm>>
        tpu.wait_dma2 semaphore(%run_scoped3A_489 : memref<!tpu.dma_semaphore, #tpu.memory_space<semaphore_mem>>) src(%dma_wait3A_505 : memref<32x128xi32, #tpu.memory_space<hbm>>) dst(%arg7 : memref<32x128xi32, #tpu.memory_space<vmem>>)
        tpu.yield
      }) : () -> ()
      "tpu.region"() ({
        %run_scoped3A_489 = tpu.sem_alloc : memref<!tpu.dma_semaphore, #tpu.memory_space<semaphore_mem>>
        %dma_start3A_490 = arith.constant 0 : i32
        %dma_start3A_491 = arith.constant 0 : i32
        %dma_start3A_492 = tpu.memref_slice %arg3[%arg0, %arg1, %scan3A_11, %dma_start3A_490, %dma_start3A_491] : memref<2x16x5x32x128xi32, #tpu.memory_space<hbm>> -> memref<1x1x1x32x128xi32, #tpu.memory_space<hbm>>
        %dma_start3A_493 = tpu.memref_squeeze %dma_start3A_492 : memref<1x1x1x32x128xi32, #tpu.memory_space<hbm>> -> memref<32x128xi32, #tpu.memory_space<hbm>>
        %dma_start3A_494 = arith.constant 0 : i32
        %dma_start3A_495 = arith.constant 0 : i32
        %dma_start3A_496 = tpu.memref_slice %arg3[%arg0, %arg1, %scan3A_11, %dma_start3A_494, %dma_start3A_495] : memref<2x16x5x32x128xi32, #tpu.memory_space<hbm>> -> memref<1x1x1x32x128xi32, #tpu.memory_space<hbm>>
        %dma_start3A_497 = tpu.memref_squeeze %dma_start3A_496 : memref<1x1x1x32x128xi32, #tpu.memory_space<hbm>> -> memref<32x128xi32, #tpu.memory_space<hbm>>
        tpu.enqueue_dma source(%dma_start3A_497 : memref<32x128xi32, #tpu.memory_space<hbm>>) target(%arg8 : memref<32x128xi32, #tpu.memory_space<vmem>>) target_semaphore(%run_scoped3A_489 : memref<!tpu.dma_semaphore, #tpu.memory_space<semaphore_mem>>)
        %dma_wait3A_498 = arith.constant 0 : i32
        %dma_wait3A_499 = arith.constant 0 : i32
        %dma_wait3A_500 = tpu.memref_slice %arg3[%arg0, %arg1, %scan3A_11, %dma_wait3A_498, %dma_wait3A_499] : memref<2x16x5x32x128xi32, #tpu.memory_space<hbm>> -> memref<1x1x1x32x128xi32, #tpu.memory_space<hbm>>
        %dma_wait3A_501 = tpu.memref_squeeze %dma_wait3A_500 : memref<1x1x1x32x128xi32, #tpu.memory_space<hbm>> -> memref<32x128xi32, #tpu.memory_space<hbm>>
        %dma_wait3A_502 = arith.constant 0 : i32
        %dma_wait3A_503 = arith.constant 0 : i32
        %dma_wait3A_504 = tpu.memref_slice %arg3[%arg0, %arg1, %scan3A_11, %dma_wait3A_502, %dma_wait3A_503] : memref<2x16x5x32x128xi32, #tpu.memory_space<hbm>> -> memref<1x1x1x32x128xi32, #tpu.memory_space<hbm>>
        %dma_wait3A_505 = tpu.memref_squeeze %dma_wait3A_504 : memref<1x1x1x32x128xi32, #tpu.memory_space<hbm>> -> memref<32x128xi32, #tpu.memory_space<hbm>>
        tpu.wait_dma2 semaphore(%run_scoped3A_489 : memref<!tpu.dma_semaphore, #tpu.memory_space<semaphore_mem>>) src(%dma_wait3A_505 : memref<32x128xi32, #tpu.memory_space<hbm>>) dst(%arg8 : memref<32x128xi32, #tpu.memory_space<vmem>>)
        tpu.yield
      }) : () -> ()
      %dma_start3A = arith.constant 0 : i32
      %dma_start3A_12 = arith.constant 0 : i32
      %dma_start3A_13 = tpu.memref_slice %arg7[%dma_start3A, %dma_start3A_12] : memref<32x128xi32, #tpu.memory_space<vmem>> -> memref<1x128xi32, #tpu.memory_space<vmem>>
      %dma_start3A_14 = tpu.memref_squeeze %dma_start3A_13 : memref<1x128xi32, #tpu.memory_space<vmem>> -> memref<128xi32, #tpu.memory_space<vmem>>
      %dma_start3A_15 = arith.constant 0 : i32
      %dma_start3A_16 = arith.constant 0 : i32
      %dma_start3A_17 = tpu.memref_slice %arg4[%dma_start3A_15, %dma_start3A_16] : memref<10000x128xf32, #tpu.memory_space<hbm>> -> memref<10000x128xf32, #tpu.memory_space<hbm>>
      tpu.enqueue_indirect_dma source(%dma_start3A_17 : memref<10000x128xf32, #tpu.memory_space<hbm>>) target(%arg9 : memref<128x128xf32, #tpu.memory_space<vmem>>) offsets(%dma_start3A_14 : memref<128xi32, #tpu.memory_space<vmem>>) semaphore(%arg12 : memref<!tpu.dma_semaphore, #tpu.memory_space<semaphore_mem>>)
      %dma_start3A_18 = arith.constant 1 : i32
      %dma_start3A_19 = arith.constant 0 : i32
      %dma_start3A_20 = tpu.memref_slice %arg7[%dma_start3A_18, %dma_start3A_19] : memref<32x128xi32, #tpu.memory_space<vmem>> -> memref<1x128xi32, #tpu.memory_space<vmem>>
      %dma_start3A_21 = tpu.memref_squeeze %dma_start3A_20 : memref<1x128xi32, #tpu.memory_space<vmem>> -> memref<128xi32, #tpu.memory_space<vmem>>
      %dma_start3A_22 = arith.constant 0 : i32
      %dma_start3A_23 = arith.constant 0 : i32
      %dma_start3A_24 = tpu.memref_slice %arg4[%dma_start3A_22, %dma_start3A_23] : memref<10000x128xf32, #tpu.memory_space<hbm>> -> memref<10000x128xf32, #tpu.memory_space<hbm>>
      tpu.enqueue_indirect_dma source(%dma_start3A_24 : memref<10000x128xf32, #tpu.memory_space<hbm>>) target(%arg10 : memref<128x128xf32, #tpu.memory_space<vmem>>) offsets(%dma_start3A_21 : memref<128xi32, #tpu.memory_space<vmem>>) semaphore(%arg13 : memref<!tpu.dma_semaphore, #tpu.memory_space<semaphore_mem>>)
      %dma_wait3A = arith.constant 0 : i32
      %dma_wait3A_25 = arith.constant 0 : i32
      %dma_wait3A_26 = tpu.memref_slice %arg7[%dma_wait3A, %dma_wait3A_25] : memref<32x128xi32, #tpu.memory_space<vmem>> -> memref<1x128xi32, #tpu.memory_space<vmem>>
      %dma_wait3A_27 = tpu.memref_squeeze %dma_wait3A_26 : memref<1x128xi32, #tpu.memory_space<vmem>> -> memref<128xi32, #tpu.memory_space<vmem>>
      %dma_wait3A_28 = arith.constant 0 : i32
      %dma_wait3A_29 = arith.constant 0 : i32
      %dma_wait3A_30 = tpu.memref_slice %arg4[%dma_wait3A_28, %dma_wait3A_29] : memref<10000x128xf32, #tpu.memory_space<hbm>> -> memref<10000x128xf32, #tpu.memory_space<hbm>>
      tpu.wait_indirect_dma semaphore(%arg12 : memref<!tpu.dma_semaphore, #tpu.memory_space<semaphore_mem>>) src(%dma_wait3A_30 : memref<10000x128xf32, #tpu.memory_space<hbm>>) dst(%arg9 : memref<128x128xf32, #tpu.memory_space<vmem>>)
      %run_scoped3A = arith.constant 0 : i32
      "tpu.region"() ({
        %run_scoped3A_489 = tpu.sem_alloc : memref<!tpu.dma_semaphore, #tpu.memory_space<semaphore_mem>>
        %dma_start3A_490 = arith.constant 0 : i32
        %dma_start3A_491 = tpu.memref_slice %arg8[%run_scoped3A, %dma_start3A_490] : memref<32x128xi32, #tpu.memory_space<vmem>> -> memref<1x128xi32, #tpu.memory_space<vmem>>
        %dma_start3A_492 = tpu.memref_squeeze %dma_start3A_491 : memref<1x128xi32, #tpu.memory_space<vmem>> -> memref<128xi32, #tpu.memory_space<vmem>>
        %dma_start3A_493 = arith.constant 0 : i32
        %dma_start3A_494 = arith.constant 0 : i32
        %dma_start3A_495 = tpu.memref_slice %arg11[%dma_start3A_493, %dma_start3A_494] : memref<10240x128xf32, #tpu.memory_space<vmem_shared>> -> memref<10240x128xf32, #tpu.memory_space<vmem_shared>>
        tpu.enqueue_indirect_dma source(%arg9 : memref<128x128xf32, #tpu.memory_space<vmem>>) target(%dma_start3A_495 : memref<10240x128xf32, #tpu.memory_space<vmem_shared>>) offsets(%dma_start3A_492 : memref<128xi32, #tpu.memory_space<vmem>>) semaphore(%run_scoped3A_489 : memref<!tpu.dma_semaphore, #tpu.memory_space<semaphore_mem>>) {add = true}
        %dma_wait3A_496 = arith.constant 0 : i32
        %dma_wait3A_497 = tpu.memref_slice %arg8[%run_scoped3A, %dma_wait3A_496] : memref<32x128xi32, #tpu.memory_space<vmem>> -> memref<1x128xi32, #tpu.memory_space<vmem>>
        %dma_wait3A_498 = tpu.memref_squeeze %dma_wait3A_497 : memref<1x128xi32, #tpu.memory_space<vmem>> -> memref<128xi32, #tpu.memory_space<vmem>>
        %dma_wait3A_499 = arith.constant 0 : i32
        %dma_wait3A_500 = arith.constant 0 : i32
        %dma_wait3A_501 = tpu.memref_slice %arg11[%dma_wait3A_499, %dma_wait3A_500] : memref<10240x128xf32, #tpu.memory_space<vmem_shared>> -> memref<10240x128xf32, #tpu.memory_space<vmem_shared>>
        tpu.wait_indirect_dma semaphore(%run_scoped3A_489 : memref<!tpu.dma_semaphore, #tpu.memory_space<semaphore_mem>>) src(%arg9 : memref<128x128xf32, #tpu.memory_space<vmem>>) dst(%dma_wait3A_501 : memref<10240x128xf32, #tpu.memory_space<vmem_shared>>)
        tpu.yield
      }) : () -> ()
      %dma_start3A_31 = arith.constant 2 : i32
      %dma_start3A_32 = arith.constant 0 : i32
      %dma_start3A_33 = tpu.memref_slice %arg7[%dma_start3A_31, %dma_start3A_32] : memref<32x128xi32, #tpu.memory_space<vmem>> -> memref<1x128xi32, #tpu.memory_space<vmem>>
      %dma_start3A_34 = tpu.memref_squeeze %dma_start3A_33 : memref<1x128xi32, #tpu.memory_space<vmem>> -> memref<128xi32, #tpu.memory_space<vmem>>
      %dma_start3A_35 = arith.constant 0 : i32
      %dma_start3A_36 = arith.constant 0 : i32
      %dma_start3A_37 = tpu.memref_slice %arg4[%dma_start3A_35, %dma_start3A_36] : memref<10000x128xf32, #tpu.memory_space<hbm>> -> memref<10000x128xf32, #tpu.memory_space<hbm>>
      tpu.enqueue_indirect_dma source(%dma_start3A_37 : memref<10000x128xf32, #tpu.memory_space<hbm>>) target(%arg9 : memref<128x128xf32, #tpu.memory_space<vmem>>) offsets(%dma_start3A_34 : memref<128xi32, #tpu.memory_space<vmem>>) semaphore(%arg12 : memref<!tpu.dma_semaphore, #tpu.memory_space<semaphore_mem>>)
      %dma_wait3A_38 = arith.constant 1 : i32
      %dma_wait3A_39 = arith.constant 0 : i32
      %dma_wait3A_40 = tpu.memref_slice %arg7[%dma_wait3A_38, %dma_wait3A_39] : memref<32x128xi32, #tpu.memory_space<vmem>> -> memref<1x128xi32, #tpu.memory_space<vmem>>
      %dma_wait3A_41 = tpu.memref_squeeze %dma_wait3A_40 : memref<1x128xi32, #tpu.memory_space<vmem>> -> memref<128xi32, #tpu.memory_space<vmem>>
      %dma_wait3A_42 = arith.constant 0 : i32
      %dma_wait3A_43 = arith.constant 0 : i32
      %dma_wait3A_44 = tpu.memref_slice %arg4[%dma_wait3A_42, %dma_wait3A_43] : memref<10000x128xf32, #tpu.memory_space<hbm>> -> memref<10000x128xf32, #tpu.memory_space<hbm>>
      tpu.wait_indirect_dma semaphore(%arg13 : memref<!tpu.dma_semaphore, #tpu.memory_space<semaphore_mem>>) src(%dma_wait3A_44 : memref<10000x128xf32, #tpu.memory_space<hbm>>) dst(%arg10 : memref<128x128xf32, #tpu.memory_space<vmem>>)
      %run_scoped3A_45 = arith.constant 1 : i32
      "tpu.region"() ({
        %run_scoped3A_489 = tpu.sem_alloc : memref<!tpu.dma_semaphore, #tpu.memory_space<semaphore_mem>>
        %dma_start3A_490 = arith.constant 0 : i32
        %dma_start3A_491 = tpu.memref_slice %arg8[%run_scoped3A_45, %dma_start3A_490] : memref<32x128xi32, #tpu.memory_space<vmem>> -> memref<1x128xi32, #tpu.memory_space<vmem>>
        %dma_start3A_492 = tpu.memref_squeeze %dma_start3A_491 : memref<1x128xi32, #tpu.memory_space<vmem>> -> memref<128xi32, #tpu.memory_space<vmem>>
        %dma_start3A_493 = arith.constant 0 : i32
        %dma_start3A_494 = arith.constant 0 : i32
        %dma_start3A_495 = tpu.memref_slice %arg11[%dma_start3A_493, %dma_start3A_494] : memref<10240x128xf32, #tpu.memory_space<vmem_shared>> -> memref<10240x128xf32, #tpu.memory_space<vmem_shared>>
        tpu.enqueue_indirect_dma source(%arg10 : memref<128x128xf32, #tpu.memory_space<vmem>>) target(%dma_start3A_495 : memref<10240x128xf32, #tpu.memory_space<vmem_shared>>) offsets(%dma_start3A_492 : memref<128xi32, #tpu.memory_space<vmem>>) semaphore(%run_scoped3A_489 : memref<!tpu.dma_semaphore, #tpu.memory_space<semaphore_mem>>) {add = true}
        %dma_wait3A_496 = arith.constant 0 : i32
        %dma_wait3A_497 = tpu.memref_slice %arg8[%run_scoped3A_45, %dma_wait3A_496] : memref<32x128xi32, #tpu.memory_space<vmem>> -> memref<1x128xi32, #tpu.memory_space<vmem>>
        %dma_wait3A_498 = tpu.memref_squeeze %dma_wait3A_497 : memref<1x128xi32, #tpu.memory_space<vmem>> -> memref<128xi32, #tpu.memory_space<vmem>>
        %dma_wait3A_499 = arith.constant 0 : i32
        %dma_wait3A_500 = arith.constant 0 : i32
        %dma_wait3A_501 = tpu.memref_slice %arg11[%dma_wait3A_499, %dma_wait3A_500] : memref<10240x128xf32, #tpu.memory_space<vmem_shared>> -> memref<10240x128xf32, #tpu.memory_space<vmem_shared>>
        tpu.wait_indirect_dma semaphore(%run_scoped3A_489 : memref<!tpu.dma_semaphore, #tpu.memory_space<semaphore_mem>>) src(%arg10 : memref<128x128xf32, #tpu.memory_space<vmem>>) dst(%dma_wait3A_501 : memref<10240x128xf32, #tpu.memory_space<vmem_shared>>)
        tpu.yield
      }) : () -> ()
      %dma_start3A_46 = arith.constant 3 : i32
      %dma_start3A_47 = arith.constant 0 : i32
      %dma_start3A_48 = tpu.memref_slice %arg7[%dma_start3A_46, %dma_start3A_47] : memref<32x128xi32, #tpu.memory_space<vmem>> -> memref<1x128xi32, #tpu.memory_space<vmem>>
      %dma_start3A_49 = tpu.memref_squeeze %dma_start3A_48 : memref<1x128xi32, #tpu.memory_space<vmem>> -> memref<128xi32, #tpu.memory_space<vmem>>
      %dma_start3A_50 = arith.constant 0 : i32
      %dma_start3A_51 = arith.constant 0 : i32
      %dma_start3A_52 = tpu.memref_slice %arg4[%dma_start3A_50, %dma_start3A_51] : memref<10000x128xf32, #tpu.memory_space<hbm>> -> memref<10000x128xf32, #tpu.memory_space<hbm>>
      tpu.enqueue_indirect_dma source(%dma_start3A_52 : memref<10000x128xf32, #tpu.memory_space<hbm>>) target(%arg10 : memref<128x128xf32, #tpu.memory_space<vmem>>) offsets(%dma_start3A_49 : memref<128xi32, #tpu.memory_space<vmem>>) semaphore(%arg13 : memref<!tpu.dma_semaphore, #tpu.memory_space<semaphore_mem>>)
      %dma_wait3A_53 = arith.constant 2 : i32
      %dma_wait3A_54 = arith.constant 0 : i32
      %dma_wait3A_55 = tpu.memref_slice %arg7[%dma_wait3A_53, %dma_wait3A_54] : memref<32x128xi32, #tpu.memory_space<vmem>> -> memref<1x128xi32, #tpu.memory_space<vmem>>
      %dma_wait3A_56 = tpu.memref_squeeze %dma_wait3A_55 : memref<1x128xi32, #tpu.memory_space<vmem>> -> memref<128xi32, #tpu.memory_space<vmem>>
      %dma_wait3A_57 = arith.constant 0 : i32
      %dma_wait3A_58 = arith.constant 0 : i32
      %dma_wait3A_59 = tpu.memref_slice %arg4[%dma_wait3A_57, %dma_wait3A_58] : memref<10000x128xf32, #tpu.memory_space<hbm>> -> memref<10000x128xf32, #tpu.memory_space<hbm>>
      tpu.wait_indirect_dma semaphore(%arg12 : memref<!tpu.dma_semaphore, #tpu.memory_space<semaphore_mem>>) src(%dma_wait3A_59 : memref<10000x128xf32, #tpu.memory_space<hbm>>) dst(%arg9 : memref<128x128xf32, #tpu.memory_space<vmem>>)
      %run_scoped3A_60 = arith.constant 2 : i32
      "tpu.region"() ({
        %run_scoped3A_489 = tpu.sem_alloc : memref<!tpu.dma_semaphore, #tpu.memory_space<semaphore_mem>>
        %dma_start3A_490 = arith.constant 0 : i32
        %dma_start3A_491 = tpu.memref_slice %arg8[%run_scoped3A_60, %dma_start3A_490] : memref<32x128xi32, #tpu.memory_space<vmem>> -> memref<1x128xi32, #tpu.memory_space<vmem>>
        %dma_start3A_492 = tpu.memref_squeeze %dma_start3A_491 : memref<1x128xi32, #tpu.memory_space<vmem>> -> memref<128xi32, #tpu.memory_space<vmem>>
        %dma_start3A_493 = arith.constant 0 : i32
        %dma_start3A_494 = arith.constant 0 : i32
        %dma_start3A_495 = tpu.memref_slice %arg11[%dma_start3A_493, %dma_start3A_494] : memref<10240x128xf32, #tpu.memory_space<vmem_shared>> -> memref<10240x128xf32, #tpu.memory_space<vmem_shared>>
        tpu.enqueue_indirect_dma source(%arg9 : memref<128x128xf32, #tpu.memory_space<vmem>>) target(%dma_start3A_495 : memref<10240x128xf32, #tpu.memory_space<vmem_shared>>) offsets(%dma_start3A_492 : memref<128xi32, #tpu.memory_space<vmem>>) semaphore(%run_scoped3A_489 : memref<!tpu.dma_semaphore, #tpu.memory_space<semaphore_mem>>) {add = true}
        %dma_wait3A_496 = arith.constant 0 : i32
        %dma_wait3A_497 = tpu.memref_slice %arg8[%run_scoped3A_60, %dma_wait3A_496] : memref<32x128xi32, #tpu.memory_space<vmem>> -> memref<1x128xi32, #tpu.memory_space<vmem>>
        %dma_wait3A_498 = tpu.memref_squeeze %dma_wait3A_497 : memref<1x128xi32, #tpu.memory_space<vmem>> -> memref<128xi32, #tpu.memory_space<vmem>>
        %dma_wait3A_499 = arith.constant 0 : i32
        %dma_wait3A_500 = arith.constant 0 : i32
        %dma_wait3A_501 = tpu.memref_slice %arg11[%dma_wait3A_499, %dma_wait3A_500] : memref<10240x128xf32, #tpu.memory_space<vmem_shared>> -> memref<10240x128xf32, #tpu.memory_space<vmem_shared>>
        tpu.wait_indirect_dma semaphore(%run_scoped3A_489 : memref<!tpu.dma_semaphore, #tpu.memory_space<semaphore_mem>>) src(%arg9 : memref<128x128xf32, #tpu.memory_space<vmem>>) dst(%dma_wait3A_501 : memref<10240x128xf32, #tpu.memory_space<vmem_shared>>)
        tpu.yield
      }) : () -> ()
      %dma_start3A_61 = arith.constant 4 : i32
      %dma_start3A_62 = arith.constant 0 : i32
      %dma_start3A_63 = tpu.memref_slice %arg7[%dma_start3A_61, %dma_start3A_62] : memref<32x128xi32, #tpu.memory_space<vmem>> -> memref<1x128xi32, #tpu.memory_space<vmem>>
      %dma_start3A_64 = tpu.memref_squeeze %dma_start3A_63 : memref<1x128xi32, #tpu.memory_space<vmem>> -> memref<128xi32, #tpu.memory_space<vmem>>
      %dma_start3A_65 = arith.constant 0 : i32
      %dma_start3A_66 = arith.constant 0 : i32
      %dma_start3A_67 = tpu.memref_slice %arg4[%dma_start3A_65, %dma_start3A_66] : memref<10000x128xf32, #tpu.memory_space<hbm>> -> memref<10000x128xf32, #tpu.memory_space<hbm>>
      tpu.enqueue_indirect_dma source(%dma_start3A_67 : memref<10000x128xf32, #tpu.memory_space<hbm>>) target(%arg9 : memref<128x128xf32, #tpu.memory_space<vmem>>) offsets(%dma_start3A_64 : memref<128xi32, #tpu.memory_space<vmem>>) semaphore(%arg12 : memref<!tpu.dma_semaphore, #tpu.memory_space<semaphore_mem>>)
      %dma_wait3A_68 = arith.constant 3 : i32
      %dma_wait3A_69 = arith.constant 0 : i32
      %dma_wait3A_70 = tpu.memref_slice %arg7[%dma_wait3A_68, %dma_wait3A_69] : memref<32x128xi32, #tpu.memory_space<vmem>> -> memref<1x128xi32, #tpu.memory_space<vmem>>
      %dma_wait3A_71 = tpu.memref_squeeze %dma_wait3A_70 : memref<1x128xi32, #tpu.memory_space<vmem>> -> memref<128xi32, #tpu.memory_space<vmem>>
      %dma_wait3A_72 = arith.constant 0 : i32
      %dma_wait3A_73 = arith.constant 0 : i32
      %dma_wait3A_74 = tpu.memref_slice %arg4[%dma_wait3A_72, %dma_wait3A_73] : memref<10000x128xf32, #tpu.memory_space<hbm>> -> memref<10000x128xf32, #tpu.memory_space<hbm>>
      tpu.wait_indirect_dma semaphore(%arg13 : memref<!tpu.dma_semaphore, #tpu.memory_space<semaphore_mem>>) src(%dma_wait3A_74 : memref<10000x128xf32, #tpu.memory_space<hbm>>) dst(%arg10 : memref<128x128xf32, #tpu.memory_space<vmem>>)
      %run_scoped3A_75 = arith.constant 3 : i32
      "tpu.region"() ({
        %run_scoped3A_489 = tpu.sem_alloc : memref<!tpu.dma_semaphore, #tpu.memory_space<semaphore_mem>>
        %dma_start3A_490 = arith.constant 0 : i32
        %dma_start3A_491 = tpu.memref_slice %arg8[%run_scoped3A_75, %dma_start3A_490] : memref<32x128xi32, #tpu.memory_space<vmem>> -> memref<1x128xi32, #tpu.memory_space<vmem>>
        %dma_start3A_492 = tpu.memref_squeeze %dma_start3A_491 : memref<1x128xi32, #tpu.memory_space<vmem>> -> memref<128xi32, #tpu.memory_space<vmem>>
        %dma_start3A_493 = arith.constant 0 : i32
        %dma_start3A_494 = arith.constant 0 : i32
        %dma_start3A_495 = tpu.memref_slice %arg11[%dma_start3A_493, %dma_start3A_494] : memref<10240x128xf32, #tpu.memory_space<vmem_shared>> -> memref<10240x128xf32, #tpu.memory_space<vmem_shared>>
        tpu.enqueue_indirect_dma source(%arg10 : memref<128x128xf32, #tpu.memory_space<vmem>>) target(%dma_start3A_495 : memref<10240x128xf32, #tpu.memory_space<vmem_shared>>) offsets(%dma_start3A_492 : memref<128xi32, #tpu.memory_space<vmem>>) semaphore(%run_scoped3A_489 : memref<!tpu.dma_semaphore, #tpu.memory_space<semaphore_mem>>) {add = true}
        %dma_wait3A_496 = arith.constant 0 : i32
        %dma_wait3A_497 = tpu.memref_slice %arg8[%run_scoped3A_75, %dma_wait3A_496] : memref<32x128xi32, #tpu.memory_space<vmem>> -> memref<1x128xi32, #tpu.memory_space<vmem>>
        %dma_wait3A_498 = tpu.memref_squeeze %dma_wait3A_497 : memref<1x128xi32, #tpu.memory_space<vmem>> -> memref<128xi32, #tpu.memory_space<vmem>>
        %dma_wait3A_499 = arith.constant 0 : i32
        %dma_wait3A_500 = arith.constant 0 : i32
        %dma_wait3A_501 = tpu.memref_slice %arg11[%dma_wait3A_499, %dma_wait3A_500] : memref<10240x128xf32, #tpu.memory_space<vmem_shared>> -> memref<10240x128xf32, #tpu.memory_space<vmem_shared>>
        tpu.wait_indirect_dma semaphore(%run_scoped3A_489 : memref<!tpu.dma_semaphore, #tpu.memory_space<semaphore_mem>>) src(%arg10 : memref<128x128xf32, #tpu.memory_space<vmem>>) dst(%dma_wait3A_501 : memref<10240x128xf32, #tpu.memory_space<vmem_shared>>)
        tpu.yield
      }) : () -> ()
      %dma_start3A_76 = arith.constant 5 : i32
      %dma_start3A_77 = arith.constant 0 : i32
      %dma_start3A_78 = tpu.memref_slice %arg7[%dma_start3A_76, %dma_start3A_77] : memref<32x128xi32, #tpu.memory_space<vmem>> -> memref<1x128xi32, #tpu.memory_space<vmem>>
      %dma_start3A_79 = tpu.memref_squeeze %dma_start3A_78 : memref<1x128xi32, #tpu.memory_space<vmem>> -> memref<128xi32, #tpu.memory_space<vmem>>
      %dma_start3A_80 = arith.constant 0 : i32
      %dma_start3A_81 = arith.constant 0 : i32
      %dma_start3A_82 = tpu.memref_slice %arg4[%dma_start3A_80, %dma_start3A_81] : memref<10000x128xf32, #tpu.memory_space<hbm>> -> memref<10000x128xf32, #tpu.memory_space<hbm>>
      tpu.enqueue_indirect_dma source(%dma_start3A_82 : memref<10000x128xf32, #tpu.memory_space<hbm>>) target(%arg10 : memref<128x128xf32, #tpu.memory_space<vmem>>) offsets(%dma_start3A_79 : memref<128xi32, #tpu.memory_space<vmem>>) semaphore(%arg13 : memref<!tpu.dma_semaphore, #tpu.memory_space<semaphore_mem>>)
      %dma_wait3A_83 = arith.constant 4 : i32
      %dma_wait3A_84 = arith.constant 0 : i32
      %dma_wait3A_85 = tpu.memref_slice %arg7[%dma_wait3A_83, %dma_wait3A_84] : memref<32x128xi32, #tpu.memory_space<vmem>> -> memref<1x128xi32, #tpu.memory_space<vmem>>
      %dma_wait3A_86 = tpu.memref_squeeze %dma_wait3A_85 : memref<1x128xi32, #tpu.memory_space<vmem>> -> memref<128xi32, #tpu.memory_space<vmem>>
      %dma_wait3A_87 = arith.constant 0 : i32
      %dma_wait3A_88 = arith.constant 0 : i32
      %dma_wait3A_89 = tpu.memref_slice %arg4[%dma_wait3A_87, %dma_wait3A_88] : memref<10000x128xf32, #tpu.memory_space<hbm>> -> memref<10000x128xf32, #tpu.memory_space<hbm>>
      tpu.wait_indirect_dma semaphore(%arg12 : memref<!tpu.dma_semaphore, #tpu.memory_space<semaphore_mem>>) src(%dma_wait3A_89 : memref<10000x128xf32, #tpu.memory_space<hbm>>) dst(%arg9 : memref<128x128xf32, #tpu.memory_space<vmem>>)
      %run_scoped3A_90 = arith.constant 4 : i32
      "tpu.region"() ({
        %run_scoped3A_489 = tpu.sem_alloc : memref<!tpu.dma_semaphore, #tpu.memory_space<semaphore_mem>>
        %dma_start3A_490 = arith.constant 0 : i32
        %dma_start3A_491 = tpu.memref_slice %arg8[%run_scoped3A_90, %dma_start3A_490] : memref<32x128xi32, #tpu.memory_space<vmem>> -> memref<1x128xi32, #tpu.memory_space<vmem>>
        %dma_start3A_492 = tpu.memref_squeeze %dma_start3A_491 : memref<1x128xi32, #tpu.memory_space<vmem>> -> memref<128xi32, #tpu.memory_space<vmem>>
        %dma_start3A_493 = arith.constant 0 : i32
        %dma_start3A_494 = arith.constant 0 : i32
        %dma_start3A_495 = tpu.memref_slice %arg11[%dma_start3A_493, %dma_start3A_494] : memref<10240x128xf32, #tpu.memory_space<vmem_shared>> -> memref<10240x128xf32, #tpu.memory_space<vmem_shared>>
        tpu.enqueue_indirect_dma source(%arg9 : memref<128x128xf32, #tpu.memory_space<vmem>>) target(%dma_start3A_495 : memref<10240x128xf32, #tpu.memory_space<vmem_shared>>) offsets(%dma_start3A_492 : memref<128xi32, #tpu.memory_space<vmem>>) semaphore(%run_scoped3A_489 : memref<!tpu.dma_semaphore, #tpu.memory_space<semaphore_mem>>) {add = true}
        %dma_wait3A_496 = arith.constant 0 : i32
        %dma_wait3A_497 = tpu.memref_slice %arg8[%run_scoped3A_90, %dma_wait3A_496] : memref<32x128xi32, #tpu.memory_space<vmem>> -> memref<1x128xi32, #tpu.memory_space<vmem>>
        %dma_wait3A_498 = tpu.memref_squeeze %dma_wait3A_497 : memref<1x128xi32, #tpu.memory_space<vmem>> -> memref<128xi32, #tpu.memory_space<vmem>>
        %dma_wait3A_499 = arith.constant 0 : i32
        %dma_wait3A_500 = arith.constant 0 : i32
        %dma_wait3A_501 = tpu.memref_slice %arg11[%dma_wait3A_499, %dma_wait3A_500] : memref<10240x128xf32, #tpu.memory_space<vmem_shared>> -> memref<10240x128xf32, #tpu.memory_space<vmem_shared>>
        tpu.wait_indirect_dma semaphore(%run_scoped3A_489 : memref<!tpu.dma_semaphore, #tpu.memory_space<semaphore_mem>>) src(%arg9 : memref<128x128xf32, #tpu.memory_space<vmem>>) dst(%dma_wait3A_501 : memref<10240x128xf32, #tpu.memory_space<vmem_shared>>)
        tpu.yield
      }) : () -> ()
      %dma_start3A_91 = arith.constant 6 : i32
      %dma_start3A_92 = arith.constant 0 : i32
      %dma_start3A_93 = tpu.memref_slice %arg7[%dma_start3A_91, %dma_start3A_92] : memref<32x128xi32, #tpu.memory_space<vmem>> -> memref<1x128xi32, #tpu.memory_space<vmem>>
      %dma_start3A_94 = tpu.memref_squeeze %dma_start3A_93 : memref<1x128xi32, #tpu.memory_space<vmem>> -> memref<128xi32, #tpu.memory_space<vmem>>
      %dma_start3A_95 = arith.constant 0 : i32
      %dma_start3A_96 = arith.constant 0 : i32
      %dma_start3A_97 = tpu.memref_slice %arg4[%dma_start3A_95, %dma_start3A_96] : memref<10000x128xf32, #tpu.memory_space<hbm>> -> memref<10000x128xf32, #tpu.memory_space<hbm>>
      tpu.enqueue_indirect_dma source(%dma_start3A_97 : memref<10000x128xf32, #tpu.memory_space<hbm>>) target(%arg9 : memref<128x128xf32, #tpu.memory_space<vmem>>) offsets(%dma_start3A_94 : memref<128xi32, #tpu.memory_space<vmem>>) semaphore(%arg12 : memref<!tpu.dma_semaphore, #tpu.memory_space<semaphore_mem>>)
      %dma_wait3A_98 = arith.constant 5 : i32
      %dma_wait3A_99 = arith.constant 0 : i32
      %dma_wait3A_100 = tpu.memref_slice %arg7[%dma_wait3A_98, %dma_wait3A_99] : memref<32x128xi32, #tpu.memory_space<vmem>> -> memref<1x128xi32, #tpu.memory_space<vmem>>
      %dma_wait3A_101 = tpu.memref_squeeze %dma_wait3A_100 : memref<1x128xi32, #tpu.memory_space<vmem>> -> memref<128xi32, #tpu.memory_space<vmem>>
      %dma_wait3A_102 = arith.constant 0 : i32
      %dma_wait3A_103 = arith.constant 0 : i32
      %dma_wait3A_104 = tpu.memref_slice %arg4[%dma_wait3A_102, %dma_wait3A_103] : memref<10000x128xf32, #tpu.memory_space<hbm>> -> memref<10000x128xf32, #tpu.memory_space<hbm>>
      tpu.wait_indirect_dma semaphore(%arg13 : memref<!tpu.dma_semaphore, #tpu.memory_space<semaphore_mem>>) src(%dma_wait3A_104 : memref<10000x128xf32, #tpu.memory_space<hbm>>) dst(%arg10 : memref<128x128xf32, #tpu.memory_space<vmem>>)
      %run_scoped3A_105 = arith.constant 5 : i32
      "tpu.region"() ({
        %run_scoped3A_489 = tpu.sem_alloc : memref<!tpu.dma_semaphore, #tpu.memory_space<semaphore_mem>>
        %dma_start3A_490 = arith.constant 0 : i32
        %dma_start3A_491 = tpu.memref_slice %arg8[%run_scoped3A_105, %dma_start3A_490] : memref<32x128xi32, #tpu.memory_space<vmem>> -> memref<1x128xi32, #tpu.memory_space<vmem>>
        %dma_start3A_492 = tpu.memref_squeeze %dma_start3A_491 : memref<1x128xi32, #tpu.memory_space<vmem>> -> memref<128xi32, #tpu.memory_space<vmem>>
        %dma_start3A_493 = arith.constant 0 : i32
        %dma_start3A_494 = arith.constant 0 : i32
        %dma_start3A_495 = tpu.memref_slice %arg11[%dma_start3A_493, %dma_start3A_494] : memref<10240x128xf32, #tpu.memory_space<vmem_shared>> -> memref<10240x128xf32, #tpu.memory_space<vmem_shared>>
        tpu.enqueue_indirect_dma source(%arg10 : memref<128x128xf32, #tpu.memory_space<vmem>>) target(%dma_start3A_495 : memref<10240x128xf32, #tpu.memory_space<vmem_shared>>) offsets(%dma_start3A_492 : memref<128xi32, #tpu.memory_space<vmem>>) semaphore(%run_scoped3A_489 : memref<!tpu.dma_semaphore, #tpu.memory_space<semaphore_mem>>) {add = true}
        %dma_wait3A_496 = arith.constant 0 : i32
        %dma_wait3A_497 = tpu.memref_slice %arg8[%run_scoped3A_105, %dma_wait3A_496] : memref<32x128xi32, #tpu.memory_space<vmem>> -> memref<1x128xi32, #tpu.memory_space<vmem>>
        %dma_wait3A_498 = tpu.memref_squeeze %dma_wait3A_497 : memref<1x128xi32, #tpu.memory_space<vmem>> -> memref<128xi32, #tpu.memory_space<vmem>>
        %dma_wait3A_499 = arith.constant 0 : i32
        %dma_wait3A_500 = arith.constant 0 : i32
        %dma_wait3A_501 = tpu.memref_slice %arg11[%dma_wait3A_499, %dma_wait3A_500] : memref<10240x128xf32, #tpu.memory_space<vmem_shared>> -> memref<10240x128xf32, #tpu.memory_space<vmem_shared>>
        tpu.wait_indirect_dma semaphore(%run_scoped3A_489 : memref<!tpu.dma_semaphore, #tpu.memory_space<semaphore_mem>>) src(%arg10 : memref<128x128xf32, #tpu.memory_space<vmem>>) dst(%dma_wait3A_501 : memref<10240x128xf32, #tpu.memory_space<vmem_shared>>)
        tpu.yield
      }) : () -> ()
      %dma_start3A_106 = arith.constant 7 : i32
      %dma_start3A_107 = arith.constant 0 : i32
      %dma_start3A_108 = tpu.memref_slice %arg7[%dma_start3A_106, %dma_start3A_107] : memref<32x128xi32, #tpu.memory_space<vmem>> -> memref<1x128xi32, #tpu.memory_space<vmem>>
      %dma_start3A_109 = tpu.memref_squeeze %dma_start3A_108 : memref<1x128xi32, #tpu.memory_space<vmem>> -> memref<128xi32, #tpu.memory_space<vmem>>
      %dma_start3A_110 = arith.constant 0 : i32
      %dma_start3A_111 = arith.constant 0 : i32
      %dma_start3A_112 = tpu.memref_slice %arg4[%dma_start3A_110, %dma_start3A_111] : memref<10000x128xf32, #tpu.memory_space<hbm>> -> memref<10000x128xf32, #tpu.memory_space<hbm>>
      tpu.enqueue_indirect_dma source(%dma_start3A_112 : memref<10000x128xf32, #tpu.memory_space<hbm>>) target(%arg10 : memref<128x128xf32, #tpu.memory_space<vmem>>) offsets(%dma_start3A_109 : memref<128xi32, #tpu.memory_space<vmem>>) semaphore(%arg13 : memref<!tpu.dma_semaphore, #tpu.memory_space<semaphore_mem>>)
      %dma_wait3A_113 = arith.constant 6 : i32
      %dma_wait3A_114 = arith.constant 0 : i32
      %dma_wait3A_115 = tpu.memref_slice %arg7[%dma_wait3A_113, %dma_wait3A_114] : memref<32x128xi32, #tpu.memory_space<vmem>> -> memref<1x128xi32, #tpu.memory_space<vmem>>
      %dma_wait3A_116 = tpu.memref_squeeze %dma_wait3A_115 : memref<1x128xi32, #tpu.memory_space<vmem>> -> memref<128xi32, #tpu.memory_space<vmem>>
      %dma_wait3A_117 = arith.constant 0 : i32
      %dma_wait3A_118 = arith.constant 0 : i32
      %dma_wait3A_119 = tpu.memref_slice %arg4[%dma_wait3A_117, %dma_wait3A_118] : memref<10000x128xf32, #tpu.memory_space<hbm>> -> memref<10000x128xf32, #tpu.memory_space<hbm>>
      tpu.wait_indirect_dma semaphore(%arg12 : memref<!tpu.dma_semaphore, #tpu.memory_space<semaphore_mem>>) src(%dma_wait3A_119 : memref<10000x128xf32, #tpu.memory_space<hbm>>) dst(%arg9 : memref<128x128xf32, #tpu.memory_space<vmem>>)
      %run_scoped3A_120 = arith.constant 6 : i32
      "tpu.region"() ({
        %run_scoped3A_489 = tpu.sem_alloc : memref<!tpu.dma_semaphore, #tpu.memory_space<semaphore_mem>>
        %dma_start3A_490 = arith.constant 0 : i32
        %dma_start3A_491 = tpu.memref_slice %arg8[%run_scoped3A_120, %dma_start3A_490] : memref<32x128xi32, #tpu.memory_space<vmem>> -> memref<1x128xi32, #tpu.memory_space<vmem>>
        %dma_start3A_492 = tpu.memref_squeeze %dma_start3A_491 : memref<1x128xi32, #tpu.memory_space<vmem>> -> memref<128xi32, #tpu.memory_space<vmem>>
        %dma_start3A_493 = arith.constant 0 : i32
        %dma_start3A_494 = arith.constant 0 : i32
        %dma_start3A_495 = tpu.memref_slice %arg11[%dma_start3A_493, %dma_start3A_494] : memref<10240x128xf32, #tpu.memory_space<vmem_shared>> -> memref<10240x128xf32, #tpu.memory_space<vmem_shared>>
        tpu.enqueue_indirect_dma source(%arg9 : memref<128x128xf32, #tpu.memory_space<vmem>>) target(%dma_start3A_495 : memref<10240x128xf32, #tpu.memory_space<vmem_shared>>) offsets(%dma_start3A_492 : memref<128xi32, #tpu.memory_space<vmem>>) semaphore(%run_scoped3A_489 : memref<!tpu.dma_semaphore, #tpu.memory_space<semaphore_mem>>) {add = true}
        %dma_wait3A_496 = arith.constant 0 : i32
        %dma_wait3A_497 = tpu.memref_slice %arg8[%run_scoped3A_120, %dma_wait3A_496] : memref<32x128xi32, #tpu.memory_space<vmem>> -> memref<1x128xi32, #tpu.memory_space<vmem>>
        %dma_wait3A_498 = tpu.memref_squeeze %dma_wait3A_497 : memref<1x128xi32, #tpu.memory_space<vmem>> -> memref<128xi32, #tpu.memory_space<vmem>>
        %dma_wait3A_499 = arith.constant 0 : i32
        %dma_wait3A_500 = arith.constant 0 : i32
        %dma_wait3A_501 = tpu.memref_slice %arg11[%dma_wait3A_499, %dma_wait3A_500] : memref<10240x128xf32, #tpu.memory_space<vmem_shared>> -> memref<10240x128xf32, #tpu.memory_space<vmem_shared>>
        tpu.wait_indirect_dma semaphore(%run_scoped3A_489 : memref<!tpu.dma_semaphore, #tpu.memory_space<semaphore_mem>>) src(%arg9 : memref<128x128xf32, #tpu.memory_space<vmem>>) dst(%dma_wait3A_501 : memref<10240x128xf32, #tpu.memory_space<vmem_shared>>)
        tpu.yield
      }) : () -> ()
      %dma_start3A_121 = arith.constant 8 : i32
      %dma_start3A_122 = arith.constant 0 : i32
      %dma_start3A_123 = tpu.memref_slice %arg7[%dma_start3A_121, %dma_start3A_122] : memref<32x128xi32, #tpu.memory_space<vmem>> -> memref<1x128xi32, #tpu.memory_space<vmem>>
      %dma_start3A_124 = tpu.memref_squeeze %dma_start3A_123 : memref<1x128xi32, #tpu.memory_space<vmem>> -> memref<128xi32, #tpu.memory_space<vmem>>
      %dma_start3A_125 = arith.constant 0 : i32
      %dma_start3A_126 = arith.constant 0 : i32
      %dma_start3A_127 = tpu.memref_slice %arg4[%dma_start3A_125, %dma_start3A_126] : memref<10000x128xf32, #tpu.memory_space<hbm>> -> memref<10000x128xf32, #tpu.memory_space<hbm>>
      tpu.enqueue_indirect_dma source(%dma_start3A_127 : memref<10000x128xf32, #tpu.memory_space<hbm>>) target(%arg9 : memref<128x128xf32, #tpu.memory_space<vmem>>) offsets(%dma_start3A_124 : memref<128xi32, #tpu.memory_space<vmem>>) semaphore(%arg12 : memref<!tpu.dma_semaphore, #tpu.memory_space<semaphore_mem>>)
      %dma_wait3A_128 = arith.constant 7 : i32
      %dma_wait3A_129 = arith.constant 0 : i32
      %dma_wait3A_130 = tpu.memref_slice %arg7[%dma_wait3A_128, %dma_wait3A_129] : memref<32x128xi32, #tpu.memory_space<vmem>> -> memref<1x128xi32, #tpu.memory_space<vmem>>
      %dma_wait3A_131 = tpu.memref_squeeze %dma_wait3A_130 : memref<1x128xi32, #tpu.memory_space<vmem>> -> memref<128xi32, #tpu.memory_space<vmem>>
      %dma_wait3A_132 = arith.constant 0 : i32
      %dma_wait3A_133 = arith.constant 0 : i32
      %dma_wait3A_134 = tpu.memref_slice %arg4[%dma_wait3A_132, %dma_wait3A_133] : memref<10000x128xf32, #tpu.memory_space<hbm>> -> memref<10000x128xf32, #tpu.memory_space<hbm>>
      tpu.wait_indirect_dma semaphore(%arg13 : memref<!tpu.dma_semaphore, #tpu.memory_space<semaphore_mem>>) src(%dma_wait3A_134 : memref<10000x128xf32, #tpu.memory_space<hbm>>) dst(%arg10 : memref<128x128xf32, #tpu.memory_space<vmem>>)
      %run_scoped3A_135 = arith.constant 7 : i32
      "tpu.region"() ({
        %run_scoped3A_489 = tpu.sem_alloc : memref<!tpu.dma_semaphore, #tpu.memory_space<semaphore_mem>>
        %dma_start3A_490 = arith.constant 0 : i32
        %dma_start3A_491 = tpu.memref_slice %arg8[%run_scoped3A_135, %dma_start3A_490] : memref<32x128xi32, #tpu.memory_space<vmem>> -> memref<1x128xi32, #tpu.memory_space<vmem>>
        %dma_start3A_492 = tpu.memref_squeeze %dma_start3A_491 : memref<1x128xi32, #tpu.memory_space<vmem>> -> memref<128xi32, #tpu.memory_space<vmem>>
        %dma_start3A_493 = arith.constant 0 : i32
        %dma_start3A_494 = arith.constant 0 : i32
        %dma_start3A_495 = tpu.memref_slice %arg11[%dma_start3A_493, %dma_start3A_494] : memref<10240x128xf32, #tpu.memory_space<vmem_shared>> -> memref<10240x128xf32, #tpu.memory_space<vmem_shared>>
        tpu.enqueue_indirect_dma source(%arg10 : memref<128x128xf32, #tpu.memory_space<vmem>>) target(%dma_start3A_495 : memref<10240x128xf32, #tpu.memory_space<vmem_shared>>) offsets(%dma_start3A_492 : memref<128xi32, #tpu.memory_space<vmem>>) semaphore(%run_scoped3A_489 : memref<!tpu.dma_semaphore, #tpu.memory_space<semaphore_mem>>) {add = true}
        %dma_wait3A_496 = arith.constant 0 : i32
        %dma_wait3A_497 = tpu.memref_slice %arg8[%run_scoped3A_135, %dma_wait3A_496] : memref<32x128xi32, #tpu.memory_space<vmem>> -> memref<1x128xi32, #tpu.memory_space<vmem>>
        %dma_wait3A_498 = tpu.memref_squeeze %dma_wait3A_497 : memref<1x128xi32, #tpu.memory_space<vmem>> -> memref<128xi32, #tpu.memory_space<vmem>>
        %dma_wait3A_499 = arith.constant 0 : i32
        %dma_wait3A_500 = arith.constant 0 : i32
        %dma_wait3A_501 = tpu.memref_slice %arg11[%dma_wait3A_499, %dma_wait3A_500] : memref<10240x128xf32, #tpu.memory_space<vmem_shared>> -> memref<10240x128xf32, #tpu.memory_space<vmem_shared>>
        tpu.wait_indirect_dma semaphore(%run_scoped3A_489 : memref<!tpu.dma_semaphore, #tpu.memory_space<semaphore_mem>>) src(%arg10 : memref<128x128xf32, #tpu.memory_space<vmem>>) dst(%dma_wait3A_501 : memref<10240x128xf32, #tpu.memory_space<vmem_shared>>)
        tpu.yield
      }) : () -> ()
      %dma_start3A_136 = arith.constant 9 : i32
      %dma_start3A_137 = arith.constant 0 : i32
      %dma_start3A_138 = tpu.memref_slice %arg7[%dma_start3A_136, %dma_start3A_137] : memref<32x128xi32, #tpu.memory_space<vmem>> -> memref<1x128xi32, #tpu.memory_space<vmem>>
      %dma_start3A_139 = tpu.memref_squeeze %dma_start3A_138 : memref<1x128xi32, #tpu.memory_space<vmem>> -> memref<128xi32, #tpu.memory_space<vmem>>
      %dma_start3A_140 = arith.constant 0 : i32
      %dma_start3A_141 = arith.constant 0 : i32
      %dma_start3A_142 = tpu.memref_slice %arg4[%dma_start3A_140, %dma_start3A_141] : memref<10000x128xf32, #tpu.memory_space<hbm>> -> memref<10000x128xf32, #tpu.memory_space<hbm>>
      tpu.enqueue_indirect_dma source(%dma_start3A_142 : memref<10000x128xf32, #tpu.memory_space<hbm>>) target(%arg10 : memref<128x128xf32, #tpu.memory_space<vmem>>) offsets(%dma_start3A_139 : memref<128xi32, #tpu.memory_space<vmem>>) semaphore(%arg13 : memref<!tpu.dma_semaphore, #tpu.memory_space<semaphore_mem>>)
      %dma_wait3A_143 = arith.constant 8 : i32
      %dma_wait3A_144 = arith.constant 0 : i32
      %dma_wait3A_145 = tpu.memref_slice %arg7[%dma_wait3A_143, %dma_wait3A_144] : memref<32x128xi32, #tpu.memory_space<vmem>> -> memref<1x128xi32, #tpu.memory_space<vmem>>
      %dma_wait3A_146 = tpu.memref_squeeze %dma_wait3A_145 : memref<1x128xi32, #tpu.memory_space<vmem>> -> memref<128xi32, #tpu.memory_space<vmem>>
      %dma_wait3A_147 = arith.constant 0 : i32
      %dma_wait3A_148 = arith.constant 0 : i32
      %dma_wait3A_149 = tpu.memref_slice %arg4[%dma_wait3A_147, %dma_wait3A_148] : memref<10000x128xf32, #tpu.memory_space<hbm>> -> memref<10000x128xf32, #tpu.memory_space<hbm>>
      tpu.wait_indirect_dma semaphore(%arg12 : memref<!tpu.dma_semaphore, #tpu.memory_space<semaphore_mem>>) src(%dma_wait3A_149 : memref<10000x128xf32, #tpu.memory_space<hbm>>) dst(%arg9 : memref<128x128xf32, #tpu.memory_space<vmem>>)
      %run_scoped3A_150 = arith.constant 8 : i32
      "tpu.region"() ({
        %run_scoped3A_489 = tpu.sem_alloc : memref<!tpu.dma_semaphore, #tpu.memory_space<semaphore_mem>>
        %dma_start3A_490 = arith.constant 0 : i32
        %dma_start3A_491 = tpu.memref_slice %arg8[%run_scoped3A_150, %dma_start3A_490] : memref<32x128xi32, #tpu.memory_space<vmem>> -> memref<1x128xi32, #tpu.memory_space<vmem>>
        %dma_start3A_492 = tpu.memref_squeeze %dma_start3A_491 : memref<1x128xi32, #tpu.memory_space<vmem>> -> memref<128xi32, #tpu.memory_space<vmem>>
        %dma_start3A_493 = arith.constant 0 : i32
        %dma_start3A_494 = arith.constant 0 : i32
        %dma_start3A_495 = tpu.memref_slice %arg11[%dma_start3A_493, %dma_start3A_494] : memref<10240x128xf32, #tpu.memory_space<vmem_shared>> -> memref<10240x128xf32, #tpu.memory_space<vmem_shared>>
        tpu.enqueue_indirect_dma source(%arg9 : memref<128x128xf32, #tpu.memory_space<vmem>>) target(%dma_start3A_495 : memref<10240x128xf32, #tpu.memory_space<vmem_shared>>) offsets(%dma_start3A_492 : memref<128xi32, #tpu.memory_space<vmem>>) semaphore(%run_scoped3A_489 : memref<!tpu.dma_semaphore, #tpu.memory_space<semaphore_mem>>) {add = true}
        %dma_wait3A_496 = arith.constant 0 : i32
        %dma_wait3A_497 = tpu.memref_slice %arg8[%run_scoped3A_150, %dma_wait3A_496] : memref<32x128xi32, #tpu.memory_space<vmem>> -> memref<1x128xi32, #tpu.memory_space<vmem>>
        %dma_wait3A_498 = tpu.memref_squeeze %dma_wait3A_497 : memref<1x128xi32, #tpu.memory_space<vmem>> -> memref<128xi32, #tpu.memory_space<vmem>>
        %dma_wait3A_499 = arith.constant 0 : i32
        %dma_wait3A_500 = arith.constant 0 : i32
        %dma_wait3A_501 = tpu.memref_slice %arg11[%dma_wait3A_499, %dma_wait3A_500] : memref<10240x128xf32, #tpu.memory_space<vmem_shared>> -> memref<10240x128xf32, #tpu.memory_space<vmem_shared>>
        tpu.wait_indirect_dma semaphore(%run_scoped3A_489 : memref<!tpu.dma_semaphore, #tpu.memory_space<semaphore_mem>>) src(%arg9 : memref<128x128xf32, #tpu.memory_space<vmem>>) dst(%dma_wait3A_501 : memref<10240x128xf32, #tpu.memory_space<vmem_shared>>)
        tpu.yield
      }) : () -> ()
      %dma_start3A_151 = arith.constant 10 : i32
      %dma_start3A_152 = arith.constant 0 : i32
      %dma_start3A_153 = tpu.memref_slice %arg7[%dma_start3A_151, %dma_start3A_152] : memref<32x128xi32, #tpu.memory_space<vmem>> -> memref<1x128xi32, #tpu.memory_space<vmem>>
      %dma_start3A_154 = tpu.memref_squeeze %dma_start3A_153 : memref<1x128xi32, #tpu.memory_space<vmem>> -> memref<128xi32, #tpu.memory_space<vmem>>
      %dma_start3A_155 = arith.constant 0 : i32
      %dma_start3A_156 = arith.constant 0 : i32
      %dma_start3A_157 = tpu.memref_slice %arg4[%dma_start3A_155, %dma_start3A_156] : memref<10000x128xf32, #tpu.memory_space<hbm>> -> memref<10000x128xf32, #tpu.memory_space<hbm>>
      tpu.enqueue_indirect_dma source(%dma_start3A_157 : memref<10000x128xf32, #tpu.memory_space<hbm>>) target(%arg9 : memref<128x128xf32, #tpu.memory_space<vmem>>) offsets(%dma_start3A_154 : memref<128xi32, #tpu.memory_space<vmem>>) semaphore(%arg12 : memref<!tpu.dma_semaphore, #tpu.memory_space<semaphore_mem>>)
      %dma_wait3A_158 = arith.constant 9 : i32
      %dma_wait3A_159 = arith.constant 0 : i32
      %dma_wait3A_160 = tpu.memref_slice %arg7[%dma_wait3A_158, %dma_wait3A_159] : memref<32x128xi32, #tpu.memory_space<vmem>> -> memref<1x128xi32, #tpu.memory_space<vmem>>
      %dma_wait3A_161 = tpu.memref_squeeze %dma_wait3A_160 : memref<1x128xi32, #tpu.memory_space<vmem>> -> memref<128xi32, #tpu.memory_space<vmem>>
      %dma_wait3A_162 = arith.constant 0 : i32
      %dma_wait3A_163 = arith.constant 0 : i32
      %dma_wait3A_164 = tpu.memref_slice %arg4[%dma_wait3A_162, %dma_wait3A_163] : memref<10000x128xf32, #tpu.memory_space<hbm>> -> memref<10000x128xf32, #tpu.memory_space<hbm>>
      tpu.wait_indirect_dma semaphore(%arg13 : memref<!tpu.dma_semaphore, #tpu.memory_space<semaphore_mem>>) src(%dma_wait3A_164 : memref<10000x128xf32, #tpu.memory_space<hbm>>) dst(%arg10 : memref<128x128xf32, #tpu.memory_space<vmem>>)
      %run_scoped3A_165 = arith.constant 9 : i32
      "tpu.region"() ({
        %run_scoped3A_489 = tpu.sem_alloc : memref<!tpu.dma_semaphore, #tpu.memory_space<semaphore_mem>>
        %dma_start3A_490 = arith.constant 0 : i32
        %dma_start3A_491 = tpu.memref_slice %arg8[%run_scoped3A_165, %dma_start3A_490] : memref<32x128xi32, #tpu.memory_space<vmem>> -> memref<1x128xi32, #tpu.memory_space<vmem>>
        %dma_start3A_492 = tpu.memref_squeeze %dma_start3A_491 : memref<1x128xi32, #tpu.memory_space<vmem>> -> memref<128xi32, #tpu.memory_space<vmem>>
        %dma_start3A_493 = arith.constant 0 : i32
        %dma_start3A_494 = arith.constant 0 : i32
        %dma_start3A_495 = tpu.memref_slice %arg11[%dma_start3A_493, %dma_start3A_494] : memref<10240x128xf32, #tpu.memory_space<vmem_shared>> -> memref<10240x128xf32, #tpu.memory_space<vmem_shared>>
        tpu.enqueue_indirect_dma source(%arg10 : memref<128x128xf32, #tpu.memory_space<vmem>>) target(%dma_start3A_495 : memref<10240x128xf32, #tpu.memory_space<vmem_shared>>) offsets(%dma_start3A_492 : memref<128xi32, #tpu.memory_space<vmem>>) semaphore(%run_scoped3A_489 : memref<!tpu.dma_semaphore, #tpu.memory_space<semaphore_mem>>) {add = true}
        %dma_wait3A_496 = arith.constant 0 : i32
        %dma_wait3A_497 = tpu.memref_slice %arg8[%run_scoped3A_165, %dma_wait3A_496] : memref<32x128xi32, #tpu.memory_space<vmem>> -> memref<1x128xi32, #tpu.memory_space<vmem>>
        %dma_wait3A_498 = tpu.memref_squeeze %dma_wait3A_497 : memref<1x128xi32, #tpu.memory_space<vmem>> -> memref<128xi32, #tpu.memory_space<vmem>>
        %dma_wait3A_499 = arith.constant 0 : i32
        %dma_wait3A_500 = arith.constant 0 : i32
        %dma_wait3A_501 = tpu.memref_slice %arg11[%dma_wait3A_499, %dma_wait3A_500] : memref<10240x128xf32, #tpu.memory_space<vmem_shared>> -> memref<10240x128xf32, #tpu.memory_space<vmem_shared>>
        tpu.wait_indirect_dma semaphore(%run_scoped3A_489 : memref<!tpu.dma_semaphore, #tpu.memory_space<semaphore_mem>>) src(%arg10 : memref<128x128xf32, #tpu.memory_space<vmem>>) dst(%dma_wait3A_501 : memref<10240x128xf32, #tpu.memory_space<vmem_shared>>)
        tpu.yield
      }) : () -> ()
      %dma_start3A_166 = arith.constant 11 : i32
      %dma_start3A_167 = arith.constant 0 : i32
      %dma_start3A_168 = tpu.memref_slice %arg7[%dma_start3A_166, %dma_start3A_167] : memref<32x128xi32, #tpu.memory_space<vmem>> -> memref<1x128xi32, #tpu.memory_space<vmem>>
      %dma_start3A_169 = tpu.memref_squeeze %dma_start3A_168 : memref<1x128xi32, #tpu.memory_space<vmem>> -> memref<128xi32, #tpu.memory_space<vmem>>
      %dma_start3A_170 = arith.constant 0 : i32
      %dma_start3A_171 = arith.constant 0 : i32
      %dma_start3A_172 = tpu.memref_slice %arg4[%dma_start3A_170, %dma_start3A_171] : memref<10000x128xf32, #tpu.memory_space<hbm>> -> memref<10000x128xf32, #tpu.memory_space<hbm>>
      tpu.enqueue_indirect_dma source(%dma_start3A_172 : memref<10000x128xf32, #tpu.memory_space<hbm>>) target(%arg10 : memref<128x128xf32, #tpu.memory_space<vmem>>) offsets(%dma_start3A_169 : memref<128xi32, #tpu.memory_space<vmem>>) semaphore(%arg13 : memref<!tpu.dma_semaphore, #tpu.memory_space<semaphore_mem>>)
      %dma_wait3A_173 = arith.constant 10 : i32
      %dma_wait3A_174 = arith.constant 0 : i32
      %dma_wait3A_175 = tpu.memref_slice %arg7[%dma_wait3A_173, %dma_wait3A_174] : memref<32x128xi32, #tpu.memory_space<vmem>> -> memref<1x128xi32, #tpu.memory_space<vmem>>
      %dma_wait3A_176 = tpu.memref_squeeze %dma_wait3A_175 : memref<1x128xi32, #tpu.memory_space<vmem>> -> memref<128xi32, #tpu.memory_space<vmem>>
      %dma_wait3A_177 = arith.constant 0 : i32
      %dma_wait3A_178 = arith.constant 0 : i32
      %dma_wait3A_179 = tpu.memref_slice %arg4[%dma_wait3A_177, %dma_wait3A_178] : memref<10000x128xf32, #tpu.memory_space<hbm>> -> memref<10000x128xf32, #tpu.memory_space<hbm>>
      tpu.wait_indirect_dma semaphore(%arg12 : memref<!tpu.dma_semaphore, #tpu.memory_space<semaphore_mem>>) src(%dma_wait3A_179 : memref<10000x128xf32, #tpu.memory_space<hbm>>) dst(%arg9 : memref<128x128xf32, #tpu.memory_space<vmem>>)
      %run_scoped3A_180 = arith.constant 10 : i32
      "tpu.region"() ({
        %run_scoped3A_489 = tpu.sem_alloc : memref<!tpu.dma_semaphore, #tpu.memory_space<semaphore_mem>>
        %dma_start3A_490 = arith.constant 0 : i32
        %dma_start3A_491 = tpu.memref_slice %arg8[%run_scoped3A_180, %dma_start3A_490] : memref<32x128xi32, #tpu.memory_space<vmem>> -> memref<1x128xi32, #tpu.memory_space<vmem>>
        %dma_start3A_492 = tpu.memref_squeeze %dma_start3A_491 : memref<1x128xi32, #tpu.memory_space<vmem>> -> memref<128xi32, #tpu.memory_space<vmem>>
        %dma_start3A_493 = arith.constant 0 : i32
        %dma_start3A_494 = arith.constant 0 : i32
        %dma_start3A_495 = tpu.memref_slice %arg11[%dma_start3A_493, %dma_start3A_494] : memref<10240x128xf32, #tpu.memory_space<vmem_shared>> -> memref<10240x128xf32, #tpu.memory_space<vmem_shared>>
        tpu.enqueue_indirect_dma source(%arg9 : memref<128x128xf32, #tpu.memory_space<vmem>>) target(%dma_start3A_495 : memref<10240x128xf32, #tpu.memory_space<vmem_shared>>) offsets(%dma_start3A_492 : memref<128xi32, #tpu.memory_space<vmem>>) semaphore(%run_scoped3A_489 : memref<!tpu.dma_semaphore, #tpu.memory_space<semaphore_mem>>) {add = true}
        %dma_wait3A_496 = arith.constant 0 : i32
        %dma_wait3A_497 = tpu.memref_slice %arg8[%run_scoped3A_180, %dma_wait3A_496] : memref<32x128xi32, #tpu.memory_space<vmem>> -> memref<1x128xi32, #tpu.memory_space<vmem>>
        %dma_wait3A_498 = tpu.memref_squeeze %dma_wait3A_497 : memref<1x128xi32, #tpu.memory_space<vmem>> -> memref<128xi32, #tpu.memory_space<vmem>>
        %dma_wait3A_499 = arith.constant 0 : i32
        %dma_wait3A_500 = arith.constant 0 : i32
        %dma_wait3A_501 = tpu.memref_slice %arg11[%dma_wait3A_499, %dma_wait3A_500] : memref<10240x128xf32, #tpu.memory_space<vmem_shared>> -> memref<10240x128xf32, #tpu.memory_space<vmem_shared>>
        tpu.wait_indirect_dma semaphore(%run_scoped3A_489 : memref<!tpu.dma_semaphore, #tpu.memory_space<semaphore_mem>>) src(%arg9 : memref<128x128xf32, #tpu.memory_space<vmem>>) dst(%dma_wait3A_501 : memref<10240x128xf32, #tpu.memory_space<vmem_shared>>)
        tpu.yield
      }) : () -> ()
      %dma_start3A_181 = arith.constant 12 : i32
      %dma_start3A_182 = arith.constant 0 : i32
      %dma_start3A_183 = tpu.memref_slice %arg7[%dma_start3A_181, %dma_start3A_182] : memref<32x128xi32, #tpu.memory_space<vmem>> -> memref<1x128xi32, #tpu.memory_space<vmem>>
      %dma_start3A_184 = tpu.memref_squeeze %dma_start3A_183 : memref<1x128xi32, #tpu.memory_space<vmem>> -> memref<128xi32, #tpu.memory_space<vmem>>
      %dma_start3A_185 = arith.constant 0 : i32
      %dma_start3A_186 = arith.constant 0 : i32
      %dma_start3A_187 = tpu.memref_slice %arg4[%dma_start3A_185, %dma_start3A_186] : memref<10000x128xf32, #tpu.memory_space<hbm>> -> memref<10000x128xf32, #tpu.memory_space<hbm>>
      tpu.enqueue_indirect_dma source(%dma_start3A_187 : memref<10000x128xf32, #tpu.memory_space<hbm>>) target(%arg9 : memref<128x128xf32, #tpu.memory_space<vmem>>) offsets(%dma_start3A_184 : memref<128xi32, #tpu.memory_space<vmem>>) semaphore(%arg12 : memref<!tpu.dma_semaphore, #tpu.memory_space<semaphore_mem>>)
      %dma_wait3A_188 = arith.constant 11 : i32
      %dma_wait3A_189 = arith.constant 0 : i32
      %dma_wait3A_190 = tpu.memref_slice %arg7[%dma_wait3A_188, %dma_wait3A_189] : memref<32x128xi32, #tpu.memory_space<vmem>> -> memref<1x128xi32, #tpu.memory_space<vmem>>
      %dma_wait3A_191 = tpu.memref_squeeze %dma_wait3A_190 : memref<1x128xi32, #tpu.memory_space<vmem>> -> memref<128xi32, #tpu.memory_space<vmem>>
      %dma_wait3A_192 = arith.constant 0 : i32
      %dma_wait3A_193 = arith.constant 0 : i32
      %dma_wait3A_194 = tpu.memref_slice %arg4[%dma_wait3A_192, %dma_wait3A_193] : memref<10000x128xf32, #tpu.memory_space<hbm>> -> memref<10000x128xf32, #tpu.memory_space<hbm>>
      tpu.wait_indirect_dma semaphore(%arg13 : memref<!tpu.dma_semaphore, #tpu.memory_space<semaphore_mem>>) src(%dma_wait3A_194 : memref<10000x128xf32, #tpu.memory_space<hbm>>) dst(%arg10 : memref<128x128xf32, #tpu.memory_space<vmem>>)
      %run_scoped3A_195 = arith.constant 11 : i32
      "tpu.region"() ({
        %run_scoped3A_489 = tpu.sem_alloc : memref<!tpu.dma_semaphore, #tpu.memory_space<semaphore_mem>>
        %dma_start3A_490 = arith.constant 0 : i32
        %dma_start3A_491 = tpu.memref_slice %arg8[%run_scoped3A_195, %dma_start3A_490] : memref<32x128xi32, #tpu.memory_space<vmem>> -> memref<1x128xi32, #tpu.memory_space<vmem>>
        %dma_start3A_492 = tpu.memref_squeeze %dma_start3A_491 : memref<1x128xi32, #tpu.memory_space<vmem>> -> memref<128xi32, #tpu.memory_space<vmem>>
        %dma_start3A_493 = arith.constant 0 : i32
        %dma_start3A_494 = arith.constant 0 : i32
        %dma_start3A_495 = tpu.memref_slice %arg11[%dma_start3A_493, %dma_start3A_494] : memref<10240x128xf32, #tpu.memory_space<vmem_shared>> -> memref<10240x128xf32, #tpu.memory_space<vmem_shared>>
        tpu.enqueue_indirect_dma source(%arg10 : memref<128x128xf32, #tpu.memory_space<vmem>>) target(%dma_start3A_495 : memref<10240x128xf32, #tpu.memory_space<vmem_shared>>) offsets(%dma_start3A_492 : memref<128xi32, #tpu.memory_space<vmem>>) semaphore(%run_scoped3A_489 : memref<!tpu.dma_semaphore, #tpu.memory_space<semaphore_mem>>) {add = true}
        %dma_wait3A_496 = arith.constant 0 : i32
        %dma_wait3A_497 = tpu.memref_slice %arg8[%run_scoped3A_195, %dma_wait3A_496] : memref<32x128xi32, #tpu.memory_space<vmem>> -> memref<1x128xi32, #tpu.memory_space<vmem>>
        %dma_wait3A_498 = tpu.memref_squeeze %dma_wait3A_497 : memref<1x128xi32, #tpu.memory_space<vmem>> -> memref<128xi32, #tpu.memory_space<vmem>>
        %dma_wait3A_499 = arith.constant 0 : i32
        %dma_wait3A_500 = arith.constant 0 : i32
        %dma_wait3A_501 = tpu.memref_slice %arg11[%dma_wait3A_499, %dma_wait3A_500] : memref<10240x128xf32, #tpu.memory_space<vmem_shared>> -> memref<10240x128xf32, #tpu.memory_space<vmem_shared>>
        tpu.wait_indirect_dma semaphore(%run_scoped3A_489 : memref<!tpu.dma_semaphore, #tpu.memory_space<semaphore_mem>>) src(%arg10 : memref<128x128xf32, #tpu.memory_space<vmem>>) dst(%dma_wait3A_501 : memref<10240x128xf32, #tpu.memory_space<vmem_shared>>)
        tpu.yield
      }) : () -> ()
      %dma_start3A_196 = arith.constant 13 : i32
      %dma_start3A_197 = arith.constant 0 : i32
      %dma_start3A_198 = tpu.memref_slice %arg7[%dma_start3A_196, %dma_start3A_197] : memref<32x128xi32, #tpu.memory_space<vmem>> -> memref<1x128xi32, #tpu.memory_space<vmem>>
      %dma_start3A_199 = tpu.memref_squeeze %dma_start3A_198 : memref<1x128xi32, #tpu.memory_space<vmem>> -> memref<128xi32, #tpu.memory_space<vmem>>
      %dma_start3A_200 = arith.constant 0 : i32
      %dma_start3A_201 = arith.constant 0 : i32
      %dma_start3A_202 = tpu.memref_slice %arg4[%dma_start3A_200, %dma_start3A_201] : memref<10000x128xf32, #tpu.memory_space<hbm>> -> memref<10000x128xf32, #tpu.memory_space<hbm>>
      tpu.enqueue_indirect_dma source(%dma_start3A_202 : memref<10000x128xf32, #tpu.memory_space<hbm>>) target(%arg10 : memref<128x128xf32, #tpu.memory_space<vmem>>) offsets(%dma_start3A_199 : memref<128xi32, #tpu.memory_space<vmem>>) semaphore(%arg13 : memref<!tpu.dma_semaphore, #tpu.memory_space<semaphore_mem>>)
      %dma_wait3A_203 = arith.constant 12 : i32
      %dma_wait3A_204 = arith.constant 0 : i32
      %dma_wait3A_205 = tpu.memref_slice %arg7[%dma_wait3A_203, %dma_wait3A_204] : memref<32x128xi32, #tpu.memory_space<vmem>> -> memref<1x128xi32, #tpu.memory_space<vmem>>
      %dma_wait3A_206 = tpu.memref_squeeze %dma_wait3A_205 : memref<1x128xi32, #tpu.memory_space<vmem>> -> memref<128xi32, #tpu.memory_space<vmem>>
      %dma_wait3A_207 = arith.constant 0 : i32
      %dma_wait3A_208 = arith.constant 0 : i32
      %dma_wait3A_209 = tpu.memref_slice %arg4[%dma_wait3A_207, %dma_wait3A_208] : memref<10000x128xf32, #tpu.memory_space<hbm>> -> memref<10000x128xf32, #tpu.memory_space<hbm>>
      tpu.wait_indirect_dma semaphore(%arg12 : memref<!tpu.dma_semaphore, #tpu.memory_space<semaphore_mem>>) src(%dma_wait3A_209 : memref<10000x128xf32, #tpu.memory_space<hbm>>) dst(%arg9 : memref<128x128xf32, #tpu.memory_space<vmem>>)
      %run_scoped3A_210 = arith.constant 12 : i32
      "tpu.region"() ({
        %run_scoped3A_489 = tpu.sem_alloc : memref<!tpu.dma_semaphore, #tpu.memory_space<semaphore_mem>>
        %dma_start3A_490 = arith.constant 0 : i32
        %dma_start3A_491 = tpu.memref_slice %arg8[%run_scoped3A_210, %dma_start3A_490] : memref<32x128xi32, #tpu.memory_space<vmem>> -> memref<1x128xi32, #tpu.memory_space<vmem>>
        %dma_start3A_492 = tpu.memref_squeeze %dma_start3A_491 : memref<1x128xi32, #tpu.memory_space<vmem>> -> memref<128xi32, #tpu.memory_space<vmem>>
        %dma_start3A_493 = arith.constant 0 : i32
        %dma_start3A_494 = arith.constant 0 : i32
        %dma_start3A_495 = tpu.memref_slice %arg11[%dma_start3A_493, %dma_start3A_494] : memref<10240x128xf32, #tpu.memory_space<vmem_shared>> -> memref<10240x128xf32, #tpu.memory_space<vmem_shared>>
        tpu.enqueue_indirect_dma source(%arg9 : memref<128x128xf32, #tpu.memory_space<vmem>>) target(%dma_start3A_495 : memref<10240x128xf32, #tpu.memory_space<vmem_shared>>) offsets(%dma_start3A_492 : memref<128xi32, #tpu.memory_space<vmem>>) semaphore(%run_scoped3A_489 : memref<!tpu.dma_semaphore, #tpu.memory_space<semaphore_mem>>) {add = true}
        %dma_wait3A_496 = arith.constant 0 : i32
        %dma_wait3A_497 = tpu.memref_slice %arg8[%run_scoped3A_210, %dma_wait3A_496] : memref<32x128xi32, #tpu.memory_space<vmem>> -> memref<1x128xi32, #tpu.memory_space<vmem>>
        %dma_wait3A_498 = tpu.memref_squeeze %dma_wait3A_497 : memref<1x128xi32, #tpu.memory_space<vmem>> -> memref<128xi32, #tpu.memory_space<vmem>>
        %dma_wait3A_499 = arith.constant 0 : i32
        %dma_wait3A_500 = arith.constant 0 : i32
        %dma_wait3A_501 = tpu.memref_slice %arg11[%dma_wait3A_499, %dma_wait3A_500] : memref<10240x128xf32, #tpu.memory_space<vmem_shared>> -> memref<10240x128xf32, #tpu.memory_space<vmem_shared>>
        tpu.wait_indirect_dma semaphore(%run_scoped3A_489 : memref<!tpu.dma_semaphore, #tpu.memory_space<semaphore_mem>>) src(%arg9 : memref<128x128xf32, #tpu.memory_space<vmem>>) dst(%dma_wait3A_501 : memref<10240x128xf32, #tpu.memory_space<vmem_shared>>)
        tpu.yield
      }) : () -> ()
      %dma_start3A_211 = arith.constant 14 : i32
      %dma_start3A_212 = arith.constant 0 : i32
      %dma_start3A_213 = tpu.memref_slice %arg7[%dma_start3A_211, %dma_start3A_212] : memref<32x128xi32, #tpu.memory_space<vmem>> -> memref<1x128xi32, #tpu.memory_space<vmem>>
      %dma_start3A_214 = tpu.memref_squeeze %dma_start3A_213 : memref<1x128xi32, #tpu.memory_space<vmem>> -> memref<128xi32, #tpu.memory_space<vmem>>
      %dma_start3A_215 = arith.constant 0 : i32
      %dma_start3A_216 = arith.constant 0 : i32
      %dma_start3A_217 = tpu.memref_slice %arg4[%dma_start3A_215, %dma_start3A_216] : memref<10000x128xf32, #tpu.memory_space<hbm>> -> memref<10000x128xf32, #tpu.memory_space<hbm>>
      tpu.enqueue_indirect_dma source(%dma_start3A_217 : memref<10000x128xf32, #tpu.memory_space<hbm>>) target(%arg9 : memref<128x128xf32, #tpu.memory_space<vmem>>) offsets(%dma_start3A_214 : memref<128xi32, #tpu.memory_space<vmem>>) semaphore(%arg12 : memref<!tpu.dma_semaphore, #tpu.memory_space<semaphore_mem>>)
      %dma_wait3A_218 = arith.constant 13 : i32
      %dma_wait3A_219 = arith.constant 0 : i32
      %dma_wait3A_220 = tpu.memref_slice %arg7[%dma_wait3A_218, %dma_wait3A_219] : memref<32x128xi32, #tpu.memory_space<vmem>> -> memref<1x128xi32, #tpu.memory_space<vmem>>
      %dma_wait3A_221 = tpu.memref_squeeze %dma_wait3A_220 : memref<1x128xi32, #tpu.memory_space<vmem>> -> memref<128xi32, #tpu.memory_space<vmem>>
      %dma_wait3A_222 = arith.constant 0 : i32
      %dma_wait3A_223 = arith.constant 0 : i32
      %dma_wait3A_224 = tpu.memref_slice %arg4[%dma_wait3A_222, %dma_wait3A_223] : memref<10000x128xf32, #tpu.memory_space<hbm>> -> memref<10000x128xf32, #tpu.memory_space<hbm>>
      tpu.wait_indirect_dma semaphore(%arg13 : memref<!tpu.dma_semaphore, #tpu.memory_space<semaphore_mem>>) src(%dma_wait3A_224 : memref<10000x128xf32, #tpu.memory_space<hbm>>) dst(%arg10 : memref<128x128xf32, #tpu.memory_space<vmem>>)
      %run_scoped3A_225 = arith.constant 13 : i32
      "tpu.region"() ({
        %run_scoped3A_489 = tpu.sem_alloc : memref<!tpu.dma_semaphore, #tpu.memory_space<semaphore_mem>>
        %dma_start3A_490 = arith.constant 0 : i32
        %dma_start3A_491 = tpu.memref_slice %arg8[%run_scoped3A_225, %dma_start3A_490] : memref<32x128xi32, #tpu.memory_space<vmem>> -> memref<1x128xi32, #tpu.memory_space<vmem>>
        %dma_start3A_492 = tpu.memref_squeeze %dma_start3A_491 : memref<1x128xi32, #tpu.memory_space<vmem>> -> memref<128xi32, #tpu.memory_space<vmem>>
        %dma_start3A_493 = arith.constant 0 : i32
        %dma_start3A_494 = arith.constant 0 : i32
        %dma_start3A_495 = tpu.memref_slice %arg11[%dma_start3A_493, %dma_start3A_494] : memref<10240x128xf32, #tpu.memory_space<vmem_shared>> -> memref<10240x128xf32, #tpu.memory_space<vmem_shared>>
        tpu.enqueue_indirect_dma source(%arg10 : memref<128x128xf32, #tpu.memory_space<vmem>>) target(%dma_start3A_495 : memref<10240x128xf32, #tpu.memory_space<vmem_shared>>) offsets(%dma_start3A_492 : memref<128xi32, #tpu.memory_space<vmem>>) semaphore(%run_scoped3A_489 : memref<!tpu.dma_semaphore, #tpu.memory_space<semaphore_mem>>) {add = true}
        %dma_wait3A_496 = arith.constant 0 : i32
        %dma_wait3A_497 = tpu.memref_slice %arg8[%run_scoped3A_225, %dma_wait3A_496] : memref<32x128xi32, #tpu.memory_space<vmem>> -> memref<1x128xi32, #tpu.memory_space<vmem>>
        %dma_wait3A_498 = tpu.memref_squeeze %dma_wait3A_497 : memref<1x128xi32, #tpu.memory_space<vmem>> -> memref<128xi32, #tpu.memory_space<vmem>>
        %dma_wait3A_499 = arith.constant 0 : i32
        %dma_wait3A_500 = arith.constant 0 : i32
        %dma_wait3A_501 = tpu.memref_slice %arg11[%dma_wait3A_499, %dma_wait3A_500] : memref<10240x128xf32, #tpu.memory_space<vmem_shared>> -> memref<10240x128xf32, #tpu.memory_space<vmem_shared>>
        tpu.wait_indirect_dma semaphore(%run_scoped3A_489 : memref<!tpu.dma_semaphore, #tpu.memory_space<semaphore_mem>>) src(%arg10 : memref<128x128xf32, #tpu.memory_space<vmem>>) dst(%dma_wait3A_501 : memref<10240x128xf32, #tpu.memory_space<vmem_shared>>)
        tpu.yield
      }) : () -> ()
      %dma_start3A_226 = arith.constant 15 : i32
      %dma_start3A_227 = arith.constant 0 : i32
      %dma_start3A_228 = tpu.memref_slice %arg7[%dma_start3A_226, %dma_start3A_227] : memref<32x128xi32, #tpu.memory_space<vmem>> -> memref<1x128xi32, #tpu.memory_space<vmem>>
      %dma_start3A_229 = tpu.memref_squeeze %dma_start3A_228 : memref<1x128xi32, #tpu.memory_space<vmem>> -> memref<128xi32, #tpu.memory_space<vmem>>
      %dma_start3A_230 = arith.constant 0 : i32
      %dma_start3A_231 = arith.constant 0 : i32
      %dma_start3A_232 = tpu.memref_slice %arg4[%dma_start3A_230, %dma_start3A_231] : memref<10000x128xf32, #tpu.memory_space<hbm>> -> memref<10000x128xf32, #tpu.memory_space<hbm>>
      tpu.enqueue_indirect_dma source(%dma_start3A_232 : memref<10000x128xf32, #tpu.memory_space<hbm>>) target(%arg10 : memref<128x128xf32, #tpu.memory_space<vmem>>) offsets(%dma_start3A_229 : memref<128xi32, #tpu.memory_space<vmem>>) semaphore(%arg13 : memref<!tpu.dma_semaphore, #tpu.memory_space<semaphore_mem>>)
      %dma_wait3A_233 = arith.constant 14 : i32
      %dma_wait3A_234 = arith.constant 0 : i32
      %dma_wait3A_235 = tpu.memref_slice %arg7[%dma_wait3A_233, %dma_wait3A_234] : memref<32x128xi32, #tpu.memory_space<vmem>> -> memref<1x128xi32, #tpu.memory_space<vmem>>
      %dma_wait3A_236 = tpu.memref_squeeze %dma_wait3A_235 : memref<1x128xi32, #tpu.memory_space<vmem>> -> memref<128xi32, #tpu.memory_space<vmem>>
      %dma_wait3A_237 = arith.constant 0 : i32
      %dma_wait3A_238 = arith.constant 0 : i32
      %dma_wait3A_239 = tpu.memref_slice %arg4[%dma_wait3A_237, %dma_wait3A_238] : memref<10000x128xf32, #tpu.memory_space<hbm>> -> memref<10000x128xf32, #tpu.memory_space<hbm>>
      tpu.wait_indirect_dma semaphore(%arg12 : memref<!tpu.dma_semaphore, #tpu.memory_space<semaphore_mem>>) src(%dma_wait3A_239 : memref<10000x128xf32, #tpu.memory_space<hbm>>) dst(%arg9 : memref<128x128xf32, #tpu.memory_space<vmem>>)
      %run_scoped3A_240 = arith.constant 14 : i32
      "tpu.region"() ({
        %run_scoped3A_489 = tpu.sem_alloc : memref<!tpu.dma_semaphore, #tpu.memory_space<semaphore_mem>>
        %dma_start3A_490 = arith.constant 0 : i32
        %dma_start3A_491 = tpu.memref_slice %arg8[%run_scoped3A_240, %dma_start3A_490] : memref<32x128xi32, #tpu.memory_space<vmem>> -> memref<1x128xi32, #tpu.memory_space<vmem>>
        %dma_start3A_492 = tpu.memref_squeeze %dma_start3A_491 : memref<1x128xi32, #tpu.memory_space<vmem>> -> memref<128xi32, #tpu.memory_space<vmem>>
        %dma_start3A_493 = arith.constant 0 : i32
        %dma_start3A_494 = arith.constant 0 : i32
        %dma_start3A_495 = tpu.memref_slice %arg11[%dma_start3A_493, %dma_start3A_494] : memref<10240x128xf32, #tpu.memory_space<vmem_shared>> -> memref<10240x128xf32, #tpu.memory_space<vmem_shared>>
        tpu.enqueue_indirect_dma source(%arg9 : memref<128x128xf32, #tpu.memory_space<vmem>>) target(%dma_start3A_495 : memref<10240x128xf32, #tpu.memory_space<vmem_shared>>) offsets(%dma_start3A_492 : memref<128xi32, #tpu.memory_space<vmem>>) semaphore(%run_scoped3A_489 : memref<!tpu.dma_semaphore, #tpu.memory_space<semaphore_mem>>) {add = true}
        %dma_wait3A_496 = arith.constant 0 : i32
        %dma_wait3A_497 = tpu.memref_slice %arg8[%run_scoped3A_240, %dma_wait3A_496] : memref<32x128xi32, #tpu.memory_space<vmem>> -> memref<1x128xi32, #tpu.memory_space<vmem>>
        %dma_wait3A_498 = tpu.memref_squeeze %dma_wait3A_497 : memref<1x128xi32, #tpu.memory_space<vmem>> -> memref<128xi32, #tpu.memory_space<vmem>>
        %dma_wait3A_499 = arith.constant 0 : i32
        %dma_wait3A_500 = arith.constant 0 : i32
        %dma_wait3A_501 = tpu.memref_slice %arg11[%dma_wait3A_499, %dma_wait3A_500] : memref<10240x128xf32, #tpu.memory_space<vmem_shared>> -> memref<10240x128xf32, #tpu.memory_space<vmem_shared>>
        tpu.wait_indirect_dma semaphore(%run_scoped3A_489 : memref<!tpu.dma_semaphore, #tpu.memory_space<semaphore_mem>>) src(%arg9 : memref<128x128xf32, #tpu.memory_space<vmem>>) dst(%dma_wait3A_501 : memref<10240x128xf32, #tpu.memory_space<vmem_shared>>)
        tpu.yield
      }) : () -> ()
      %dma_start3A_241 = arith.constant 16 : i32
      %dma_start3A_242 = arith.constant 0 : i32
      %dma_start3A_243 = tpu.memref_slice %arg7[%dma_start3A_241, %dma_start3A_242] : memref<32x128xi32, #tpu.memory_space<vmem>> -> memref<1x128xi32, #tpu.memory_space<vmem>>
      %dma_start3A_244 = tpu.memref_squeeze %dma_start3A_243 : memref<1x128xi32, #tpu.memory_space<vmem>> -> memref<128xi32, #tpu.memory_space<vmem>>
      %dma_start3A_245 = arith.constant 0 : i32
      %dma_start3A_246 = arith.constant 0 : i32
      %dma_start3A_247 = tpu.memref_slice %arg4[%dma_start3A_245, %dma_start3A_246] : memref<10000x128xf32, #tpu.memory_space<hbm>> -> memref<10000x128xf32, #tpu.memory_space<hbm>>
      tpu.enqueue_indirect_dma source(%dma_start3A_247 : memref<10000x128xf32, #tpu.memory_space<hbm>>) target(%arg9 : memref<128x128xf32, #tpu.memory_space<vmem>>) offsets(%dma_start3A_244 : memref<128xi32, #tpu.memory_space<vmem>>) semaphore(%arg12 : memref<!tpu.dma_semaphore, #tpu.memory_space<semaphore_mem>>)
      %dma_wait3A_248 = arith.constant 15 : i32
      %dma_wait3A_249 = arith.constant 0 : i32
      %dma_wait3A_250 = tpu.memref_slice %arg7[%dma_wait3A_248, %dma_wait3A_249] : memref<32x128xi32, #tpu.memory_space<vmem>> -> memref<1x128xi32, #tpu.memory_space<vmem>>
      %dma_wait3A_251 = tpu.memref_squeeze %dma_wait3A_250 : memref<1x128xi32, #tpu.memory_space<vmem>> -> memref<128xi32, #tpu.memory_space<vmem>>
      %dma_wait3A_252 = arith.constant 0 : i32
      %dma_wait3A_253 = arith.constant 0 : i32
      %dma_wait3A_254 = tpu.memref_slice %arg4[%dma_wait3A_252, %dma_wait3A_253] : memref<10000x128xf32, #tpu.memory_space<hbm>> -> memref<10000x128xf32, #tpu.memory_space<hbm>>
      tpu.wait_indirect_dma semaphore(%arg13 : memref<!tpu.dma_semaphore, #tpu.memory_space<semaphore_mem>>) src(%dma_wait3A_254 : memref<10000x128xf32, #tpu.memory_space<hbm>>) dst(%arg10 : memref<128x128xf32, #tpu.memory_space<vmem>>)
      %run_scoped3A_255 = arith.constant 15 : i32
      "tpu.region"() ({
        %run_scoped3A_489 = tpu.sem_alloc : memref<!tpu.dma_semaphore, #tpu.memory_space<semaphore_mem>>
        %dma_start3A_490 = arith.constant 0 : i32
        %dma_start3A_491 = tpu.memref_slice %arg8[%run_scoped3A_255, %dma_start3A_490] : memref<32x128xi32, #tpu.memory_space<vmem>> -> memref<1x128xi32, #tpu.memory_space<vmem>>
        %dma_start3A_492 = tpu.memref_squeeze %dma_start3A_491 : memref<1x128xi32, #tpu.memory_space<vmem>> -> memref<128xi32, #tpu.memory_space<vmem>>
        %dma_start3A_493 = arith.constant 0 : i32
        %dma_start3A_494 = arith.constant 0 : i32
        %dma_start3A_495 = tpu.memref_slice %arg11[%dma_start3A_493, %dma_start3A_494] : memref<10240x128xf32, #tpu.memory_space<vmem_shared>> -> memref<10240x128xf32, #tpu.memory_space<vmem_shared>>
        tpu.enqueue_indirect_dma source(%arg10 : memref<128x128xf32, #tpu.memory_space<vmem>>) target(%dma_start3A_495 : memref<10240x128xf32, #tpu.memory_space<vmem_shared>>) offsets(%dma_start3A_492 : memref<128xi32, #tpu.memory_space<vmem>>) semaphore(%run_scoped3A_489 : memref<!tpu.dma_semaphore, #tpu.memory_space<semaphore_mem>>) {add = true}
        %dma_wait3A_496 = arith.constant 0 : i32
        %dma_wait3A_497 = tpu.memref_slice %arg8[%run_scoped3A_255, %dma_wait3A_496] : memref<32x128xi32, #tpu.memory_space<vmem>> -> memref<1x128xi32, #tpu.memory_space<vmem>>
        %dma_wait3A_498 = tpu.memref_squeeze %dma_wait3A_497 : memref<1x128xi32, #tpu.memory_space<vmem>> -> memref<128xi32, #tpu.memory_space<vmem>>
        %dma_wait3A_499 = arith.constant 0 : i32
        %dma_wait3A_500 = arith.constant 0 : i32
        %dma_wait3A_501 = tpu.memref_slice %arg11[%dma_wait3A_499, %dma_wait3A_500] : memref<10240x128xf32, #tpu.memory_space<vmem_shared>> -> memref<10240x128xf32, #tpu.memory_space<vmem_shared>>
        tpu.wait_indirect_dma semaphore(%run_scoped3A_489 : memref<!tpu.dma_semaphore, #tpu.memory_space<semaphore_mem>>) src(%arg10 : memref<128x128xf32, #tpu.memory_space<vmem>>) dst(%dma_wait3A_501 : memref<10240x128xf32, #tpu.memory_space<vmem_shared>>)
        tpu.yield
      }) : () -> ()
      %dma_start3A_256 = arith.constant 17 : i32
      %dma_start3A_257 = arith.constant 0 : i32
      %dma_start3A_258 = tpu.memref_slice %arg7[%dma_start3A_256, %dma_start3A_257] : memref<32x128xi32, #tpu.memory_space<vmem>> -> memref<1x128xi32, #tpu.memory_space<vmem>>
      %dma_start3A_259 = tpu.memref_squeeze %dma_start3A_258 : memref<1x128xi32, #tpu.memory_space<vmem>> -> memref<128xi32, #tpu.memory_space<vmem>>
      %dma_start3A_260 = arith.constant 0 : i32
      %dma_start3A_261 = arith.constant 0 : i32
      %dma_start3A_262 = tpu.memref_slice %arg4[%dma_start3A_260, %dma_start3A_261] : memref<10000x128xf32, #tpu.memory_space<hbm>> -> memref<10000x128xf32, #tpu.memory_space<hbm>>
      tpu.enqueue_indirect_dma source(%dma_start3A_262 : memref<10000x128xf32, #tpu.memory_space<hbm>>) target(%arg10 : memref<128x128xf32, #tpu.memory_space<vmem>>) offsets(%dma_start3A_259 : memref<128xi32, #tpu.memory_space<vmem>>) semaphore(%arg13 : memref<!tpu.dma_semaphore, #tpu.memory_space<semaphore_mem>>)
      %dma_wait3A_263 = arith.constant 16 : i32
      %dma_wait3A_264 = arith.constant 0 : i32
      %dma_wait3A_265 = tpu.memref_slice %arg7[%dma_wait3A_263, %dma_wait3A_264] : memref<32x128xi32, #tpu.memory_space<vmem>> -> memref<1x128xi32, #tpu.memory_space<vmem>>
      %dma_wait3A_266 = tpu.memref_squeeze %dma_wait3A_265 : memref<1x128xi32, #tpu.memory_space<vmem>> -> memref<128xi32, #tpu.memory_space<vmem>>
      %dma_wait3A_267 = arith.constant 0 : i32
      %dma_wait3A_268 = arith.constant 0 : i32
      %dma_wait3A_269 = tpu.memref_slice %arg4[%dma_wait3A_267, %dma_wait3A_268] : memref<10000x128xf32, #tpu.memory_space<hbm>> -> memref<10000x128xf32, #tpu.memory_space<hbm>>
      tpu.wait_indirect_dma semaphore(%arg12 : memref<!tpu.dma_semaphore, #tpu.memory_space<semaphore_mem>>) src(%dma_wait3A_269 : memref<10000x128xf32, #tpu.memory_space<hbm>>) dst(%arg9 : memref<128x128xf32, #tpu.memory_space<vmem>>)
      %run_scoped3A_270 = arith.constant 16 : i32
      "tpu.region"() ({
        %run_scoped3A_489 = tpu.sem_alloc : memref<!tpu.dma_semaphore, #tpu.memory_space<semaphore_mem>>
        %dma_start3A_490 = arith.constant 0 : i32
        %dma_start3A_491 = tpu.memref_slice %arg8[%run_scoped3A_270, %dma_start3A_490] : memref<32x128xi32, #tpu.memory_space<vmem>> -> memref<1x128xi32, #tpu.memory_space<vmem>>
        %dma_start3A_492 = tpu.memref_squeeze %dma_start3A_491 : memref<1x128xi32, #tpu.memory_space<vmem>> -> memref<128xi32, #tpu.memory_space<vmem>>
        %dma_start3A_493 = arith.constant 0 : i32
        %dma_start3A_494 = arith.constant 0 : i32
        %dma_start3A_495 = tpu.memref_slice %arg11[%dma_start3A_493, %dma_start3A_494] : memref<10240x128xf32, #tpu.memory_space<vmem_shared>> -> memref<10240x128xf32, #tpu.memory_space<vmem_shared>>
        tpu.enqueue_indirect_dma source(%arg9 : memref<128x128xf32, #tpu.memory_space<vmem>>) target(%dma_start3A_495 : memref<10240x128xf32, #tpu.memory_space<vmem_shared>>) offsets(%dma_start3A_492 : memref<128xi32, #tpu.memory_space<vmem>>) semaphore(%run_scoped3A_489 : memref<!tpu.dma_semaphore, #tpu.memory_space<semaphore_mem>>) {add = true}
        %dma_wait3A_496 = arith.constant 0 : i32
        %dma_wait3A_497 = tpu.memref_slice %arg8[%run_scoped3A_270, %dma_wait3A_496] : memref<32x128xi32, #tpu.memory_space<vmem>> -> memref<1x128xi32, #tpu.memory_space<vmem>>
        %dma_wait3A_498 = tpu.memref_squeeze %dma_wait3A_497 : memref<1x128xi32, #tpu.memory_space<vmem>> -> memref<128xi32, #tpu.memory_space<vmem>>
        %dma_wait3A_499 = arith.constant 0 : i32
        %dma_wait3A_500 = arith.constant 0 : i32
        %dma_wait3A_501 = tpu.memref_slice %arg11[%dma_wait3A_499, %dma_wait3A_500] : memref<10240x128xf32, #tpu.memory_space<vmem_shared>> -> memref<10240x128xf32, #tpu.memory_space<vmem_shared>>
        tpu.wait_indirect_dma semaphore(%run_scoped3A_489 : memref<!tpu.dma_semaphore, #tpu.memory_space<semaphore_mem>>) src(%arg9 : memref<128x128xf32, #tpu.memory_space<vmem>>) dst(%dma_wait3A_501 : memref<10240x128xf32, #tpu.memory_space<vmem_shared>>)
        tpu.yield
      }) : () -> ()
      %dma_start3A_271 = arith.constant 18 : i32
      %dma_start3A_272 = arith.constant 0 : i32
      %dma_start3A_273 = tpu.memref_slice %arg7[%dma_start3A_271, %dma_start3A_272] : memref<32x128xi32, #tpu.memory_space<vmem>> -> memref<1x128xi32, #tpu.memory_space<vmem>>
      %dma_start3A_274 = tpu.memref_squeeze %dma_start3A_273 : memref<1x128xi32, #tpu.memory_space<vmem>> -> memref<128xi32, #tpu.memory_space<vmem>>
      %dma_start3A_275 = arith.constant 0 : i32
      %dma_start3A_276 = arith.constant 0 : i32
      %dma_start3A_277 = tpu.memref_slice %arg4[%dma_start3A_275, %dma_start3A_276] : memref<10000x128xf32, #tpu.memory_space<hbm>> -> memref<10000x128xf32, #tpu.memory_space<hbm>>
      tpu.enqueue_indirect_dma source(%dma_start3A_277 : memref<10000x128xf32, #tpu.memory_space<hbm>>) target(%arg9 : memref<128x128xf32, #tpu.memory_space<vmem>>) offsets(%dma_start3A_274 : memref<128xi32, #tpu.memory_space<vmem>>) semaphore(%arg12 : memref<!tpu.dma_semaphore, #tpu.memory_space<semaphore_mem>>)
      %dma_wait3A_278 = arith.constant 17 : i32
      %dma_wait3A_279 = arith.constant 0 : i32
      %dma_wait3A_280 = tpu.memref_slice %arg7[%dma_wait3A_278, %dma_wait3A_279] : memref<32x128xi32, #tpu.memory_space<vmem>> -> memref<1x128xi32, #tpu.memory_space<vmem>>
      %dma_wait3A_281 = tpu.memref_squeeze %dma_wait3A_280 : memref<1x128xi32, #tpu.memory_space<vmem>> -> memref<128xi32, #tpu.memory_space<vmem>>
      %dma_wait3A_282 = arith.constant 0 : i32
      %dma_wait3A_283 = arith.constant 0 : i32
      %dma_wait3A_284 = tpu.memref_slice %arg4[%dma_wait3A_282, %dma_wait3A_283] : memref<10000x128xf32, #tpu.memory_space<hbm>> -> memref<10000x128xf32, #tpu.memory_space<hbm>>
      tpu.wait_indirect_dma semaphore(%arg13 : memref<!tpu.dma_semaphore, #tpu.memory_space<semaphore_mem>>) src(%dma_wait3A_284 : memref<10000x128xf32, #tpu.memory_space<hbm>>) dst(%arg10 : memref<128x128xf32, #tpu.memory_space<vmem>>)
      %run_scoped3A_285 = arith.constant 17 : i32
      "tpu.region"() ({
        %run_scoped3A_489 = tpu.sem_alloc : memref<!tpu.dma_semaphore, #tpu.memory_space<semaphore_mem>>
        %dma_start3A_490 = arith.constant 0 : i32
        %dma_start3A_491 = tpu.memref_slice %arg8[%run_scoped3A_285, %dma_start3A_490] : memref<32x128xi32, #tpu.memory_space<vmem>> -> memref<1x128xi32, #tpu.memory_space<vmem>>
        %dma_start3A_492 = tpu.memref_squeeze %dma_start3A_491 : memref<1x128xi32, #tpu.memory_space<vmem>> -> memref<128xi32, #tpu.memory_space<vmem>>
        %dma_start3A_493 = arith.constant 0 : i32
        %dma_start3A_494 = arith.constant 0 : i32
        %dma_start3A_495 = tpu.memref_slice %arg11[%dma_start3A_493, %dma_start3A_494] : memref<10240x128xf32, #tpu.memory_space<vmem_shared>> -> memref<10240x128xf32, #tpu.memory_space<vmem_shared>>
        tpu.enqueue_indirect_dma source(%arg10 : memref<128x128xf32, #tpu.memory_space<vmem>>) target(%dma_start3A_495 : memref<10240x128xf32, #tpu.memory_space<vmem_shared>>) offsets(%dma_start3A_492 : memref<128xi32, #tpu.memory_space<vmem>>) semaphore(%run_scoped3A_489 : memref<!tpu.dma_semaphore, #tpu.memory_space<semaphore_mem>>) {add = true}
        %dma_wait3A_496 = arith.constant 0 : i32
        %dma_wait3A_497 = tpu.memref_slice %arg8[%run_scoped3A_285, %dma_wait3A_496] : memref<32x128xi32, #tpu.memory_space<vmem>> -> memref<1x128xi32, #tpu.memory_space<vmem>>
        %dma_wait3A_498 = tpu.memref_squeeze %dma_wait3A_497 : memref<1x128xi32, #tpu.memory_space<vmem>> -> memref<128xi32, #tpu.memory_space<vmem>>
        %dma_wait3A_499 = arith.constant 0 : i32
        %dma_wait3A_500 = arith.constant 0 : i32
        %dma_wait3A_501 = tpu.memref_slice %arg11[%dma_wait3A_499, %dma_wait3A_500] : memref<10240x128xf32, #tpu.memory_space<vmem_shared>> -> memref<10240x128xf32, #tpu.memory_space<vmem_shared>>
        tpu.wait_indirect_dma semaphore(%run_scoped3A_489 : memref<!tpu.dma_semaphore, #tpu.memory_space<semaphore_mem>>) src(%arg10 : memref<128x128xf32, #tpu.memory_space<vmem>>) dst(%dma_wait3A_501 : memref<10240x128xf32, #tpu.memory_space<vmem_shared>>)
        tpu.yield
      }) : () -> ()
      %dma_start3A_286 = arith.constant 19 : i32
      %dma_start3A_287 = arith.constant 0 : i32
      %dma_start3A_288 = tpu.memref_slice %arg7[%dma_start3A_286, %dma_start3A_287] : memref<32x128xi32, #tpu.memory_space<vmem>> -> memref<1x128xi32, #tpu.memory_space<vmem>>
      %dma_start3A_289 = tpu.memref_squeeze %dma_start3A_288 : memref<1x128xi32, #tpu.memory_space<vmem>> -> memref<128xi32, #tpu.memory_space<vmem>>
      %dma_start3A_290 = arith.constant 0 : i32
      %dma_start3A_291 = arith.constant 0 : i32
      %dma_start3A_292 = tpu.memref_slice %arg4[%dma_start3A_290, %dma_start3A_291] : memref<10000x128xf32, #tpu.memory_space<hbm>> -> memref<10000x128xf32, #tpu.memory_space<hbm>>
      tpu.enqueue_indirect_dma source(%dma_start3A_292 : memref<10000x128xf32, #tpu.memory_space<hbm>>) target(%arg10 : memref<128x128xf32, #tpu.memory_space<vmem>>) offsets(%dma_start3A_289 : memref<128xi32, #tpu.memory_space<vmem>>) semaphore(%arg13 : memref<!tpu.dma_semaphore, #tpu.memory_space<semaphore_mem>>)
      %dma_wait3A_293 = arith.constant 18 : i32
      %dma_wait3A_294 = arith.constant 0 : i32
      %dma_wait3A_295 = tpu.memref_slice %arg7[%dma_wait3A_293, %dma_wait3A_294] : memref<32x128xi32, #tpu.memory_space<vmem>> -> memref<1x128xi32, #tpu.memory_space<vmem>>
      %dma_wait3A_296 = tpu.memref_squeeze %dma_wait3A_295 : memref<1x128xi32, #tpu.memory_space<vmem>> -> memref<128xi32, #tpu.memory_space<vmem>>
      %dma_wait3A_297 = arith.constant 0 : i32
      %dma_wait3A_298 = arith.constant 0 : i32
      %dma_wait3A_299 = tpu.memref_slice %arg4[%dma_wait3A_297, %dma_wait3A_298] : memref<10000x128xf32, #tpu.memory_space<hbm>> -> memref<10000x128xf32, #tpu.memory_space<hbm>>
      tpu.wait_indirect_dma semaphore(%arg12 : memref<!tpu.dma_semaphore, #tpu.memory_space<semaphore_mem>>) src(%dma_wait3A_299 : memref<10000x128xf32, #tpu.memory_space<hbm>>) dst(%arg9 : memref<128x128xf32, #tpu.memory_space<vmem>>)
      %run_scoped3A_300 = arith.constant 18 : i32
      "tpu.region"() ({
        %run_scoped3A_489 = tpu.sem_alloc : memref<!tpu.dma_semaphore, #tpu.memory_space<semaphore_mem>>
        %dma_start3A_490 = arith.constant 0 : i32
        %dma_start3A_491 = tpu.memref_slice %arg8[%run_scoped3A_300, %dma_start3A_490] : memref<32x128xi32, #tpu.memory_space<vmem>> -> memref<1x128xi32, #tpu.memory_space<vmem>>
        %dma_start3A_492 = tpu.memref_squeeze %dma_start3A_491 : memref<1x128xi32, #tpu.memory_space<vmem>> -> memref<128xi32, #tpu.memory_space<vmem>>
        %dma_start3A_493 = arith.constant 0 : i32
        %dma_start3A_494 = arith.constant 0 : i32
        %dma_start3A_495 = tpu.memref_slice %arg11[%dma_start3A_493, %dma_start3A_494] : memref<10240x128xf32, #tpu.memory_space<vmem_shared>> -> memref<10240x128xf32, #tpu.memory_space<vmem_shared>>
        tpu.enqueue_indirect_dma source(%arg9 : memref<128x128xf32, #tpu.memory_space<vmem>>) target(%dma_start3A_495 : memref<10240x128xf32, #tpu.memory_space<vmem_shared>>) offsets(%dma_start3A_492 : memref<128xi32, #tpu.memory_space<vmem>>) semaphore(%run_scoped3A_489 : memref<!tpu.dma_semaphore, #tpu.memory_space<semaphore_mem>>) {add = true}
        %dma_wait3A_496 = arith.constant 0 : i32
        %dma_wait3A_497 = tpu.memref_slice %arg8[%run_scoped3A_300, %dma_wait3A_496] : memref<32x128xi32, #tpu.memory_space<vmem>> -> memref<1x128xi32, #tpu.memory_space<vmem>>
        %dma_wait3A_498 = tpu.memref_squeeze %dma_wait3A_497 : memref<1x128xi32, #tpu.memory_space<vmem>> -> memref<128xi32, #tpu.memory_space<vmem>>
        %dma_wait3A_499 = arith.constant 0 : i32
        %dma_wait3A_500 = arith.constant 0 : i32
        %dma_wait3A_501 = tpu.memref_slice %arg11[%dma_wait3A_499, %dma_wait3A_500] : memref<10240x128xf32, #tpu.memory_space<vmem_shared>> -> memref<10240x128xf32, #tpu.memory_space<vmem_shared>>
        tpu.wait_indirect_dma semaphore(%run_scoped3A_489 : memref<!tpu.dma_semaphore, #tpu.memory_space<semaphore_mem>>) src(%arg9 : memref<128x128xf32, #tpu.memory_space<vmem>>) dst(%dma_wait3A_501 : memref<10240x128xf32, #tpu.memory_space<vmem_shared>>)
        tpu.yield
      }) : () -> ()
      %dma_start3A_301 = arith.constant 20 : i32
      %dma_start3A_302 = arith.constant 0 : i32
      %dma_start3A_303 = tpu.memref_slice %arg7[%dma_start3A_301, %dma_start3A_302] : memref<32x128xi32, #tpu.memory_space<vmem>> -> memref<1x128xi32, #tpu.memory_space<vmem>>
      %dma_start3A_304 = tpu.memref_squeeze %dma_start3A_303 : memref<1x128xi32, #tpu.memory_space<vmem>> -> memref<128xi32, #tpu.memory_space<vmem>>
      %dma_start3A_305 = arith.constant 0 : i32
      %dma_start3A_306 = arith.constant 0 : i32
      %dma_start3A_307 = tpu.memref_slice %arg4[%dma_start3A_305, %dma_start3A_306] : memref<10000x128xf32, #tpu.memory_space<hbm>> -> memref<10000x128xf32, #tpu.memory_space<hbm>>
      tpu.enqueue_indirect_dma source(%dma_start3A_307 : memref<10000x128xf32, #tpu.memory_space<hbm>>) target(%arg9 : memref<128x128xf32, #tpu.memory_space<vmem>>) offsets(%dma_start3A_304 : memref<128xi32, #tpu.memory_space<vmem>>) semaphore(%arg12 : memref<!tpu.dma_semaphore, #tpu.memory_space<semaphore_mem>>)
      %dma_wait3A_308 = arith.constant 19 : i32
      %dma_wait3A_309 = arith.constant 0 : i32
      %dma_wait3A_310 = tpu.memref_slice %arg7[%dma_wait3A_308, %dma_wait3A_309] : memref<32x128xi32, #tpu.memory_space<vmem>> -> memref<1x128xi32, #tpu.memory_space<vmem>>
      %dma_wait3A_311 = tpu.memref_squeeze %dma_wait3A_310 : memref<1x128xi32, #tpu.memory_space<vmem>> -> memref<128xi32, #tpu.memory_space<vmem>>
      %dma_wait3A_312 = arith.constant 0 : i32
      %dma_wait3A_313 = arith.constant 0 : i32
      %dma_wait3A_314 = tpu.memref_slice %arg4[%dma_wait3A_312, %dma_wait3A_313] : memref<10000x128xf32, #tpu.memory_space<hbm>> -> memref<10000x128xf32, #tpu.memory_space<hbm>>
      tpu.wait_indirect_dma semaphore(%arg13 : memref<!tpu.dma_semaphore, #tpu.memory_space<semaphore_mem>>) src(%dma_wait3A_314 : memref<10000x128xf32, #tpu.memory_space<hbm>>) dst(%arg10 : memref<128x128xf32, #tpu.memory_space<vmem>>)
      %run_scoped3A_315 = arith.constant 19 : i32
      "tpu.region"() ({
        %run_scoped3A_489 = tpu.sem_alloc : memref<!tpu.dma_semaphore, #tpu.memory_space<semaphore_mem>>
        %dma_start3A_490 = arith.constant 0 : i32
        %dma_start3A_491 = tpu.memref_slice %arg8[%run_scoped3A_315, %dma_start3A_490] : memref<32x128xi32, #tpu.memory_space<vmem>> -> memref<1x128xi32, #tpu.memory_space<vmem>>
        %dma_start3A_492 = tpu.memref_squeeze %dma_start3A_491 : memref<1x128xi32, #tpu.memory_space<vmem>> -> memref<128xi32, #tpu.memory_space<vmem>>
        %dma_start3A_493 = arith.constant 0 : i32
        %dma_start3A_494 = arith.constant 0 : i32
        %dma_start3A_495 = tpu.memref_slice %arg11[%dma_start3A_493, %dma_start3A_494] : memref<10240x128xf32, #tpu.memory_space<vmem_shared>> -> memref<10240x128xf32, #tpu.memory_space<vmem_shared>>
        tpu.enqueue_indirect_dma source(%arg10 : memref<128x128xf32, #tpu.memory_space<vmem>>) target(%dma_start3A_495 : memref<10240x128xf32, #tpu.memory_space<vmem_shared>>) offsets(%dma_start3A_492 : memref<128xi32, #tpu.memory_space<vmem>>) semaphore(%run_scoped3A_489 : memref<!tpu.dma_semaphore, #tpu.memory_space<semaphore_mem>>) {add = true}
        %dma_wait3A_496 = arith.constant 0 : i32
        %dma_wait3A_497 = tpu.memref_slice %arg8[%run_scoped3A_315, %dma_wait3A_496] : memref<32x128xi32, #tpu.memory_space<vmem>> -> memref<1x128xi32, #tpu.memory_space<vmem>>
        %dma_wait3A_498 = tpu.memref_squeeze %dma_wait3A_497 : memref<1x128xi32, #tpu.memory_space<vmem>> -> memref<128xi32, #tpu.memory_space<vmem>>
        %dma_wait3A_499 = arith.constant 0 : i32
        %dma_wait3A_500 = arith.constant 0 : i32
        %dma_wait3A_501 = tpu.memref_slice %arg11[%dma_wait3A_499, %dma_wait3A_500] : memref<10240x128xf32, #tpu.memory_space<vmem_shared>> -> memref<10240x128xf32, #tpu.memory_space<vmem_shared>>
        tpu.wait_indirect_dma semaphore(%run_scoped3A_489 : memref<!tpu.dma_semaphore, #tpu.memory_space<semaphore_mem>>) src(%arg10 : memref<128x128xf32, #tpu.memory_space<vmem>>) dst(%dma_wait3A_501 : memref<10240x128xf32, #tpu.memory_space<vmem_shared>>)
        tpu.yield
      }) : () -> ()
      %dma_start3A_316 = arith.constant 21 : i32
      %dma_start3A_317 = arith.constant 0 : i32
      %dma_start3A_318 = tpu.memref_slice %arg7[%dma_start3A_316, %dma_start3A_317] : memref<32x128xi32, #tpu.memory_space<vmem>> -> memref<1x128xi32, #tpu.memory_space<vmem>>
      %dma_start3A_319 = tpu.memref_squeeze %dma_start3A_318 : memref<1x128xi32, #tpu.memory_space<vmem>> -> memref<128xi32, #tpu.memory_space<vmem>>
      %dma_start3A_320 = arith.constant 0 : i32
      %dma_start3A_321 = arith.constant 0 : i32
      %dma_start3A_322 = tpu.memref_slice %arg4[%dma_start3A_320, %dma_start3A_321] : memref<10000x128xf32, #tpu.memory_space<hbm>> -> memref<10000x128xf32, #tpu.memory_space<hbm>>
      tpu.enqueue_indirect_dma source(%dma_start3A_322 : memref<10000x128xf32, #tpu.memory_space<hbm>>) target(%arg10 : memref<128x128xf32, #tpu.memory_space<vmem>>) offsets(%dma_start3A_319 : memref<128xi32, #tpu.memory_space<vmem>>) semaphore(%arg13 : memref<!tpu.dma_semaphore, #tpu.memory_space<semaphore_mem>>)
      %dma_wait3A_323 = arith.constant 20 : i32
      %dma_wait3A_324 = arith.constant 0 : i32
      %dma_wait3A_325 = tpu.memref_slice %arg7[%dma_wait3A_323, %dma_wait3A_324] : memref<32x128xi32, #tpu.memory_space<vmem>> -> memref<1x128xi32, #tpu.memory_space<vmem>>
      %dma_wait3A_326 = tpu.memref_squeeze %dma_wait3A_325 : memref<1x128xi32, #tpu.memory_space<vmem>> -> memref<128xi32, #tpu.memory_space<vmem>>
      %dma_wait3A_327 = arith.constant 0 : i32
      %dma_wait3A_328 = arith.constant 0 : i32
      %dma_wait3A_329 = tpu.memref_slice %arg4[%dma_wait3A_327, %dma_wait3A_328] : memref<10000x128xf32, #tpu.memory_space<hbm>> -> memref<10000x128xf32, #tpu.memory_space<hbm>>
      tpu.wait_indirect_dma semaphore(%arg12 : memref<!tpu.dma_semaphore, #tpu.memory_space<semaphore_mem>>) src(%dma_wait3A_329 : memref<10000x128xf32, #tpu.memory_space<hbm>>) dst(%arg9 : memref<128x128xf32, #tpu.memory_space<vmem>>)
      %run_scoped3A_330 = arith.constant 20 : i32
      "tpu.region"() ({
        %run_scoped3A_489 = tpu.sem_alloc : memref<!tpu.dma_semaphore, #tpu.memory_space<semaphore_mem>>
        %dma_start3A_490 = arith.constant 0 : i32
        %dma_start3A_491 = tpu.memref_slice %arg8[%run_scoped3A_330, %dma_start3A_490] : memref<32x128xi32, #tpu.memory_space<vmem>> -> memref<1x128xi32, #tpu.memory_space<vmem>>
        %dma_start3A_492 = tpu.memref_squeeze %dma_start3A_491 : memref<1x128xi32, #tpu.memory_space<vmem>> -> memref<128xi32, #tpu.memory_space<vmem>>
        %dma_start3A_493 = arith.constant 0 : i32
        %dma_start3A_494 = arith.constant 0 : i32
        %dma_start3A_495 = tpu.memref_slice %arg11[%dma_start3A_493, %dma_start3A_494] : memref<10240x128xf32, #tpu.memory_space<vmem_shared>> -> memref<10240x128xf32, #tpu.memory_space<vmem_shared>>
        tpu.enqueue_indirect_dma source(%arg9 : memref<128x128xf32, #tpu.memory_space<vmem>>) target(%dma_start3A_495 : memref<10240x128xf32, #tpu.memory_space<vmem_shared>>) offsets(%dma_start3A_492 : memref<128xi32, #tpu.memory_space<vmem>>) semaphore(%run_scoped3A_489 : memref<!tpu.dma_semaphore, #tpu.memory_space<semaphore_mem>>) {add = true}
        %dma_wait3A_496 = arith.constant 0 : i32
        %dma_wait3A_497 = tpu.memref_slice %arg8[%run_scoped3A_330, %dma_wait3A_496] : memref<32x128xi32, #tpu.memory_space<vmem>> -> memref<1x128xi32, #tpu.memory_space<vmem>>
        %dma_wait3A_498 = tpu.memref_squeeze %dma_wait3A_497 : memref<1x128xi32, #tpu.memory_space<vmem>> -> memref<128xi32, #tpu.memory_space<vmem>>
        %dma_wait3A_499 = arith.constant 0 : i32
        %dma_wait3A_500 = arith.constant 0 : i32
        %dma_wait3A_501 = tpu.memref_slice %arg11[%dma_wait3A_499, %dma_wait3A_500] : memref<10240x128xf32, #tpu.memory_space<vmem_shared>> -> memref<10240x128xf32, #tpu.memory_space<vmem_shared>>
        tpu.wait_indirect_dma semaphore(%run_scoped3A_489 : memref<!tpu.dma_semaphore, #tpu.memory_space<semaphore_mem>>) src(%arg9 : memref<128x128xf32, #tpu.memory_space<vmem>>) dst(%dma_wait3A_501 : memref<10240x128xf32, #tpu.memory_space<vmem_shared>>)
        tpu.yield
      }) : () -> ()
      %dma_start3A_331 = arith.constant 22 : i32
      %dma_start3A_332 = arith.constant 0 : i32
      %dma_start3A_333 = tpu.memref_slice %arg7[%dma_start3A_331, %dma_start3A_332] : memref<32x128xi32, #tpu.memory_space<vmem>> -> memref<1x128xi32, #tpu.memory_space<vmem>>
      %dma_start3A_334 = tpu.memref_squeeze %dma_start3A_333 : memref<1x128xi32, #tpu.memory_space<vmem>> -> memref<128xi32, #tpu.memory_space<vmem>>
      %dma_start3A_335 = arith.constant 0 : i32
      %dma_start3A_336 = arith.constant 0 : i32
      %dma_start3A_337 = tpu.memref_slice %arg4[%dma_start3A_335, %dma_start3A_336] : memref<10000x128xf32, #tpu.memory_space<hbm>> -> memref<10000x128xf32, #tpu.memory_space<hbm>>
      tpu.enqueue_indirect_dma source(%dma_start3A_337 : memref<10000x128xf32, #tpu.memory_space<hbm>>) target(%arg9 : memref<128x128xf32, #tpu.memory_space<vmem>>) offsets(%dma_start3A_334 : memref<128xi32, #tpu.memory_space<vmem>>) semaphore(%arg12 : memref<!tpu.dma_semaphore, #tpu.memory_space<semaphore_mem>>)
      %dma_wait3A_338 = arith.constant 21 : i32
      %dma_wait3A_339 = arith.constant 0 : i32
      %dma_wait3A_340 = tpu.memref_slice %arg7[%dma_wait3A_338, %dma_wait3A_339] : memref<32x128xi32, #tpu.memory_space<vmem>> -> memref<1x128xi32, #tpu.memory_space<vmem>>
      %dma_wait3A_341 = tpu.memref_squeeze %dma_wait3A_340 : memref<1x128xi32, #tpu.memory_space<vmem>> -> memref<128xi32, #tpu.memory_space<vmem>>
      %dma_wait3A_342 = arith.constant 0 : i32
      %dma_wait3A_343 = arith.constant 0 : i32
      %dma_wait3A_344 = tpu.memref_slice %arg4[%dma_wait3A_342, %dma_wait3A_343] : memref<10000x128xf32, #tpu.memory_space<hbm>> -> memref<10000x128xf32, #tpu.memory_space<hbm>>
      tpu.wait_indirect_dma semaphore(%arg13 : memref<!tpu.dma_semaphore, #tpu.memory_space<semaphore_mem>>) src(%dma_wait3A_344 : memref<10000x128xf32, #tpu.memory_space<hbm>>) dst(%arg10 : memref<128x128xf32, #tpu.memory_space<vmem>>)
      %run_scoped3A_345 = arith.constant 21 : i32
      "tpu.region"() ({
        %run_scoped3A_489 = tpu.sem_alloc : memref<!tpu.dma_semaphore, #tpu.memory_space<semaphore_mem>>
        %dma_start3A_490 = arith.constant 0 : i32
        %dma_start3A_491 = tpu.memref_slice %arg8[%run_scoped3A_345, %dma_start3A_490] : memref<32x128xi32, #tpu.memory_space<vmem>> -> memref<1x128xi32, #tpu.memory_space<vmem>>
        %dma_start3A_492 = tpu.memref_squeeze %dma_start3A_491 : memref<1x128xi32, #tpu.memory_space<vmem>> -> memref<128xi32, #tpu.memory_space<vmem>>
        %dma_start3A_493 = arith.constant 0 : i32
        %dma_start3A_494 = arith.constant 0 : i32
        %dma_start3A_495 = tpu.memref_slice %arg11[%dma_start3A_493, %dma_start3A_494] : memref<10240x128xf32, #tpu.memory_space<vmem_shared>> -> memref<10240x128xf32, #tpu.memory_space<vmem_shared>>
        tpu.enqueue_indirect_dma source(%arg10 : memref<128x128xf32, #tpu.memory_space<vmem>>) target(%dma_start3A_495 : memref<10240x128xf32, #tpu.memory_space<vmem_shared>>) offsets(%dma_start3A_492 : memref<128xi32, #tpu.memory_space<vmem>>) semaphore(%run_scoped3A_489 : memref<!tpu.dma_semaphore, #tpu.memory_space<semaphore_mem>>) {add = true}
        %dma_wait3A_496 = arith.constant 0 : i32
        %dma_wait3A_497 = tpu.memref_slice %arg8[%run_scoped3A_345, %dma_wait3A_496] : memref<32x128xi32, #tpu.memory_space<vmem>> -> memref<1x128xi32, #tpu.memory_space<vmem>>
        %dma_wait3A_498 = tpu.memref_squeeze %dma_wait3A_497 : memref<1x128xi32, #tpu.memory_space<vmem>> -> memref<128xi32, #tpu.memory_space<vmem>>
        %dma_wait3A_499 = arith.constant 0 : i32
        %dma_wait3A_500 = arith.constant 0 : i32
        %dma_wait3A_501 = tpu.memref_slice %arg11[%dma_wait3A_499, %dma_wait3A_500] : memref<10240x128xf32, #tpu.memory_space<vmem_shared>> -> memref<10240x128xf32, #tpu.memory_space<vmem_shared>>
        tpu.wait_indirect_dma semaphore(%run_scoped3A_489 : memref<!tpu.dma_semaphore, #tpu.memory_space<semaphore_mem>>) src(%arg10 : memref<128x128xf32, #tpu.memory_space<vmem>>) dst(%dma_wait3A_501 : memref<10240x128xf32, #tpu.memory_space<vmem_shared>>)
        tpu.yield
      }) : () -> ()
      %dma_start3A_346 = arith.constant 23 : i32
      %dma_start3A_347 = arith.constant 0 : i32
      %dma_start3A_348 = tpu.memref_slice %arg7[%dma_start3A_346, %dma_start3A_347] : memref<32x128xi32, #tpu.memory_space<vmem>> -> memref<1x128xi32, #tpu.memory_space<vmem>>
      %dma_start3A_349 = tpu.memref_squeeze %dma_start3A_348 : memref<1x128xi32, #tpu.memory_space<vmem>> -> memref<128xi32, #tpu.memory_space<vmem>>
      %dma_start3A_350 = arith.constant 0 : i32
      %dma_start3A_351 = arith.constant 0 : i32
      %dma_start3A_352 = tpu.memref_slice %arg4[%dma_start3A_350, %dma_start3A_351] : memref<10000x128xf32, #tpu.memory_space<hbm>> -> memref<10000x128xf32, #tpu.memory_space<hbm>>
      tpu.enqueue_indirect_dma source(%dma_start3A_352 : memref<10000x128xf32, #tpu.memory_space<hbm>>) target(%arg10 : memref<128x128xf32, #tpu.memory_space<vmem>>) offsets(%dma_start3A_349 : memref<128xi32, #tpu.memory_space<vmem>>) semaphore(%arg13 : memref<!tpu.dma_semaphore, #tpu.memory_space<semaphore_mem>>)
      %dma_wait3A_353 = arith.constant 22 : i32
      %dma_wait3A_354 = arith.constant 0 : i32
      %dma_wait3A_355 = tpu.memref_slice %arg7[%dma_wait3A_353, %dma_wait3A_354] : memref<32x128xi32, #tpu.memory_space<vmem>> -> memref<1x128xi32, #tpu.memory_space<vmem>>
      %dma_wait3A_356 = tpu.memref_squeeze %dma_wait3A_355 : memref<1x128xi32, #tpu.memory_space<vmem>> -> memref<128xi32, #tpu.memory_space<vmem>>
      %dma_wait3A_357 = arith.constant 0 : i32
      %dma_wait3A_358 = arith.constant 0 : i32
      %dma_wait3A_359 = tpu.memref_slice %arg4[%dma_wait3A_357, %dma_wait3A_358] : memref<10000x128xf32, #tpu.memory_space<hbm>> -> memref<10000x128xf32, #tpu.memory_space<hbm>>
      tpu.wait_indirect_dma semaphore(%arg12 : memref<!tpu.dma_semaphore, #tpu.memory_space<semaphore_mem>>) src(%dma_wait3A_359 : memref<10000x128xf32, #tpu.memory_space<hbm>>) dst(%arg9 : memref<128x128xf32, #tpu.memory_space<vmem>>)
      %run_scoped3A_360 = arith.constant 22 : i32
      "tpu.region"() ({
        %run_scoped3A_489 = tpu.sem_alloc : memref<!tpu.dma_semaphore, #tpu.memory_space<semaphore_mem>>
        %dma_start3A_490 = arith.constant 0 : i32
        %dma_start3A_491 = tpu.memref_slice %arg8[%run_scoped3A_360, %dma_start3A_490] : memref<32x128xi32, #tpu.memory_space<vmem>> -> memref<1x128xi32, #tpu.memory_space<vmem>>
        %dma_start3A_492 = tpu.memref_squeeze %dma_start3A_491 : memref<1x128xi32, #tpu.memory_space<vmem>> -> memref<128xi32, #tpu.memory_space<vmem>>
        %dma_start3A_493 = arith.constant 0 : i32
        %dma_start3A_494 = arith.constant 0 : i32
        %dma_start3A_495 = tpu.memref_slice %arg11[%dma_start3A_493, %dma_start3A_494] : memref<10240x128xf32, #tpu.memory_space<vmem_shared>> -> memref<10240x128xf32, #tpu.memory_space<vmem_shared>>
        tpu.enqueue_indirect_dma source(%arg9 : memref<128x128xf32, #tpu.memory_space<vmem>>) target(%dma_start3A_495 : memref<10240x128xf32, #tpu.memory_space<vmem_shared>>) offsets(%dma_start3A_492 : memref<128xi32, #tpu.memory_space<vmem>>) semaphore(%run_scoped3A_489 : memref<!tpu.dma_semaphore, #tpu.memory_space<semaphore_mem>>) {add = true}
        %dma_wait3A_496 = arith.constant 0 : i32
        %dma_wait3A_497 = tpu.memref_slice %arg8[%run_scoped3A_360, %dma_wait3A_496] : memref<32x128xi32, #tpu.memory_space<vmem>> -> memref<1x128xi32, #tpu.memory_space<vmem>>
        %dma_wait3A_498 = tpu.memref_squeeze %dma_wait3A_497 : memref<1x128xi32, #tpu.memory_space<vmem>> -> memref<128xi32, #tpu.memory_space<vmem>>
        %dma_wait3A_499 = arith.constant 0 : i32
        %dma_wait3A_500 = arith.constant 0 : i32
        %dma_wait3A_501 = tpu.memref_slice %arg11[%dma_wait3A_499, %dma_wait3A_500] : memref<10240x128xf32, #tpu.memory_space<vmem_shared>> -> memref<10240x128xf32, #tpu.memory_space<vmem_shared>>
        tpu.wait_indirect_dma semaphore(%run_scoped3A_489 : memref<!tpu.dma_semaphore, #tpu.memory_space<semaphore_mem>>) src(%arg9 : memref<128x128xf32, #tpu.memory_space<vmem>>) dst(%dma_wait3A_501 : memref<10240x128xf32, #tpu.memory_space<vmem_shared>>)
        tpu.yield
      }) : () -> ()
      %dma_start3A_361 = arith.constant 24 : i32
      %dma_start3A_362 = arith.constant 0 : i32
      %dma_start3A_363 = tpu.memref_slice %arg7[%dma_start3A_361, %dma_start3A_362] : memref<32x128xi32, #tpu.memory_space<vmem>> -> memref<1x128xi32, #tpu.memory_space<vmem>>
      %dma_start3A_364 = tpu.memref_squeeze %dma_start3A_363 : memref<1x128xi32, #tpu.memory_space<vmem>> -> memref<128xi32, #tpu.memory_space<vmem>>
      %dma_start3A_365 = arith.constant 0 : i32
      %dma_start3A_366 = arith.constant 0 : i32
      %dma_start3A_367 = tpu.memref_slice %arg4[%dma_start3A_365, %dma_start3A_366] : memref<10000x128xf32, #tpu.memory_space<hbm>> -> memref<10000x128xf32, #tpu.memory_space<hbm>>
      tpu.enqueue_indirect_dma source(%dma_start3A_367 : memref<10000x128xf32, #tpu.memory_space<hbm>>) target(%arg9 : memref<128x128xf32, #tpu.memory_space<vmem>>) offsets(%dma_start3A_364 : memref<128xi32, #tpu.memory_space<vmem>>) semaphore(%arg12 : memref<!tpu.dma_semaphore, #tpu.memory_space<semaphore_mem>>)
      %dma_wait3A_368 = arith.constant 23 : i32
      %dma_wait3A_369 = arith.constant 0 : i32
      %dma_wait3A_370 = tpu.memref_slice %arg7[%dma_wait3A_368, %dma_wait3A_369] : memref<32x128xi32, #tpu.memory_space<vmem>> -> memref<1x128xi32, #tpu.memory_space<vmem>>
      %dma_wait3A_371 = tpu.memref_squeeze %dma_wait3A_370 : memref<1x128xi32, #tpu.memory_space<vmem>> -> memref<128xi32, #tpu.memory_space<vmem>>
      %dma_wait3A_372 = arith.constant 0 : i32
      %dma_wait3A_373 = arith.constant 0 : i32
      %dma_wait3A_374 = tpu.memref_slice %arg4[%dma_wait3A_372, %dma_wait3A_373] : memref<10000x128xf32, #tpu.memory_space<hbm>> -> memref<10000x128xf32, #tpu.memory_space<hbm>>
      tpu.wait_indirect_dma semaphore(%arg13 : memref<!tpu.dma_semaphore, #tpu.memory_space<semaphore_mem>>) src(%dma_wait3A_374 : memref<10000x128xf32, #tpu.memory_space<hbm>>) dst(%arg10 : memref<128x128xf32, #tpu.memory_space<vmem>>)
      %run_scoped3A_375 = arith.constant 23 : i32
      "tpu.region"() ({
        %run_scoped3A_489 = tpu.sem_alloc : memref<!tpu.dma_semaphore, #tpu.memory_space<semaphore_mem>>
        %dma_start3A_490 = arith.constant 0 : i32
        %dma_start3A_491 = tpu.memref_slice %arg8[%run_scoped3A_375, %dma_start3A_490] : memref<32x128xi32, #tpu.memory_space<vmem>> -> memref<1x128xi32, #tpu.memory_space<vmem>>
        %dma_start3A_492 = tpu.memref_squeeze %dma_start3A_491 : memref<1x128xi32, #tpu.memory_space<vmem>> -> memref<128xi32, #tpu.memory_space<vmem>>
        %dma_start3A_493 = arith.constant 0 : i32
        %dma_start3A_494 = arith.constant 0 : i32
        %dma_start3A_495 = tpu.memref_slice %arg11[%dma_start3A_493, %dma_start3A_494] : memref<10240x128xf32, #tpu.memory_space<vmem_shared>> -> memref<10240x128xf32, #tpu.memory_space<vmem_shared>>
        tpu.enqueue_indirect_dma source(%arg10 : memref<128x128xf32, #tpu.memory_space<vmem>>) target(%dma_start3A_495 : memref<10240x128xf32, #tpu.memory_space<vmem_shared>>) offsets(%dma_start3A_492 : memref<128xi32, #tpu.memory_space<vmem>>) semaphore(%run_scoped3A_489 : memref<!tpu.dma_semaphore, #tpu.memory_space<semaphore_mem>>) {add = true}
        %dma_wait3A_496 = arith.constant 0 : i32
        %dma_wait3A_497 = tpu.memref_slice %arg8[%run_scoped3A_375, %dma_wait3A_496] : memref<32x128xi32, #tpu.memory_space<vmem>> -> memref<1x128xi32, #tpu.memory_space<vmem>>
        %dma_wait3A_498 = tpu.memref_squeeze %dma_wait3A_497 : memref<1x128xi32, #tpu.memory_space<vmem>> -> memref<128xi32, #tpu.memory_space<vmem>>
        %dma_wait3A_499 = arith.constant 0 : i32
        %dma_wait3A_500 = arith.constant 0 : i32
        %dma_wait3A_501 = tpu.memref_slice %arg11[%dma_wait3A_499, %dma_wait3A_500] : memref<10240x128xf32, #tpu.memory_space<vmem_shared>> -> memref<10240x128xf32, #tpu.memory_space<vmem_shared>>
        tpu.wait_indirect_dma semaphore(%run_scoped3A_489 : memref<!tpu.dma_semaphore, #tpu.memory_space<semaphore_mem>>) src(%arg10 : memref<128x128xf32, #tpu.memory_space<vmem>>) dst(%dma_wait3A_501 : memref<10240x128xf32, #tpu.memory_space<vmem_shared>>)
        tpu.yield
      }) : () -> ()
      %dma_start3A_376 = arith.constant 25 : i32
      %dma_start3A_377 = arith.constant 0 : i32
      %dma_start3A_378 = tpu.memref_slice %arg7[%dma_start3A_376, %dma_start3A_377] : memref<32x128xi32, #tpu.memory_space<vmem>> -> memref<1x128xi32, #tpu.memory_space<vmem>>
      %dma_start3A_379 = tpu.memref_squeeze %dma_start3A_378 : memref<1x128xi32, #tpu.memory_space<vmem>> -> memref<128xi32, #tpu.memory_space<vmem>>
      %dma_start3A_380 = arith.constant 0 : i32
      %dma_start3A_381 = arith.constant 0 : i32
      %dma_start3A_382 = tpu.memref_slice %arg4[%dma_start3A_380, %dma_start3A_381] : memref<10000x128xf32, #tpu.memory_space<hbm>> -> memref<10000x128xf32, #tpu.memory_space<hbm>>
      tpu.enqueue_indirect_dma source(%dma_start3A_382 : memref<10000x128xf32, #tpu.memory_space<hbm>>) target(%arg10 : memref<128x128xf32, #tpu.memory_space<vmem>>) offsets(%dma_start3A_379 : memref<128xi32, #tpu.memory_space<vmem>>) semaphore(%arg13 : memref<!tpu.dma_semaphore, #tpu.memory_space<semaphore_mem>>)
      %dma_wait3A_383 = arith.constant 24 : i32
      %dma_wait3A_384 = arith.constant 0 : i32
      %dma_wait3A_385 = tpu.memref_slice %arg7[%dma_wait3A_383, %dma_wait3A_384] : memref<32x128xi32, #tpu.memory_space<vmem>> -> memref<1x128xi32, #tpu.memory_space<vmem>>
      %dma_wait3A_386 = tpu.memref_squeeze %dma_wait3A_385 : memref<1x128xi32, #tpu.memory_space<vmem>> -> memref<128xi32, #tpu.memory_space<vmem>>
      %dma_wait3A_387 = arith.constant 0 : i32
      %dma_wait3A_388 = arith.constant 0 : i32
      %dma_wait3A_389 = tpu.memref_slice %arg4[%dma_wait3A_387, %dma_wait3A_388] : memref<10000x128xf32, #tpu.memory_space<hbm>> -> memref<10000x128xf32, #tpu.memory_space<hbm>>
      tpu.wait_indirect_dma semaphore(%arg12 : memref<!tpu.dma_semaphore, #tpu.memory_space<semaphore_mem>>) src(%dma_wait3A_389 : memref<10000x128xf32, #tpu.memory_space<hbm>>) dst(%arg9 : memref<128x128xf32, #tpu.memory_space<vmem>>)
      %run_scoped3A_390 = arith.constant 24 : i32
      "tpu.region"() ({
        %run_scoped3A_489 = tpu.sem_alloc : memref<!tpu.dma_semaphore, #tpu.memory_space<semaphore_mem>>
        %dma_start3A_490 = arith.constant 0 : i32
        %dma_start3A_491 = tpu.memref_slice %arg8[%run_scoped3A_390, %dma_start3A_490] : memref<32x128xi32, #tpu.memory_space<vmem>> -> memref<1x128xi32, #tpu.memory_space<vmem>>
        %dma_start3A_492 = tpu.memref_squeeze %dma_start3A_491 : memref<1x128xi32, #tpu.memory_space<vmem>> -> memref<128xi32, #tpu.memory_space<vmem>>
        %dma_start3A_493 = arith.constant 0 : i32
        %dma_start3A_494 = arith.constant 0 : i32
        %dma_start3A_495 = tpu.memref_slice %arg11[%dma_start3A_493, %dma_start3A_494] : memref<10240x128xf32, #tpu.memory_space<vmem_shared>> -> memref<10240x128xf32, #tpu.memory_space<vmem_shared>>
        tpu.enqueue_indirect_dma source(%arg9 : memref<128x128xf32, #tpu.memory_space<vmem>>) target(%dma_start3A_495 : memref<10240x128xf32, #tpu.memory_space<vmem_shared>>) offsets(%dma_start3A_492 : memref<128xi32, #tpu.memory_space<vmem>>) semaphore(%run_scoped3A_489 : memref<!tpu.dma_semaphore, #tpu.memory_space<semaphore_mem>>) {add = true}
        %dma_wait3A_496 = arith.constant 0 : i32
        %dma_wait3A_497 = tpu.memref_slice %arg8[%run_scoped3A_390, %dma_wait3A_496] : memref<32x128xi32, #tpu.memory_space<vmem>> -> memref<1x128xi32, #tpu.memory_space<vmem>>
        %dma_wait3A_498 = tpu.memref_squeeze %dma_wait3A_497 : memref<1x128xi32, #tpu.memory_space<vmem>> -> memref<128xi32, #tpu.memory_space<vmem>>
        %dma_wait3A_499 = arith.constant 0 : i32
        %dma_wait3A_500 = arith.constant 0 : i32
        %dma_wait3A_501 = tpu.memref_slice %arg11[%dma_wait3A_499, %dma_wait3A_500] : memref<10240x128xf32, #tpu.memory_space<vmem_shared>> -> memref<10240x128xf32, #tpu.memory_space<vmem_shared>>
        tpu.wait_indirect_dma semaphore(%run_scoped3A_489 : memref<!tpu.dma_semaphore, #tpu.memory_space<semaphore_mem>>) src(%arg9 : memref<128x128xf32, #tpu.memory_space<vmem>>) dst(%dma_wait3A_501 : memref<10240x128xf32, #tpu.memory_space<vmem_shared>>)
        tpu.yield
      }) : () -> ()
      %dma_start3A_391 = arith.constant 26 : i32
      %dma_start3A_392 = arith.constant 0 : i32
      %dma_start3A_393 = tpu.memref_slice %arg7[%dma_start3A_391, %dma_start3A_392] : memref<32x128xi32, #tpu.memory_space<vmem>> -> memref<1x128xi32, #tpu.memory_space<vmem>>
      %dma_start3A_394 = tpu.memref_squeeze %dma_start3A_393 : memref<1x128xi32, #tpu.memory_space<vmem>> -> memref<128xi32, #tpu.memory_space<vmem>>
      %dma_start3A_395 = arith.constant 0 : i32
      %dma_start3A_396 = arith.constant 0 : i32
      %dma_start3A_397 = tpu.memref_slice %arg4[%dma_start3A_395, %dma_start3A_396] : memref<10000x128xf32, #tpu.memory_space<hbm>> -> memref<10000x128xf32, #tpu.memory_space<hbm>>
      tpu.enqueue_indirect_dma source(%dma_start3A_397 : memref<10000x128xf32, #tpu.memory_space<hbm>>) target(%arg9 : memref<128x128xf32, #tpu.memory_space<vmem>>) offsets(%dma_start3A_394 : memref<128xi32, #tpu.memory_space<vmem>>) semaphore(%arg12 : memref<!tpu.dma_semaphore, #tpu.memory_space<semaphore_mem>>)
      %dma_wait3A_398 = arith.constant 25 : i32
      %dma_wait3A_399 = arith.constant 0 : i32
      %dma_wait3A_400 = tpu.memref_slice %arg7[%dma_wait3A_398, %dma_wait3A_399] : memref<32x128xi32, #tpu.memory_space<vmem>> -> memref<1x128xi32, #tpu.memory_space<vmem>>
      %dma_wait3A_401 = tpu.memref_squeeze %dma_wait3A_400 : memref<1x128xi32, #tpu.memory_space<vmem>> -> memref<128xi32, #tpu.memory_space<vmem>>
      %dma_wait3A_402 = arith.constant 0 : i32
      %dma_wait3A_403 = arith.constant 0 : i32
      %dma_wait3A_404 = tpu.memref_slice %arg4[%dma_wait3A_402, %dma_wait3A_403] : memref<10000x128xf32, #tpu.memory_space<hbm>> -> memref<10000x128xf32, #tpu.memory_space<hbm>>
      tpu.wait_indirect_dma semaphore(%arg13 : memref<!tpu.dma_semaphore, #tpu.memory_space<semaphore_mem>>) src(%dma_wait3A_404 : memref<10000x128xf32, #tpu.memory_space<hbm>>) dst(%arg10 : memref<128x128xf32, #tpu.memory_space<vmem>>)
      %run_scoped3A_405 = arith.constant 25 : i32
      "tpu.region"() ({
        %run_scoped3A_489 = tpu.sem_alloc : memref<!tpu.dma_semaphore, #tpu.memory_space<semaphore_mem>>
        %dma_start3A_490 = arith.constant 0 : i32
        %dma_start3A_491 = tpu.memref_slice %arg8[%run_scoped3A_405, %dma_start3A_490] : memref<32x128xi32, #tpu.memory_space<vmem>> -> memref<1x128xi32, #tpu.memory_space<vmem>>
        %dma_start3A_492 = tpu.memref_squeeze %dma_start3A_491 : memref<1x128xi32, #tpu.memory_space<vmem>> -> memref<128xi32, #tpu.memory_space<vmem>>
        %dma_start3A_493 = arith.constant 0 : i32
        %dma_start3A_494 = arith.constant 0 : i32
        %dma_start3A_495 = tpu.memref_slice %arg11[%dma_start3A_493, %dma_start3A_494] : memref<10240x128xf32, #tpu.memory_space<vmem_shared>> -> memref<10240x128xf32, #tpu.memory_space<vmem_shared>>
        tpu.enqueue_indirect_dma source(%arg10 : memref<128x128xf32, #tpu.memory_space<vmem>>) target(%dma_start3A_495 : memref<10240x128xf32, #tpu.memory_space<vmem_shared>>) offsets(%dma_start3A_492 : memref<128xi32, #tpu.memory_space<vmem>>) semaphore(%run_scoped3A_489 : memref<!tpu.dma_semaphore, #tpu.memory_space<semaphore_mem>>) {add = true}
        %dma_wait3A_496 = arith.constant 0 : i32
        %dma_wait3A_497 = tpu.memref_slice %arg8[%run_scoped3A_405, %dma_wait3A_496] : memref<32x128xi32, #tpu.memory_space<vmem>> -> memref<1x128xi32, #tpu.memory_space<vmem>>
        %dma_wait3A_498 = tpu.memref_squeeze %dma_wait3A_497 : memref<1x128xi32, #tpu.memory_space<vmem>> -> memref<128xi32, #tpu.memory_space<vmem>>
        %dma_wait3A_499 = arith.constant 0 : i32
        %dma_wait3A_500 = arith.constant 0 : i32
        %dma_wait3A_501 = tpu.memref_slice %arg11[%dma_wait3A_499, %dma_wait3A_500] : memref<10240x128xf32, #tpu.memory_space<vmem_shared>> -> memref<10240x128xf32, #tpu.memory_space<vmem_shared>>
        tpu.wait_indirect_dma semaphore(%run_scoped3A_489 : memref<!tpu.dma_semaphore, #tpu.memory_space<semaphore_mem>>) src(%arg10 : memref<128x128xf32, #tpu.memory_space<vmem>>) dst(%dma_wait3A_501 : memref<10240x128xf32, #tpu.memory_space<vmem_shared>>)
        tpu.yield
      }) : () -> ()
      %dma_start3A_406 = arith.constant 27 : i32
      %dma_start3A_407 = arith.constant 0 : i32
      %dma_start3A_408 = tpu.memref_slice %arg7[%dma_start3A_406, %dma_start3A_407] : memref<32x128xi32, #tpu.memory_space<vmem>> -> memref<1x128xi32, #tpu.memory_space<vmem>>
      %dma_start3A_409 = tpu.memref_squeeze %dma_start3A_408 : memref<1x128xi32, #tpu.memory_space<vmem>> -> memref<128xi32, #tpu.memory_space<vmem>>
      %dma_start3A_410 = arith.constant 0 : i32
      %dma_start3A_411 = arith.constant 0 : i32
      %dma_start3A_412 = tpu.memref_slice %arg4[%dma_start3A_410, %dma_start3A_411] : memref<10000x128xf32, #tpu.memory_space<hbm>> -> memref<10000x128xf32, #tpu.memory_space<hbm>>
      tpu.enqueue_indirect_dma source(%dma_start3A_412 : memref<10000x128xf32, #tpu.memory_space<hbm>>) target(%arg10 : memref<128x128xf32, #tpu.memory_space<vmem>>) offsets(%dma_start3A_409 : memref<128xi32, #tpu.memory_space<vmem>>) semaphore(%arg13 : memref<!tpu.dma_semaphore, #tpu.memory_space<semaphore_mem>>)
      %dma_wait3A_413 = arith.constant 26 : i32
      %dma_wait3A_414 = arith.constant 0 : i32
      %dma_wait3A_415 = tpu.memref_slice %arg7[%dma_wait3A_413, %dma_wait3A_414] : memref<32x128xi32, #tpu.memory_space<vmem>> -> memref<1x128xi32, #tpu.memory_space<vmem>>
      %dma_wait3A_416 = tpu.memref_squeeze %dma_wait3A_415 : memref<1x128xi32, #tpu.memory_space<vmem>> -> memref<128xi32, #tpu.memory_space<vmem>>
      %dma_wait3A_417 = arith.constant 0 : i32
      %dma_wait3A_418 = arith.constant 0 : i32
      %dma_wait3A_419 = tpu.memref_slice %arg4[%dma_wait3A_417, %dma_wait3A_418] : memref<10000x128xf32, #tpu.memory_space<hbm>> -> memref<10000x128xf32, #tpu.memory_space<hbm>>
      tpu.wait_indirect_dma semaphore(%arg12 : memref<!tpu.dma_semaphore, #tpu.memory_space<semaphore_mem>>) src(%dma_wait3A_419 : memref<10000x128xf32, #tpu.memory_space<hbm>>) dst(%arg9 : memref<128x128xf32, #tpu.memory_space<vmem>>)
      %run_scoped3A_420 = arith.constant 26 : i32
      "tpu.region"() ({
        %run_scoped3A_489 = tpu.sem_alloc : memref<!tpu.dma_semaphore, #tpu.memory_space<semaphore_mem>>
        %dma_start3A_490 = arith.constant 0 : i32
        %dma_start3A_491 = tpu.memref_slice %arg8[%run_scoped3A_420, %dma_start3A_490] : memref<32x128xi32, #tpu.memory_space<vmem>> -> memref<1x128xi32, #tpu.memory_space<vmem>>
        %dma_start3A_492 = tpu.memref_squeeze %dma_start3A_491 : memref<1x128xi32, #tpu.memory_space<vmem>> -> memref<128xi32, #tpu.memory_space<vmem>>
        %dma_start3A_493 = arith.constant 0 : i32
        %dma_start3A_494 = arith.constant 0 : i32
        %dma_start3A_495 = tpu.memref_slice %arg11[%dma_start3A_493, %dma_start3A_494] : memref<10240x128xf32, #tpu.memory_space<vmem_shared>> -> memref<10240x128xf32, #tpu.memory_space<vmem_shared>>
        tpu.enqueue_indirect_dma source(%arg9 : memref<128x128xf32, #tpu.memory_space<vmem>>) target(%dma_start3A_495 : memref<10240x128xf32, #tpu.memory_space<vmem_shared>>) offsets(%dma_start3A_492 : memref<128xi32, #tpu.memory_space<vmem>>) semaphore(%run_scoped3A_489 : memref<!tpu.dma_semaphore, #tpu.memory_space<semaphore_mem>>) {add = true}
        %dma_wait3A_496 = arith.constant 0 : i32
        %dma_wait3A_497 = tpu.memref_slice %arg8[%run_scoped3A_420, %dma_wait3A_496] : memref<32x128xi32, #tpu.memory_space<vmem>> -> memref<1x128xi32, #tpu.memory_space<vmem>>
        %dma_wait3A_498 = tpu.memref_squeeze %dma_wait3A_497 : memref<1x128xi32, #tpu.memory_space<vmem>> -> memref<128xi32, #tpu.memory_space<vmem>>
        %dma_wait3A_499 = arith.constant 0 : i32
        %dma_wait3A_500 = arith.constant 0 : i32
        %dma_wait3A_501 = tpu.memref_slice %arg11[%dma_wait3A_499, %dma_wait3A_500] : memref<10240x128xf32, #tpu.memory_space<vmem_shared>> -> memref<10240x128xf32, #tpu.memory_space<vmem_shared>>
        tpu.wait_indirect_dma semaphore(%run_scoped3A_489 : memref<!tpu.dma_semaphore, #tpu.memory_space<semaphore_mem>>) src(%arg9 : memref<128x128xf32, #tpu.memory_space<vmem>>) dst(%dma_wait3A_501 : memref<10240x128xf32, #tpu.memory_space<vmem_shared>>)
        tpu.yield
      }) : () -> ()
      %dma_start3A_421 = arith.constant 28 : i32
      %dma_start3A_422 = arith.constant 0 : i32
      %dma_start3A_423 = tpu.memref_slice %arg7[%dma_start3A_421, %dma_start3A_422] : memref<32x128xi32, #tpu.memory_space<vmem>> -> memref<1x128xi32, #tpu.memory_space<vmem>>
      %dma_start3A_424 = tpu.memref_squeeze %dma_start3A_423 : memref<1x128xi32, #tpu.memory_space<vmem>> -> memref<128xi32, #tpu.memory_space<vmem>>
      %dma_start3A_425 = arith.constant 0 : i32
      %dma_start3A_426 = arith.constant 0 : i32
      %dma_start3A_427 = tpu.memref_slice %arg4[%dma_start3A_425, %dma_start3A_426] : memref<10000x128xf32, #tpu.memory_space<hbm>> -> memref<10000x128xf32, #tpu.memory_space<hbm>>
      tpu.enqueue_indirect_dma source(%dma_start3A_427 : memref<10000x128xf32, #tpu.memory_space<hbm>>) target(%arg9 : memref<128x128xf32, #tpu.memory_space<vmem>>) offsets(%dma_start3A_424 : memref<128xi32, #tpu.memory_space<vmem>>) semaphore(%arg12 : memref<!tpu.dma_semaphore, #tpu.memory_space<semaphore_mem>>)
      %dma_wait3A_428 = arith.constant 27 : i32
      %dma_wait3A_429 = arith.constant 0 : i32
      %dma_wait3A_430 = tpu.memref_slice %arg7[%dma_wait3A_428, %dma_wait3A_429] : memref<32x128xi32, #tpu.memory_space<vmem>> -> memref<1x128xi32, #tpu.memory_space<vmem>>
      %dma_wait3A_431 = tpu.memref_squeeze %dma_wait3A_430 : memref<1x128xi32, #tpu.memory_space<vmem>> -> memref<128xi32, #tpu.memory_space<vmem>>
      %dma_wait3A_432 = arith.constant 0 : i32
      %dma_wait3A_433 = arith.constant 0 : i32
      %dma_wait3A_434 = tpu.memref_slice %arg4[%dma_wait3A_432, %dma_wait3A_433] : memref<10000x128xf32, #tpu.memory_space<hbm>> -> memref<10000x128xf32, #tpu.memory_space<hbm>>
      tpu.wait_indirect_dma semaphore(%arg13 : memref<!tpu.dma_semaphore, #tpu.memory_space<semaphore_mem>>) src(%dma_wait3A_434 : memref<10000x128xf32, #tpu.memory_space<hbm>>) dst(%arg10 : memref<128x128xf32, #tpu.memory_space<vmem>>)
      %run_scoped3A_435 = arith.constant 27 : i32
      "tpu.region"() ({
        %run_scoped3A_489 = tpu.sem_alloc : memref<!tpu.dma_semaphore, #tpu.memory_space<semaphore_mem>>
        %dma_start3A_490 = arith.constant 0 : i32
        %dma_start3A_491 = tpu.memref_slice %arg8[%run_scoped3A_435, %dma_start3A_490] : memref<32x128xi32, #tpu.memory_space<vmem>> -> memref<1x128xi32, #tpu.memory_space<vmem>>
        %dma_start3A_492 = tpu.memref_squeeze %dma_start3A_491 : memref<1x128xi32, #tpu.memory_space<vmem>> -> memref<128xi32, #tpu.memory_space<vmem>>
        %dma_start3A_493 = arith.constant 0 : i32
        %dma_start3A_494 = arith.constant 0 : i32
        %dma_start3A_495 = tpu.memref_slice %arg11[%dma_start3A_493, %dma_start3A_494] : memref<10240x128xf32, #tpu.memory_space<vmem_shared>> -> memref<10240x128xf32, #tpu.memory_space<vmem_shared>>
        tpu.enqueue_indirect_dma source(%arg10 : memref<128x128xf32, #tpu.memory_space<vmem>>) target(%dma_start3A_495 : memref<10240x128xf32, #tpu.memory_space<vmem_shared>>) offsets(%dma_start3A_492 : memref<128xi32, #tpu.memory_space<vmem>>) semaphore(%run_scoped3A_489 : memref<!tpu.dma_semaphore, #tpu.memory_space<semaphore_mem>>) {add = true}
        %dma_wait3A_496 = arith.constant 0 : i32
        %dma_wait3A_497 = tpu.memref_slice %arg8[%run_scoped3A_435, %dma_wait3A_496] : memref<32x128xi32, #tpu.memory_space<vmem>> -> memref<1x128xi32, #tpu.memory_space<vmem>>
        %dma_wait3A_498 = tpu.memref_squeeze %dma_wait3A_497 : memref<1x128xi32, #tpu.memory_space<vmem>> -> memref<128xi32, #tpu.memory_space<vmem>>
        %dma_wait3A_499 = arith.constant 0 : i32
        %dma_wait3A_500 = arith.constant 0 : i32
        %dma_wait3A_501 = tpu.memref_slice %arg11[%dma_wait3A_499, %dma_wait3A_500] : memref<10240x128xf32, #tpu.memory_space<vmem_shared>> -> memref<10240x128xf32, #tpu.memory_space<vmem_shared>>
        tpu.wait_indirect_dma semaphore(%run_scoped3A_489 : memref<!tpu.dma_semaphore, #tpu.memory_space<semaphore_mem>>) src(%arg10 : memref<128x128xf32, #tpu.memory_space<vmem>>) dst(%dma_wait3A_501 : memref<10240x128xf32, #tpu.memory_space<vmem_shared>>)
        tpu.yield
      }) : () -> ()
      %dma_start3A_436 = arith.constant 29 : i32
      %dma_start3A_437 = arith.constant 0 : i32
      %dma_start3A_438 = tpu.memref_slice %arg7[%dma_start3A_436, %dma_start3A_437] : memref<32x128xi32, #tpu.memory_space<vmem>> -> memref<1x128xi32, #tpu.memory_space<vmem>>
      %dma_start3A_439 = tpu.memref_squeeze %dma_start3A_438 : memref<1x128xi32, #tpu.memory_space<vmem>> -> memref<128xi32, #tpu.memory_space<vmem>>
      %dma_start3A_440 = arith.constant 0 : i32
      %dma_start3A_441 = arith.constant 0 : i32
      %dma_start3A_442 = tpu.memref_slice %arg4[%dma_start3A_440, %dma_start3A_441] : memref<10000x128xf32, #tpu.memory_space<hbm>> -> memref<10000x128xf32, #tpu.memory_space<hbm>>
      tpu.enqueue_indirect_dma source(%dma_start3A_442 : memref<10000x128xf32, #tpu.memory_space<hbm>>) target(%arg10 : memref<128x128xf32, #tpu.memory_space<vmem>>) offsets(%dma_start3A_439 : memref<128xi32, #tpu.memory_space<vmem>>) semaphore(%arg13 : memref<!tpu.dma_semaphore, #tpu.memory_space<semaphore_mem>>)
      %dma_wait3A_443 = arith.constant 28 : i32
      %dma_wait3A_444 = arith.constant 0 : i32
      %dma_wait3A_445 = tpu.memref_slice %arg7[%dma_wait3A_443, %dma_wait3A_444] : memref<32x128xi32, #tpu.memory_space<vmem>> -> memref<1x128xi32, #tpu.memory_space<vmem>>
      %dma_wait3A_446 = tpu.memref_squeeze %dma_wait3A_445 : memref<1x128xi32, #tpu.memory_space<vmem>> -> memref<128xi32, #tpu.memory_space<vmem>>
      %dma_wait3A_447 = arith.constant 0 : i32
      %dma_wait3A_448 = arith.constant 0 : i32
      %dma_wait3A_449 = tpu.memref_slice %arg4[%dma_wait3A_447, %dma_wait3A_448] : memref<10000x128xf32, #tpu.memory_space<hbm>> -> memref<10000x128xf32, #tpu.memory_space<hbm>>
      tpu.wait_indirect_dma semaphore(%arg12 : memref<!tpu.dma_semaphore, #tpu.memory_space<semaphore_mem>>) src(%dma_wait3A_449 : memref<10000x128xf32, #tpu.memory_space<hbm>>) dst(%arg9 : memref<128x128xf32, #tpu.memory_space<vmem>>)
      %run_scoped3A_450 = arith.constant 28 : i32
      "tpu.region"() ({
        %run_scoped3A_489 = tpu.sem_alloc : memref<!tpu.dma_semaphore, #tpu.memory_space<semaphore_mem>>
        %dma_start3A_490 = arith.constant 0 : i32
        %dma_start3A_491 = tpu.memref_slice %arg8[%run_scoped3A_450, %dma_start3A_490] : memref<32x128xi32, #tpu.memory_space<vmem>> -> memref<1x128xi32, #tpu.memory_space<vmem>>
        %dma_start3A_492 = tpu.memref_squeeze %dma_start3A_491 : memref<1x128xi32, #tpu.memory_space<vmem>> -> memref<128xi32, #tpu.memory_space<vmem>>
        %dma_start3A_493 = arith.constant 0 : i32
        %dma_start3A_494 = arith.constant 0 : i32
        %dma_start3A_495 = tpu.memref_slice %arg11[%dma_start3A_493, %dma_start3A_494] : memref<10240x128xf32, #tpu.memory_space<vmem_shared>> -> memref<10240x128xf32, #tpu.memory_space<vmem_shared>>
        tpu.enqueue_indirect_dma source(%arg9 : memref<128x128xf32, #tpu.memory_space<vmem>>) target(%dma_start3A_495 : memref<10240x128xf32, #tpu.memory_space<vmem_shared>>) offsets(%dma_start3A_492 : memref<128xi32, #tpu.memory_space<vmem>>) semaphore(%run_scoped3A_489 : memref<!tpu.dma_semaphore, #tpu.memory_space<semaphore_mem>>) {add = true}
        %dma_wait3A_496 = arith.constant 0 : i32
        %dma_wait3A_497 = tpu.memref_slice %arg8[%run_scoped3A_450, %dma_wait3A_496] : memref<32x128xi32, #tpu.memory_space<vmem>> -> memref<1x128xi32, #tpu.memory_space<vmem>>
        %dma_wait3A_498 = tpu.memref_squeeze %dma_wait3A_497 : memref<1x128xi32, #tpu.memory_space<vmem>> -> memref<128xi32, #tpu.memory_space<vmem>>
        %dma_wait3A_499 = arith.constant 0 : i32
        %dma_wait3A_500 = arith.constant 0 : i32
        %dma_wait3A_501 = tpu.memref_slice %arg11[%dma_wait3A_499, %dma_wait3A_500] : memref<10240x128xf32, #tpu.memory_space<vmem_shared>> -> memref<10240x128xf32, #tpu.memory_space<vmem_shared>>
        tpu.wait_indirect_dma semaphore(%run_scoped3A_489 : memref<!tpu.dma_semaphore, #tpu.memory_space<semaphore_mem>>) src(%arg9 : memref<128x128xf32, #tpu.memory_space<vmem>>) dst(%dma_wait3A_501 : memref<10240x128xf32, #tpu.memory_space<vmem_shared>>)
        tpu.yield
      }) : () -> ()
      %dma_start3A_451 = arith.constant 30 : i32
      %dma_start3A_452 = arith.constant 0 : i32
      %dma_start3A_453 = tpu.memref_slice %arg7[%dma_start3A_451, %dma_start3A_452] : memref<32x128xi32, #tpu.memory_space<vmem>> -> memref<1x128xi32, #tpu.memory_space<vmem>>
      %dma_start3A_454 = tpu.memref_squeeze %dma_start3A_453 : memref<1x128xi32, #tpu.memory_space<vmem>> -> memref<128xi32, #tpu.memory_space<vmem>>
      %dma_start3A_455 = arith.constant 0 : i32
      %dma_start3A_456 = arith.constant 0 : i32
      %dma_start3A_457 = tpu.memref_slice %arg4[%dma_start3A_455, %dma_start3A_456] : memref<10000x128xf32, #tpu.memory_space<hbm>> -> memref<10000x128xf32, #tpu.memory_space<hbm>>
      tpu.enqueue_indirect_dma source(%dma_start3A_457 : memref<10000x128xf32, #tpu.memory_space<hbm>>) target(%arg9 : memref<128x128xf32, #tpu.memory_space<vmem>>) offsets(%dma_start3A_454 : memref<128xi32, #tpu.memory_space<vmem>>) semaphore(%arg12 : memref<!tpu.dma_semaphore, #tpu.memory_space<semaphore_mem>>)
      %dma_wait3A_458 = arith.constant 29 : i32
      %dma_wait3A_459 = arith.constant 0 : i32
      %dma_wait3A_460 = tpu.memref_slice %arg7[%dma_wait3A_458, %dma_wait3A_459] : memref<32x128xi32, #tpu.memory_space<vmem>> -> memref<1x128xi32, #tpu.memory_space<vmem>>
      %dma_wait3A_461 = tpu.memref_squeeze %dma_wait3A_460 : memref<1x128xi32, #tpu.memory_space<vmem>> -> memref<128xi32, #tpu.memory_space<vmem>>
      %dma_wait3A_462 = arith.constant 0 : i32
      %dma_wait3A_463 = arith.constant 0 : i32
      %dma_wait3A_464 = tpu.memref_slice %arg4[%dma_wait3A_462, %dma_wait3A_463] : memref<10000x128xf32, #tpu.memory_space<hbm>> -> memref<10000x128xf32, #tpu.memory_space<hbm>>
      tpu.wait_indirect_dma semaphore(%arg13 : memref<!tpu.dma_semaphore, #tpu.memory_space<semaphore_mem>>) src(%dma_wait3A_464 : memref<10000x128xf32, #tpu.memory_space<hbm>>) dst(%arg10 : memref<128x128xf32, #tpu.memory_space<vmem>>)
      %run_scoped3A_465 = arith.constant 29 : i32
      "tpu.region"() ({
        %run_scoped3A_489 = tpu.sem_alloc : memref<!tpu.dma_semaphore, #tpu.memory_space<semaphore_mem>>
        %dma_start3A_490 = arith.constant 0 : i32
        %dma_start3A_491 = tpu.memref_slice %arg8[%run_scoped3A_465, %dma_start3A_490] : memref<32x128xi32, #tpu.memory_space<vmem>> -> memref<1x128xi32, #tpu.memory_space<vmem>>
        %dma_start3A_492 = tpu.memref_squeeze %dma_start3A_491 : memref<1x128xi32, #tpu.memory_space<vmem>> -> memref<128xi32, #tpu.memory_space<vmem>>
        %dma_start3A_493 = arith.constant 0 : i32
        %dma_start3A_494 = arith.constant 0 : i32
        %dma_start3A_495 = tpu.memref_slice %arg11[%dma_start3A_493, %dma_start3A_494] : memref<10240x128xf32, #tpu.memory_space<vmem_shared>> -> memref<10240x128xf32, #tpu.memory_space<vmem_shared>>
        tpu.enqueue_indirect_dma source(%arg10 : memref<128x128xf32, #tpu.memory_space<vmem>>) target(%dma_start3A_495 : memref<10240x128xf32, #tpu.memory_space<vmem_shared>>) offsets(%dma_start3A_492 : memref<128xi32, #tpu.memory_space<vmem>>) semaphore(%run_scoped3A_489 : memref<!tpu.dma_semaphore, #tpu.memory_space<semaphore_mem>>) {add = true}
        %dma_wait3A_496 = arith.constant 0 : i32
        %dma_wait3A_497 = tpu.memref_slice %arg8[%run_scoped3A_465, %dma_wait3A_496] : memref<32x128xi32, #tpu.memory_space<vmem>> -> memref<1x128xi32, #tpu.memory_space<vmem>>
        %dma_wait3A_498 = tpu.memref_squeeze %dma_wait3A_497 : memref<1x128xi32, #tpu.memory_space<vmem>> -> memref<128xi32, #tpu.memory_space<vmem>>
        %dma_wait3A_499 = arith.constant 0 : i32
        %dma_wait3A_500 = arith.constant 0 : i32
        %dma_wait3A_501 = tpu.memref_slice %arg11[%dma_wait3A_499, %dma_wait3A_500] : memref<10240x128xf32, #tpu.memory_space<vmem_shared>> -> memref<10240x128xf32, #tpu.memory_space<vmem_shared>>
        tpu.wait_indirect_dma semaphore(%run_scoped3A_489 : memref<!tpu.dma_semaphore, #tpu.memory_space<semaphore_mem>>) src(%arg10 : memref<128x128xf32, #tpu.memory_space<vmem>>) dst(%dma_wait3A_501 : memref<10240x128xf32, #tpu.memory_space<vmem_shared>>)
        tpu.yield
      }) : () -> ()
      %dma_start3A_466 = arith.constant 31 : i32
      %dma_start3A_467 = arith.constant 0 : i32
      %dma_start3A_468 = tpu.memref_slice %arg7[%dma_start3A_466, %dma_start3A_467] : memref<32x128xi32, #tpu.memory_space<vmem>> -> memref<1x128xi32, #tpu.memory_space<vmem>>
      %dma_start3A_469 = tpu.memref_squeeze %dma_start3A_468 : memref<1x128xi32, #tpu.memory_space<vmem>> -> memref<128xi32, #tpu.memory_space<vmem>>
      %dma_start3A_470 = arith.constant 0 : i32
      %dma_start3A_471 = arith.constant 0 : i32
      %dma_start3A_472 = tpu.memref_slice %arg4[%dma_start3A_470, %dma_start3A_471] : memref<10000x128xf32, #tpu.memory_space<hbm>> -> memref<10000x128xf32, #tpu.memory_space<hbm>>
      tpu.enqueue_indirect_dma source(%dma_start3A_472 : memref<10000x128xf32, #tpu.memory_space<hbm>>) target(%arg10 : memref<128x128xf32, #tpu.memory_space<vmem>>) offsets(%dma_start3A_469 : memref<128xi32, #tpu.memory_space<vmem>>) semaphore(%arg13 : memref<!tpu.dma_semaphore, #tpu.memory_space<semaphore_mem>>)
      %dma_wait3A_473 = arith.constant 30 : i32
      %dma_wait3A_474 = arith.constant 0 : i32
      %dma_wait3A_475 = tpu.memref_slice %arg7[%dma_wait3A_473, %dma_wait3A_474] : memref<32x128xi32, #tpu.memory_space<vmem>> -> memref<1x128xi32, #tpu.memory_space<vmem>>
      %dma_wait3A_476 = tpu.memref_squeeze %dma_wait3A_475 : memref<1x128xi32, #tpu.memory_space<vmem>> -> memref<128xi32, #tpu.memory_space<vmem>>
      %dma_wait3A_477 = arith.constant 0 : i32
      %dma_wait3A_478 = arith.constant 0 : i32
      %dma_wait3A_479 = tpu.memref_slice %arg4[%dma_wait3A_477, %dma_wait3A_478] : memref<10000x128xf32, #tpu.memory_space<hbm>> -> memref<10000x128xf32, #tpu.memory_space<hbm>>
      tpu.wait_indirect_dma semaphore(%arg12 : memref<!tpu.dma_semaphore, #tpu.memory_space<semaphore_mem>>) src(%dma_wait3A_479 : memref<10000x128xf32, #tpu.memory_space<hbm>>) dst(%arg9 : memref<128x128xf32, #tpu.memory_space<vmem>>)
      %run_scoped3A_480 = arith.constant 30 : i32
      "tpu.region"() ({
        %run_scoped3A_489 = tpu.sem_alloc : memref<!tpu.dma_semaphore, #tpu.memory_space<semaphore_mem>>
        %dma_start3A_490 = arith.constant 0 : i32
        %dma_start3A_491 = tpu.memref_slice %arg8[%run_scoped3A_480, %dma_start3A_490] : memref<32x128xi32, #tpu.memory_space<vmem>> -> memref<1x128xi32, #tpu.memory_space<vmem>>
        %dma_start3A_492 = tpu.memref_squeeze %dma_start3A_491 : memref<1x128xi32, #tpu.memory_space<vmem>> -> memref<128xi32, #tpu.memory_space<vmem>>
        %dma_start3A_493 = arith.constant 0 : i32
        %dma_start3A_494 = arith.constant 0 : i32
        %dma_start3A_495 = tpu.memref_slice %arg11[%dma_start3A_493, %dma_start3A_494] : memref<10240x128xf32, #tpu.memory_space<vmem_shared>> -> memref<10240x128xf32, #tpu.memory_space<vmem_shared>>
        tpu.enqueue_indirect_dma source(%arg9 : memref<128x128xf32, #tpu.memory_space<vmem>>) target(%dma_start3A_495 : memref<10240x128xf32, #tpu.memory_space<vmem_shared>>) offsets(%dma_start3A_492 : memref<128xi32, #tpu.memory_space<vmem>>) semaphore(%run_scoped3A_489 : memref<!tpu.dma_semaphore, #tpu.memory_space<semaphore_mem>>) {add = true}
        %dma_wait3A_496 = arith.constant 0 : i32
        %dma_wait3A_497 = tpu.memref_slice %arg8[%run_scoped3A_480, %dma_wait3A_496] : memref<32x128xi32, #tpu.memory_space<vmem>> -> memref<1x128xi32, #tpu.memory_space<vmem>>
        %dma_wait3A_498 = tpu.memref_squeeze %dma_wait3A_497 : memref<1x128xi32, #tpu.memory_space<vmem>> -> memref<128xi32, #tpu.memory_space<vmem>>
        %dma_wait3A_499 = arith.constant 0 : i32
        %dma_wait3A_500 = arith.constant 0 : i32
        %dma_wait3A_501 = tpu.memref_slice %arg11[%dma_wait3A_499, %dma_wait3A_500] : memref<10240x128xf32, #tpu.memory_space<vmem_shared>> -> memref<10240x128xf32, #tpu.memory_space<vmem_shared>>
        tpu.wait_indirect_dma semaphore(%run_scoped3A_489 : memref<!tpu.dma_semaphore, #tpu.memory_space<semaphore_mem>>) src(%arg9 : memref<128x128xf32, #tpu.memory_space<vmem>>) dst(%dma_wait3A_501 : memref<10240x128xf32, #tpu.memory_space<vmem_shared>>)
        tpu.yield
      }) : () -> ()
      %dma_wait3A_481 = arith.constant 31 : i32
      %dma_wait3A_482 = arith.constant 0 : i32
      %dma_wait3A_483 = tpu.memref_slice %arg7[%dma_wait3A_481, %dma_wait3A_482] : memref<32x128xi32, #tpu.memory_space<vmem>> -> memref<1x128xi32, #tpu.memory_space<vmem>>
      %dma_wait3A_484 = tpu.memref_squeeze %dma_wait3A_483 : memref<1x128xi32, #tpu.memory_space<vmem>> -> memref<128xi32, #tpu.memory_space<vmem>>
      %dma_wait3A_485 = arith.constant 0 : i32
      %dma_wait3A_486 = arith.constant 0 : i32
      %dma_wait3A_487 = tpu.memref_slice %arg4[%dma_wait3A_485, %dma_wait3A_486] : memref<10000x128xf32, #tpu.memory_space<hbm>> -> memref<10000x128xf32, #tpu.memory_space<hbm>>
      tpu.wait_indirect_dma semaphore(%arg13 : memref<!tpu.dma_semaphore, #tpu.memory_space<semaphore_mem>>) src(%dma_wait3A_487 : memref<10000x128xf32, #tpu.memory_space<hbm>>) dst(%arg10 : memref<128x128xf32, #tpu.memory_space<vmem>>)
      %run_scoped3A_488 = arith.constant 31 : i32
      "tpu.region"() ({
        %run_scoped3A_489 = tpu.sem_alloc : memref<!tpu.dma_semaphore, #tpu.memory_space<semaphore_mem>>
        %dma_start3A_490 = arith.constant 0 : i32
        %dma_start3A_491 = tpu.memref_slice %arg8[%run_scoped3A_488, %dma_start3A_490] : memref<32x128xi32, #tpu.memory_space<vmem>> -> memref<1x128xi32, #tpu.memory_space<vmem>>
        %dma_start3A_492 = tpu.memref_squeeze %dma_start3A_491 : memref<1x128xi32, #tpu.memory_space<vmem>> -> memref<128xi32, #tpu.memory_space<vmem>>
        %dma_start3A_493 = arith.constant 0 : i32
        %dma_start3A_494 = arith.constant 0 : i32
        %dma_start3A_495 = tpu.memref_slice %arg11[%dma_start3A_493, %dma_start3A_494] : memref<10240x128xf32, #tpu.memory_space<vmem_shared>> -> memref<10240x128xf32, #tpu.memory_space<vmem_shared>>
        tpu.enqueue_indirect_dma source(%arg10 : memref<128x128xf32, #tpu.memory_space<vmem>>) target(%dma_start3A_495 : memref<10240x128xf32, #tpu.memory_space<vmem_shared>>) offsets(%dma_start3A_492 : memref<128xi32, #tpu.memory_space<vmem>>) semaphore(%run_scoped3A_489 : memref<!tpu.dma_semaphore, #tpu.memory_space<semaphore_mem>>) {add = true}
        %dma_wait3A_496 = arith.constant 0 : i32
        %dma_wait3A_497 = tpu.memref_slice %arg8[%run_scoped3A_488, %dma_wait3A_496] : memref<32x128xi32, #tpu.memory_space<vmem>> -> memref<1x128xi32, #tpu.memory_space<vmem>>
        %dma_wait3A_498 = tpu.memref_squeeze %dma_wait3A_497 : memref<1x128xi32, #tpu.memory_space<vmem>> -> memref<128xi32, #tpu.memory_space<vmem>>
        %dma_wait3A_499 = arith.constant 0 : i32
        %dma_wait3A_500 = arith.constant 0 : i32
        %dma_wait3A_501 = tpu.memref_slice %arg11[%dma_wait3A_499, %dma_wait3A_500] : memref<10240x128xf32, #tpu.memory_space<vmem_shared>> -> memref<10240x128xf32, #tpu.memory_space<vmem_shared>>
        tpu.wait_indirect_dma semaphore(%run_scoped3A_489 : memref<!tpu.dma_semaphore, #tpu.memory_space<semaphore_mem>>) src(%arg10 : memref<128x128xf32, #tpu.memory_space<vmem>>) dst(%dma_wait3A_501 : memref<10240x128xf32, #tpu.memory_space<vmem_shared>>)
        tpu.yield
      }) : () -> ()
    }
    %scan3A_5 = arith.constant 5 : i32
    %barrier3A_6 = arith.constant 0 : index
    tpu.barrier barrier_id(%barrier3A_6)
    %mul3A_7 = arith.constant 640 : i32
    %mul3A_8 = arith.muli %arg1, %mul3A_7 : i32
    %mul3A_9 = arith.constant 640 : i32
    %mul3A_10 = arith.muli %arg1, %mul3A_9 : i32
    "tpu.region"() ({
      %run_scoped3A = tpu.sem_alloc : memref<!tpu.dma_semaphore, #tpu.memory_space<semaphore_mem>>
      %dma_start3A = arith.constant 0 : i32
      %dma_start3A_11 = tpu.memref_slice %arg6[%arg0, %mul3A_10, %dma_start3A] : memref<2x10240x128xf32, #tpu.memory_space<hbm>> -> memref<1x640x128xf32, #tpu.memory_space<hbm>>
      %dma_start3A_12 = tpu.memref_squeeze %dma_start3A_11 : memref<1x640x128xf32, #tpu.memory_space<hbm>> -> memref<640x128xf32, #tpu.memory_space<hbm>>
      %dma_start3A_13 = arith.constant 0 : i32
      %dma_start3A_14 = tpu.memref_slice %arg11[%mul3A_8, %dma_start3A_13] : memref<10240x128xf32, #tpu.memory_space<vmem_shared>> -> memref<640x128xf32, #tpu.memory_space<vmem_shared>>
      tpu.enqueue_dma source(%dma_start3A_14 : memref<640x128xf32, #tpu.memory_space<vmem_shared>>) target(%dma_start3A_12 : memref<640x128xf32, #tpu.memory_space<hbm>>) target_semaphore(%run_scoped3A : memref<!tpu.dma_semaphore, #tpu.memory_space<semaphore_mem>>)
      %dma_wait3A = arith.constant 0 : i32
      %dma_wait3A_15 = tpu.memref_slice %arg6[%arg0, %mul3A_10, %dma_wait3A] : memref<2x10240x128xf32, #tpu.memory_space<hbm>> -> memref<1x640x128xf32, #tpu.memory_space<hbm>>
      %dma_wait3A_16 = tpu.memref_squeeze %dma_wait3A_15 : memref<1x640x128xf32, #tpu.memory_space<hbm>> -> memref<640x128xf32, #tpu.memory_space<hbm>>
      %dma_wait3A_17 = arith.constant 0 : i32
      %dma_wait3A_18 = tpu.memref_slice %arg11[%mul3A_8, %dma_wait3A_17] : memref<10240x128xf32, #tpu.memory_space<vmem_shared>> -> memref<640x128xf32, #tpu.memory_space<vmem_shared>>
      tpu.wait_dma2 semaphore(%run_scoped3A : memref<!tpu.dma_semaphore, #tpu.memory_space<semaphore_mem>>) src(%dma_wait3A_18 : memref<640x128xf32, #tpu.memory_space<vmem_shared>>) dst(%dma_wait3A_16 : memref<640x128xf32, #tpu.memory_space<hbm>>)
      tpu.yield
    }) : () -> ()
    return
  }
}

module attributes {stable_mosaic.version = 14 : i64} {
  func.func @_tc_body(%arg0: i32, %arg1: memref<1000x128xf32, #tpu.memory_space<vmem>>, %arg2: memref<2x1000x128xf32, #tpu.memory_space<vmem>>, %arg3: memref<3x128x128xf32, #tpu.memory_space<vmem>>, %arg4: memref<1000x128xf32, #tpu.memory_space<vmem>>) attributes {dimension_semantics = [#tpu.dimension_semantics<arbitrary>], iteration_bounds = array<i64: 10>, scalar_prefetch = 0 : i64, scratch_operands = 0 : i64, tpu.core_type = #tpu.core_type<tc>, window_params = [{transform_indices = @transform_0, window_bounds = array<i64: 1000, 128>}, {transform_indices = @transform_1, window_bounds = array<i64: 2, 1000, 128>}, {pipeline_mode = #tpu.pipeline_mode<synchronous>, transform_indices = @transform_2, window_bounds = array<i64: 3, 128, 128>}, {transform_indices = @transform_3, window_bounds = array<i64: 1000, 128>}]} {
    %get3A = arith.constant 0 : index
    %get3A_0 = arith.constant 0 : index
    %get3A_1 = vector.load %arg1[%get3A, %get3A_0] : memref<1000x128xf32, #tpu.memory_space<vmem>>, vector<1000x128xf32>
    %get3A_2 = arith.constant 0 : index
    %get3A_3 = arith.constant 0 : index
    %get3A_4 = arith.constant 0 : index
    %get3A_5 = vector.load %arg3[%get3A_2, %get3A_3, %get3A_4] : memref<3x128x128xf32, #tpu.memory_space<vmem>>, vector<1x128x128xf32>
    %get3A_6 = vector.shape_cast %get3A_5 : vector<1x128x128xf32> to vector<128x128xf32>
    %dot_general3A = arith.constant dense<0.000000e+00> : vector<1000x128xf32>
    %dot_general3A_7 = tpu.matmul %get3A_1, %get3A_6, %dot_general3A {dimension_numbers = #tpu.dot_dimension_numbers<[1], [1], [0], [0], [0, 0, 1, 0], [], []>, transpose_lhs_hint = false} : vector<1000x128xf32>, vector<128x128xf32>, vector<1000x128xf32> -> vector<1000x128xf32>
    %get3A_8 = arith.constant 0 : index
    %get3A_9 = arith.constant 0 : index
    %get3A_10 = arith.constant 0 : index
    %get3A_11 = vector.load %arg2[%get3A_8, %get3A_9, %get3A_10] : memref<2x1000x128xf32, #tpu.memory_space<vmem>>, vector<1x1000x128xf32>
    %get3A_12 = vector.shape_cast %get3A_11 : vector<1x1000x128xf32> to vector<1000x128xf32>
    %get3A_13 = arith.constant 1 : index
    %get3A_14 = arith.constant 0 : index
    %get3A_15 = arith.constant 0 : index
    %get3A_16 = vector.load %arg3[%get3A_13, %get3A_14, %get3A_15] : memref<3x128x128xf32, #tpu.memory_space<vmem>>, vector<1x128x128xf32>
    %get3A_17 = vector.shape_cast %get3A_16 : vector<1x128x128xf32> to vector<128x128xf32>
    %dot_general3A_18 = arith.constant dense<0.000000e+00> : vector<1000x128xf32>
    %dot_general3A_19 = tpu.matmul %get3A_12, %get3A_17, %dot_general3A_18 {dimension_numbers = #tpu.dot_dimension_numbers<[1], [1], [0], [0], [0, 0, 1, 0], [], []>, transpose_lhs_hint = false} : vector<1000x128xf32>, vector<128x128xf32>, vector<1000x128xf32> -> vector<1000x128xf32>
    %add3A = arith.addf %dot_general3A_7, %dot_general3A_19 : vector<1000x128xf32>
    %get3A_20 = arith.constant 1 : index
    %get3A_21 = arith.constant 0 : index
    %get3A_22 = arith.constant 0 : index
    %get3A_23 = vector.load %arg2[%get3A_20, %get3A_21, %get3A_22] : memref<2x1000x128xf32, #tpu.memory_space<vmem>>, vector<1x1000x128xf32>
    %get3A_24 = vector.shape_cast %get3A_23 : vector<1x1000x128xf32> to vector<1000x128xf32>
    %get3A_25 = arith.constant 2 : index
    %get3A_26 = arith.constant 0 : index
    %get3A_27 = arith.constant 0 : index
    %get3A_28 = vector.load %arg3[%get3A_25, %get3A_26, %get3A_27] : memref<3x128x128xf32, #tpu.memory_space<vmem>>, vector<1x128x128xf32>
    %get3A_29 = vector.shape_cast %get3A_28 : vector<1x128x128xf32> to vector<128x128xf32>
    %dot_general3A_30 = arith.constant dense<0.000000e+00> : vector<1000x128xf32>
    %dot_general3A_31 = tpu.matmul %get3A_24, %get3A_29, %dot_general3A_30 {dimension_numbers = #tpu.dot_dimension_numbers<[1], [1], [0], [0], [0, 0, 1, 0], [], []>, transpose_lhs_hint = false} : vector<1000x128xf32>, vector<128x128xf32>, vector<1000x128xf32> -> vector<1000x128xf32>
    %add3A_32 = arith.addf %add3A, %dot_general3A_31 : vector<1000x128xf32>
    %swap3A = arith.constant 0 : index
    %swap3A_33 = arith.constant 0 : index
    %swap3A_34 = vector.load %arg4[%swap3A, %swap3A_33] : memref<1000x128xf32, #tpu.memory_space<vmem>>, vector<1000x128xf32>
    tpu.vector_store %arg4[%swap3A, %swap3A_33], %add3A_32 {strides = array<i32>} : memref<1000x128xf32, #tpu.memory_space<vmem>>, vector<1000x128xf32>,
    return
  }
  func.func @transform_0(%arg0: i32) -> (i32, i32) {
    %c0_i32 = arith.constant 0 : i32
    %c0_i32_0 = arith.constant 0 : i32
    return %arg0, %c0_i32 : i32, i32
  }
  func.func @transform_1(%arg0: i32) -> (i32, i32, i32) {
    %c0_i32 = arith.constant 0 : i32
    %c0_i32_0 = arith.constant 0 : i32
    %c0_i32_1 = arith.constant 0 : i32
    return %c0_i32, %arg0, %c0_i32_0 : i32, i32, i32
  }
  func.func @transform_2(%arg0: i32) -> (i32, i32, i32) {
    %c0_i32 = arith.constant 0 : i32
    %c0_i32_0 = arith.constant 0 : i32
    %c0_i32_1 = arith.constant 0 : i32
    %c0_i32_2 = arith.constant 0 : i32
    return %c0_i32, %c0_i32_0, %c0_i32_1 : i32, i32, i32
  }
  func.func @transform_3(%arg0: i32) -> (i32, i32) {
    %c0_i32 = arith.constant 0 : i32
    %c0_i32_0 = arith.constant 0 : i32
    return %arg0, %c0_i32 : i32, i32
  }
}

</mosaic_0001>

<sc_bundles>
// kernel: kernel.4.cloned.1.call-start
scs
__scs_entry_jumppad:
0x0: {  	(pc) =	sbr.rel $0x88, $3  }
0x1: {  	(tag) =	ssettag $0x0;
	lr =	simm.s32 $0x1  }
0x2: {  	[smem:$0x3F9C] =	sst lr;
	_ =	strace $0xD0000000  }
0x3: {  	_ = 	snop  }
0x4: {  	_ = 	snop  }
0x5: {  	_ = 	snop  }
0x6: {  	_ = 	snop  }
0x7: {  	_ = 	snop  }
__scs_overlays_trampoline_lowered:
0x8: {  	[smem:$0x3FAB] =	sst s0  }
0x9: {  	[smem:$0x3FAC] =	sst s1  }
0xa: {  	[smem:$0x3FAD] =	sst s2  }
0xb: {  	[smem:$0x3FAE] =	sst s3  }
0xc: {  	[smem:$0x3FAF] =	sst s4  }
0xd: {  	[smem:$0x3FB0] =	sst s5  }
0xe: {  	[smem:$0x3FB1] =	sst s6  }
0xf: {  	[smem:$0x3FB2] =	sst s7  }
0x10: {  	[smem:$0x3FB3] =	sst s8  }
0x11: {  	[smem:$0x3FB4] =	sst s9;
	s0 =	simm.s32 @!p0 $0x0  }
0x12: {  	s1 =	sld [smem:$0x3F9A];
	s0 =	simm.s32 @p0 $0x1  }
0x13: {  	[smem:$0x3FB5] =	sst s0;
	s0 =	simm.s32 @!p1 $0x0  }
0x14: {  	s2 =	sld [smem:$0x3F99];
	s0 =	simm.s32 @p1 $0x1  }
0x15: {  	[smem:$0x3FB6] =	sst s0;
	s0 =	simm.s32 @!p2 $0x0  }
0x16: {  	s3 =	sld [smem:$0x3FDB];
	s0 =	simm.s32 @p2 $0x1  }
0x17: {  	s4 =	simm.s32 $0x1BF5;
	[smem:$0x3FB8] =	sst s0  }
0x18: {  	s0 =	sld [smem:$0x3F9B];
	_ =	swait.ge [sflag:s4], $0x0  }
0x19: {  	s7 =	sld [smem:$0x3F9C]  }
0x1a: {  	s8 =	sadd.s32 $0xFFFFE003, lr  }
0x1b: {  	s9 =	sadd.s32 $0xFFFFFEF7, lr;
	s5 =	simm.s32 $0xFFFFFFFF;
	p2 =	slt.u32 s8, $0xFFFFF086  }
0x1c: {  	p1 =	slt.u32 s9, $0xF7A;
	s5 =	simm.s32 @!p2 $0x0  }
0x1d: {  	s5 =	simm.s32 @p1 $0x1;
	p0 =	seq.s32 s7, s2  }
0x1e: {  	s7 =	smul.u32 @!p0 $0xF7A, s2;
	p2 =	seq.s32 @!p0 s5, $0x0  }
0x1f: {  	s9 =	smul.u32 $0xF7A, s1;
	s8 =	simm.s32 @!p0 $0x1BF5;
	p2 =	por !p2, p0  }
0x20: {  	[sflag:s8] =	ssyncset.s32 @!p0 $0xFFFFF086;
	s6 =	sadd.s32 @!p0 s3, s7;
	s7 =	simm.s32 @!p0 $0x108  }
0x21: {  	s3 =	sadd.s32 s3, s9;
	s6 =	sadd.s32 @!p0 $0x88, s6;
	s7 =	simm.s32 @p2 $0x1082  }
0x22: {  	[simem:s7], [sflag:s8] =	dma.local @!p0 [hbm:s6], $0xF7A  }
0x23: {  	s9 =	sor.u32 $0xD0000000, s2;
	s6 =	simm.s32 $0x108;
	_ =	swait.ge @!p0 [sflag:s8], $0x0  }
0x24: {  	s3 =	sadd.s32 $0x88, s3;
	s6 =	simm.s32 @!p1 $0x1082;
	[sflag:s4] =	ssyncset.s32 $0xFFFFF086  }
0x25: {  	[simem:s6], [sflag:s4] =	dma.local [hbm:s3], $0xF7A  }
0x26: {  	[smem:$0x3F9C] =	sst s1;
	(tag) =	ssettag s2;
	_ =	strace s9  }
0x27: {  	s1 =	sld [smem:$0x3FAC]  }
0x28: {  	s2 =	sld [smem:$0x3FAD]  }
0x29: {  	s4 =	sld [smem:$0x3FAF]  }
0x2a: {  	p0 =	seq.s32 s5, $0x0;
	s5 =	sld [smem:$0x3FB0]  }
0x2b: {  	s6 =	sld [smem:$0x3FB1]  }
0x2c: {  	s7 =	sld [smem:$0x3FB2]  }
0x2d: {  	s3 =	simm.s32 $0x108;
	s8 =	sld [smem:$0x3FB3]  }
0x2e: {  	s3 =	simm.s32 @!p0 $0x1082;
	s9 =	sld [smem:$0x3FB4]  }
0x2f: {  	lr =	sadd.s32 s0, s3;
	s0 =	sld [smem:$0x3FAB]  }
0x30: {  	s3 =	sld [smem:$0x3FAE]  }
0x31: {  	[smem:$0x3FB7] =	sst s10  }
0x32: {  	s10 =	sld [smem:$0x3FB5];
	_ =	sdelay $0x3  }
0x33: {  	p0 =	seq.s32 s10, $0x1;
	s10 =	sld [smem:$0x3FB7];
	_ =	sdelay $0x3  }
0x34: {  	[smem:$0x3FB7] =	sst s10  }
0x35: {  	s10 =	sld [smem:$0x3FB6];
	_ =	sdelay $0x3  }
0x36: {  	p1 =	seq.s32 s10, $0x1;
	s10 =	sld [smem:$0x3FB7];
	_ =	sdelay $0x3  }
0x37: {  	[smem:$0x3FB7] =	sst s10  }
0x38: {  	s10 =	sld [smem:$0x3FB8]  }
0x39: {  	_ = 	snop;
	(pc) =	sbr.ind lr, $3  }
0x3a: {  	_ = 	snop  }
0x3b: {  	_ = 	snop  }
0x3c: {  	p2 =	seq.s32 s10, $0x1;
	s10 =	sld [smem:$0x3FB7]  }
0x3d: {  	_ =	shalt  }
0x3e: {  	_ =	shalt  }
0x3f: {  	_ =	shalt  }
0x40: {  	_ =	shalt  }
0x41: {  	_ =	shalt  }
0x42: {  	_ =	shalt  }
0x43: {  	_ =	shalt  }
0x44: {  	_ =	shalt  }
0x45: {  	_ =	shalt  }
0x46: {  	_ =	shalt  }
0x47: {  	_ =	shalt  }
0x48: {  	_ =	shalt  }
0x49: {  	_ =	shalt  }
0x4a: {  	_ =	shalt  }
0x4b: {  	_ =	shalt  }
0x4c: {  	_ =	shalt  }
0x4d: {  	_ =	shalt  }
0x4e: {  	_ =	shalt  }
0x4f: {  	_ =	shalt  }
0x50: {  	_ =	shalt  }
0x51: {  	_ =	shalt  }
0x52: {  	_ =	shalt  }
0x53: {  	_ =	shalt  }
0x54: {  	_ =	shalt  }
0x55: {  	_ =	shalt  }
0x56: {  	_ =	shalt  }
0x57: {  	_ =	shalt  }
0x58: {  	_ =	shalt  }
0x59: {  	_ =	shalt  }
0x5a: {  	_ =	shalt  }
0x5b: {  	_ =	shalt  }
0x5c: {  	_ =	shalt  }
0x5d: {  	_ =	shalt  }
0x5e: {  	_ =	shalt  }
0x5f: {  	_ =	shalt  }
0x60: {  	_ =	shalt  }
0x61: {  	_ =	shalt  }
0x62: {  	_ =	shalt  }
0x63: {  	_ =	shalt  }
0x64: {  	_ =	shalt  }
0x65: {  	_ =	shalt  }
0x66: {  	_ =	shalt  }
0x67: {  	_ =	shalt  }
0x68: {  	_ =	shalt  }
0x69: {  	_ =	shalt  }
0x6a: {  	_ =	shalt  }
0x6b: {  	_ =	shalt  }
0x6c: {  	_ =	shalt  }
0x6d: {  	_ =	shalt  }
0x6e: {  	_ =	shalt  }
0x6f: {  	_ =	shalt  }
0x70: {  	_ =	shalt  }
0x71: {  	_ =	shalt  }
0x72: {  	_ =	shalt  }
0x73: {  	_ =	shalt  }
0x74: {  	_ =	shalt  }
0x75: {  	_ =	shalt  }
0x76: {  	_ =	shalt  }
0x77: {  	_ =	shalt  }
0x78: {  	_ =	shalt  }
0x79: {  	_ =	shalt  }
0x7a: {  	_ =	shalt  }
0x7b: {  	_ =	shalt  }
0x7c: {  	_ =	shalt  }
0x7d: {  	_ =	shalt  }
0x7e: {  	_ =	shalt  }
0x7f: {  	_ =	shalt  }
0x80: {  	_ =	shalt  }
0x81: {  	_ =	shalt  }
0x82: {  	_ =	shalt  }
0x83: {  	_ =	shalt  }
0x84: {  	_ =	shalt  }
0x85: {  	_ =	shalt  }
0x86: {  	_ =	shalt  }
0x87: {  	_ =	shalt  }
.Lfunc_end0:
.L_simem_size_0:
called_computation_lowered:
.L_overlay_start_0:
0x88: {  	s2 =	sld [smem:$0x3FD9]  }
0x89: {  	s3 =	sld [smem:$0x3FFE];
	_ =	sdelay $0x1  }
0x8a: {  	s1 =	srdreg.scid  }
0x8b: {  	s0 =	sand.u32 $0x1, s1  }
0x8c: {  	s17 =	sshll.u32 s0, $0xA;
	s2 =	sadd.s32 s3, s2  }
0x8d: {  	s2 =	sadd.s32 s2, s17  }
0x8e: {  	[smem:$0x3FC3] =	sst s2  }
0x8f: {  	_ = 	snop  }
0x90: {  	s2 =	sld [smem:$0x3FC9]  }
0x91: {  	s18 =	sld [smem:$0x3FD0];
	(tm) =	ssettm $0x1  }
0x92: {  	s4 =	sld [smem:$0x3FFB];
	_ =	sdelay $0x3  }
0x93: {  	_ =	strace s4  }
0x94: {  	s4 =	sld [smem:$0x3FFC];
	_ =	sdelay $0x3  }
0x95: {  	_ =	strace s4  }
0x96: {  	s4 =	sld [smem:$0x3FFD];
	_ =	sdelay $0x3  }
0x97: {  	_ =	strace s4  }
0x98: {  	_ =	strace $0x8FFFFFFF  }
0x99: {  	s19 =	sld [smem:$0x3FDB];
	_ =	sdelay $0x1  }
0x9a: {  	s5 =	simm.s32 $_scs_section_size  }
0x9b: {  	s6 =	simm.s32 $_size__tile_overlayer_lowered;
	s7 =	simm.s32 $_tile_overlayer_lowered  }
0x9c: {  	s22 =	simm.s32 $0x1BFF;
	s21 =	sshll.u32 s7, $0x1;
	s4 =	sadd.s32 s5, s19  }
0x9d: {  	s8 =	simm.s32 $0x0;
	s20 =	sshll.u32 s6, $0x1;
	s6 =	sadd.s32 s21, s4  }
0x9e: {  	[timem:s8], [sflag:s22] =	dma.local [hbm:s6], s20  }
0x9f: {  	_ =	swait.ge [sflag:s22], s20  }
0xa0: {  	s5 =	ssub.s32 $0x0, s20;
	[sflag:s22] =	ssyncset.done $0x0  }
0xa1: {  	[sflag:s22] =	ssyncadd.s32 s5;
	_ =	sdelay $0x1  }
0xa2: {  	s23 =	simm.s32 $0x1B8B  }
0xa3: {  	_ =	swait.ge [sflag:s23], $0x1  }
0xa4: {  	[sflag:s23] =	ssyncset.done $0x0  }
0xa5: {  	s25 =	simm.s32 $0x1B8E;
	s24 =	sld [smem:$0x3FFE];
	[sflag:s23] =	ssyncadd.s32 $0xFFFFFFFF  }
0xa6: {  	s26 =	simm.s32 $execute0_lowered;
	[smem:$0x3FD2] =	sst s25  }
0xa7: {  	s6 =	sshll.u32 s26, $0x1;
	_ =	strace $0x80000046;
	[dreg:$0x1] =	wrdreg $0xFFFFFFFF  }
0xa8: {  	s28 =	simm.s32 $_size_execute0_lowered;
	s4 =	sadd.s32 s4, s6;
	[dreg:$0x0] =	wrdreg $0x0  }
0xa9: {  	s6 =	sshll.u32 s28, $0x1;
	[dreg:$0x2] =	wrdreg s4  }
0xaa: {  	[dreg:$0x3] =	wrdreg s6  }
0xab: {  	[dreg:$0x4] =	wrdreg $0xC0  }
0xac: {  	_ =	task [dreg:s8], $0x5FFFF  }
0xad: {  	[dreg:$0x1] =	wrdreg $0xFFFFFFFF  }
0xae: {  	[dreg:$0x0] =	wrdreg $0x60  }
0xaf: {  	[dreg:$0x2] =	wrdreg s18  }
0xb0: {  	[dreg:$0x3] =	wrdreg s24  }
0xb1: {  	[dreg:$0x4] =	wrdreg s2  }
0xb2: {  	[dreg:$0x5] =	wrdreg $0xA0000  }
0xb3: {  	[dreg:$0x6] =	wrdreg $0x9  }
0xb4: {  	_ =	task.clear_ibuf [dreg:s8], $0x7FFFF;
	_ =	strace $0x90000046  }
0xb5: {  	s29 =	simm.s32 $0x9;
	_ =	strace $0x80000048  }
0xb6: {  	_ =	swait.ge [sflag:s29], $0x1  }
0xb7: {  	[sflag:s29] =	ssyncadd.s32 $0xFFFFFFFF  }
0xb8: {  	_ =	strace $0x90000048  }
0xb9: {  	_ =	sfence  }
0xba: {  	s30 =	sld [smem:$0x0];
	_ =	sdelay $0x2  }
0xbb: {  	s31 =	sshll.u32 s1, $0xD;
	s1 =	sshrl.u32 s1, $0x2  }
0xbc: {  	s3 =	sand.u32 $0x4000, s31;
	s1 =	sadd.s32 s1, s30  }
0xbd: {  	s0 =	sor.u32 s3, s0;
	s1 =	sshll.u32 s1, $0x11  }
0xbe: {  	s0 =	sor.u32 s1, s0  }
0xbf: {  	s0 =	sadd.s32 $0x8F2B, s0  }
0xc0: {  	[sflag:s0] =	ssyncadd.remote.s32 $0x1  }
0xc1: {  	_ =	sfence.sel $0xFFFF  }
0xc2: {  	[dreg:$0x0] =	wrdreg $0xFFFFFFFF;
	(pc) =	sbr.abs _section_cstart, $3  }
0xc3: {  	[dreg:$0x1] =	wrdreg $0xFFFFFFFF  }
0xc4: {  	_ =	task.clear_ibuf [dreg:s8], $0x2FFFF;
	_ =	strace $0x9FFFFFFF  }
0xc5: {  	(tm) =	ssettm $0x7FFFFFFF  }
tec
execute0_lowered:
.L_overlay_start_1:
0x0: {  	(tag) =	ssettag $0x1  }
0x1: {  	s0 =	srdreg.scid;
	s8 =	stileid.u32  }
0x2: {  	s5 =	rddreg [dreg:$0x0];
	s0 =	sand.u32 $0x1, s0;
	s6 =	smul.u32 $0x5000, s8  }
0x3: {  	s1 =	rddreg [dreg:$0x1];
	s4 =	smul.u32 $0x50000, s0  }
0x4: {  	s2 =	rddreg [dreg:$0x2]  }
0x5: {  	s3 =	rddreg [dreg:$0x3];
	s6 =	sadd.s32 s6, s4;
	s4 =	simm.s32 $0x0  }
0x6: {  	s17 =	simm.s32 $0x100;
	[smem:$0x7FF] =	sst s4  }
0x7: {  	s18 =	simm.s32 $0x1080;
	_ =	strace $0x80000047;
	[dreg:$0x7] =	wrdreg s17  }
0x8: {  	s19 =	simm.s32 $0x180;
	[dreg:$0x8] =	wrdreg s18  }
0x9: {  	s20 =	simm.s32 $0x1100;
	[dreg:$0x9] =	wrdreg s19  }
0xa: {  	s21 =	simm.s32 $0x200;
	[dreg:$0xa] =	wrdreg s20  }
0xb: {  	s22 =	simm.s32 $0x1180;
	[dreg:$0xb] =	wrdreg s21  }
0xc: {  	s23 =	simm.s32 $0x280;
	[dreg:$0xc] =	wrdreg s22  }
0xd: {  	s24 =	simm.s32 $0x1200;
	[dreg:$0xd] =	wrdreg s23  }
0xe: {  	s25 =	simm.s32 $0x300;
	[dreg:$0xe] =	wrdreg s24  }
0xf: {  	s26 =	simm.s32 $0x1280;
	[dreg:$0xf] =	wrdreg s25  }
0x10: {  	s9 =	simm.s32 $0x400;
	[dreg:$0x10] =	wrdreg s26  }
0x11: {  	s10 =	simm.s32 $0x1380;
	[dreg:$0x13] =	wrdreg s9  }
0x12: {  	s11 =	simm.s32 $0x480;
	[dreg:$0x14] =	wrdreg s10  }
0x13: {  	s12 =	simm.s32 $0x1400;
	[dreg:$0x15] =	wrdreg s11  }
0x14: {  	s13 =	simm.s32 $0x500;
	[dreg:$0x16] =	wrdreg s12  }
0x15: {  	s14 =	simm.s32 $0x1480;
	[dreg:$0x17] =	wrdreg s13  }
0x16: {  	s15 =	simm.s32 $0x580;
	[dreg:$0x18] =	wrdreg s14  }
0x17: {  	s16 =	simm.s32 $0x1500;
	s6 =	sshrl.u32 s6, $0x3;
	[dreg:$0x19] =	wrdreg s15  }
0x18: {  	s5 =	sadd.s32 s6, s5;
	[dreg:$0x1a] =	wrdreg s16  }
0x19: {  	s7 =	sadd.s32 s6, s1;
	s6 =	simm.s32 $0x380;
	[dreg:$0x6] =	wrdreg s5  }
0x1a: {  	s17 =	simm.s32 $0x600;
	[dreg:$0x11] =	wrdreg s6  }
0x1b: {  	s18 =	simm.s32 $0x1580;
	[dreg:$0x1b] =	wrdreg s17  }
0x1c: {  	s20 =	simm.s32 $0x680;
	[dreg:$0x1c] =	wrdreg s18  }
0x1d: {  	s9 =	sadd.s32 $0x15800, s1;
	[dreg:$0x1d] =	wrdreg s20  }
0x1e: {  	s22 =	simm.s32 $0x1600;
	[smem:$0x7E6] =	sst s9  }
0x1f: {  	s28 =	simm.s32 $0xE80;
	s23 =	simm.s32 $0x700;
	[dreg:$0x1e] =	wrdreg s22  }
0x20: {  	s29 =	simm.s32 $0x1E00;
	s24 =	simm.s32 $0x1680;
	[dreg:$0x1f] =	wrdreg s23  }
0x21: {  	s30 =	simm.s32 $0xF00;
	s25 =	simm.s32 $0x780;
	[smem:$0x7E7] =	sst s24  }
0x22: {  	s31 =	simm.s32 $0x1E80;
	s26 =	simm.s32 $0x1700;
	[smem:$0x7E8] =	sst s25  }
0x23: {  	s19 =	smul.u32 $0x140000, s0;
	s11 =	simm.s32 $0x880;
	[smem:$0x7E9] =	sst s26  }
0x24: {  	s21 =	smul.u32 $0x14000, s8;
	s12 =	simm.s32 $0x1800;
	[smem:$0x7EC] =	sst s11  }
0x25: {  	s0 =	ssub.s32 $0x2, s0;
	s14 =	simm.s32 $0x900;
	[smem:$0x7ED] =	sst s12  }
0x26: {  	s10 =	smul.u32 $0x50000, s8;
	s15 =	simm.s32 $0x1880;
	[smem:$0x7EE] =	sst s14  }
0x27: {  	s16 =	sshll.u32 s8, $0x6;
	s7 =	sadd.s32 $0x1800, s7;
	[smem:$0x7EF] =	sst s15  }
0x28: {  	s9 =	simm.s32 $0x1780;
	s17 =	simm.s32 $0x980;
	[dreg:$0x5] =	wrdreg s7  }
0x29: {  	s18 =	simm.s32 $0x1900;
	s20 =	simm.s32 $0x1980;
	[smem:$0x7EB] =	sst s9  }
0x2a: {  	s22 =	simm.s32 $0x1A00;
	s11 =	simm.s32 $0x1000;
	[smem:$0x7F0] =	sst s17  }
0x2b: {  	s23 =	simm.s32 $0xB00;
	s12 =	simm.s32 $0x80;
	[smem:$0x7F2] =	sst s18  }
0x2c: {  	s24 =	simm.s32 $0x1A80;
	s25 =	simm.s32 $0xB80;
	[smem:$0x7F5] =	sst s20  }
0x2d: {  	s14 =	simm.s32 $0x6000;
	s26 =	simm.s32 $0x1B00;
	[smem:$0x7F7] =	sst s22  }
0x2e: {  	s15 =	simm.s32 $0x1;
	s5 =	simm.s32 $0x1F80;
	[smem:$0x7F8] =	sst s23  }
0x2f: {  	s7 =	simm.s32 $0x1300;
	s6 =	sadd.s32 s21, s19;
	[smem:$0x7F9] =	sst s24  }
0x30: {  	s13 =	sshrl.u32 s10, $0x2;
	s19 =	simm.s32 $0xA00;
	[smem:$0x7FA] =	sst s25  }
0x31: {  	s21 =	simm.s32 $0xA80;
	s10 =	simm.s32 $0x3;
	[smem:$0x7FB] =	sst s26  }
0x32: {  	s17 =	simm.s32 $0xC00;
	s18 =	simm.s32 $0x1B80;
	s20 =	simm.s32 $0x1C00  }
0x33: {  	s22 =	simm.s32 $0x1C80;
	s23 =	simm.s32 $0xD80;
	s24 =	simm.s32 $0x1D00  }
0x34: {  	s25 =	simm.s32 $0xE00;
	s26 =	simm.s32 $0x1D80;
	[dreg:$0x12] =	wrdreg s7  }
0x35: {  	s9 =	simm.s32 $0x0;
	s6 =	sshrl.u32 s6, $0x3;
	[smem:$0x7F4] =	sst s19  }
0x36: {  	s7 =	sshrl.u32 s0, $0x1;
	[smem:$0x7F6] =	sst s21;
	s19 =	simm.s32 $0xC80  }
0x37: {  	s21 =	simm.s32 $0xD00;
	s1 =	sadd.s32 s6, s1;
	s6 =	simm.s32 $0x800  }
0x38: {  	s0 =	ssub.s32 s0, s7;
	s7 =	sor.u32 $0x1C03, s16;
	[smem:$0x7EA] =	sst s6  }
0x39: {  	s16 =	simm.s32 $0x2;
	s1 =	sadd.s32 $0x18000, s1;
	[smem:$0x7FC] =	sst s7  }
0x3a: {  	s6 =	sadd.s32 s13, s3;
	s0 =	smax.u32 s0, $0x1;
	[smem:$0x7F1] =	sst s1  }
0x3b: {  	s13 =	simm.s32 $0x2000;
	[smem:$0x7F3] =	sst s0;
	s8 =	sshrl.u32 s6, $0x3  }
0x3c: {  	s1 =	simm.s32 $0xF80;
	s0 =	simm.s32 $0x1F00;
	[smem:$0x7FD] =	sst s8  }
.LBB2_1:
0x3d: {  	s6 =	sld [smem:$0x7E6];
	_ =	sdelay $0x1  }
0x3e: {  	[smem:$0x7E5] =	sst s9  }
0x3f: {  	[spmem:s8], [sflag:s7] =	dma.local [hbm:s6], $0x2800  }
0x40: {  	_ =	swait.ge [sflag:s10], $0x2800  }
0x41: {  	[sflag:s10] =	ssyncset.done $0x0  }
0x42: {  	[sflag:s10] =	ssyncadd.s32 $0xFFFFD800  }
0x43: {  	[bflag:$0x0] =	sbarrier.arrive $0xFFFF  }
0x44: {  	s9 =	rddreg [dreg:$0x6]  }
0x45: {  	s6 =	sadd.s32 $0x0, s9  }
0x46: {  	[tilespmem:s4], [sflag:$0x3] =	stream.linear.gather [hbm4b:s6+s4], $0x1000, $0x38;
	[tilespmem:$0x1E000] =	vst v63  }
0x47: {  	_ =	swait.ge [sflag:s10], $0x1000  }
0x48: {  	s7 =	rddreg [dreg:$0x5];
	[sflag:s10] =	ssyncset.done $0x0  }
0x49: {  	[sflag:s10] =	ssyncadd.s32 $0xFFFFF000;
	s6 =	sadd.s32 $0x0, s7  }
0x4a: {  	[tilespmem:s11], [sflag:$0x3] =	stream.linear.gather [hbm4b:s6+s4], $0x1000, $0x38;
	[tilespmem:$0x1E000] =	vst v63  }
0x4b: {  	_ =	swait.ge [sflag:s10], $0x1000  }
0x4c: {  	[sflag:s10] =	ssyncset.done $0x0  }
0x4d: {  	[sflag:s10] =	ssyncadd.s32 $0xFFFFF000  }
0x4e: {  	[tilespmem:s13], [sflag:$0x1] =	stream.indirect.gather [hbm4b:s2+s12], $0x80, s4, s12, $0xb8;
	[tilespmem:$0x1E000] =	vst v63  }
0x4f: {  	_ = 	snop  }
0x50: {  	[tilespmem:s14], [sflag:$0x2] =	stream.indirect.gather [hbm4b:s2+s12], $0x80, s12, s12, $0xb8;
	[tilespmem:$0x1E000] =	vst v63  }
0x51: {  	_ =	swait.ge [sflag:s15], $0x4000  }
0x52: {  	[sflag:s15] =	ssyncset.done $0x0  }
0x53: {  	[sflag:s15] =	ssyncadd.s32 $0xFFFFC000  }
0x54: {  	[spmem:s3] =	stream.indirect.scatter.add.f32 [tilespmem:s13], [sflag:$0x3], $0x80, s11, s12, $0xb8;
	[tilespmem:$0x1E000] =	vst v63  }
0x55: {  	_ =	swait.ge [sflag:s10], $0x4000  }
0x56: {  	[sflag:s10] =	ssyncset.done $0x0  }
0x57: {  	s8 =	rddreg [dreg:$0x7];
	[sflag:s10] =	ssyncadd.s32 $0xFFFFC000  }
0x58: {  	[tilespmem:s13], [sflag:$0x1] =	stream.indirect.gather [hbm4b:s2+s12], $0x80, s8, s12, $0xb8;
	[tilespmem:$0x1E000] =	vst v63  }
0x59: {  	_ =	swait.ge [sflag:s16], $0x4000  }
0x5a: {  	[sflag:s16] =	ssyncset.done $0x0  }
0x5b: {  	s9 =	rddreg [dreg:$0x8];
	[sflag:s16] =	ssyncadd.s32 $0xFFFFC000  }
0x5c: {  	[spmem:s3] =	stream.indirect.scatter.add.f32 [tilespmem:s14], [sflag:$0x3], $0x80, s9, s12, $0xb8;
	[tilespmem:$0x1E000] =	vst v63  }
0x5d: {  	_ =	swait.ge [sflag:s10], $0x4000  }
0x5e: {  	[sflag:s10] =	ssyncset.done $0x0  }
0x5f: {  	s7 =	rddreg [dreg:$0x9];
	[sflag:s10] =	ssyncadd.s32 $0xFFFFC000  }
0x60: {  	[tilespmem:s14], [sflag:$0x2] =	stream.indirect.gather [hbm4b:s2+s12], $0x80, s7, s12, $0xb8;
	[tilespmem:$0x1E000] =	vst v63  }
0x61: {  	_ =	swait.ge [sflag:s15], $0x4000  }
0x62: {  	[sflag:s15] =	ssyncset.done $0x0  }
0x63: {  	s8 =	rddreg [dreg:$0xa];
	[sflag:s15] =	ssyncadd.s32 $0xFFFFC000  }
0x64: {  	[spmem:s3] =	stream.indirect.scatter.add.f32 [tilespmem:s13], [sflag:$0x3], $0x80, s8, s12, $0xb8;
	[tilespmem:$0x1E000] =	vst v63  }
0x65: {  	_ =	swait.ge [sflag:s10], $0x4000  }
0x66: {  	[sflag:s10] =	ssyncset.done $0x0  }
0x67: {  	s9 =	rddreg [dreg:$0xb];
	[sflag:s10] =	ssyncadd.s32 $0xFFFFC000  }
0x68: {  	[tilespmem:s13], [sflag:$0x1] =	stream.indirect.gather [hbm4b:s2+s12], $0x80, s9, s12, $0xb8;
	[tilespmem:$0x1E000] =	vst v63  }
0x69: {  	_ =	swait.ge [sflag:s16], $0x4000  }
0x6a: {  	[sflag:s16] =	ssyncset.done $0x0  }
0x6b: {  	s7 =	rddreg [dreg:$0xc];
	[sflag:s16] =	ssyncadd.s32 $0xFFFFC000  }
0x6c: {  	[spmem:s3] =	stream.indirect.scatter.add.f32 [tilespmem:s14], [sflag:$0x3], $0x80, s7, s12, $0xb8;
	[tilespmem:$0x1E000] =	vst v63  }
0x6d: {  	_ =	swait.ge [sflag:s10], $0x4000  }
0x6e: {  	[sflag:s10] =	ssyncset.done $0x0  }
0x6f: {  	s8 =	rddreg [dreg:$0xd];
	[sflag:s10] =	ssyncadd.s32 $0xFFFFC000  }
0x70: {  	[tilespmem:s14], [sflag:$0x2] =	stream.indirect.gather [hbm4b:s2+s12], $0x80, s8, s12, $0xb8;
	[tilespmem:$0x1E000] =	vst v63  }
0x71: {  	_ =	swait.ge [sflag:s15], $0x4000  }
0x72: {  	[sflag:s15] =	ssyncset.done $0x0  }
0x73: {  	s9 =	rddreg [dreg:$0xe];
	[sflag:s15] =	ssyncadd.s32 $0xFFFFC000  }
0x74: {  	[spmem:s3] =	stream.indirect.scatter.add.f32 [tilespmem:s13], [sflag:$0x3], $0x80, s9, s12, $0xb8;
	[tilespmem:$0x1E000] =	vst v63  }
0x75: {  	_ =	swait.ge [sflag:s10], $0x4000  }
0x76: {  	[sflag:s10] =	ssyncset.done $0x0  }
0x77: {  	s7 =	rddreg [dreg:$0xf];
	[sflag:s10] =	ssyncadd.s32 $0xFFFFC000  }
0x78: {  	[tilespmem:s13], [sflag:$0x1] =	stream.indirect.gather [hbm4b:s2+s12], $0x80, s7, s12, $0xb8;
	[tilespmem:$0x1E000] =	vst v63  }
0x79: {  	_ =	swait.ge [sflag:s16], $0x4000  }
0x7a: {  	[sflag:s16] =	ssyncset.done $0x0  }
0x7b: {  	s8 =	rddreg [dreg:$0x10];
	[sflag:s16] =	ssyncadd.s32 $0xFFFFC000  }
0x7c: {  	[spmem:s3] =	stream.indirect.scatter.add.f32 [tilespmem:s14], [sflag:$0x3], $0x80, s8, s12, $0xb8;
	[tilespmem:$0x1E000] =	vst v63  }
0x7d: {  	_ =	swait.ge [sflag:s10], $0x4000  }
0x7e: {  	[sflag:s10] =	ssyncset.done $0x0  }
0x7f: {  	s9 =	rddreg [dreg:$0x11];
	[sflag:s10] =	ssyncadd.s32 $0xFFFFC000  }
0x80: {  	[tilespmem:s14], [sflag:$0x2] =	stream.indirect.gather [hbm4b:s2+s12], $0x80, s9, s12, $0xb8;
	[tilespmem:$0x1E000] =	vst v63  }
0x81: {  	_ =	swait.ge [sflag:s15], $0x4000  }
0x82: {  	[sflag:s15] =	ssyncset.done $0x0  }
0x83: {  	s7 =	rddreg [dreg:$0x12];
	[sflag:s15] =	ssyncadd.s32 $0xFFFFC000  }
0x84: {  	[spmem:s3] =	stream.indirect.scatter.add.f32 [tilespmem:s13], [sflag:$0x3], $0x80, s7, s12, $0xb8;
	[tilespmem:$0x1E000] =	vst v63  }
0x85: {  	_ =	swait.ge [sflag:s10], $0x4000  }
0x86: {  	[sflag:s10] =	ssyncset.done $0x0  }
0x87: {  	s8 =	rddreg [dreg:$0x13];
	[sflag:s10] =	ssyncadd.s32 $0xFFFFC000  }
0x88: {  	[tilespmem:s13], [sflag:$0x1] =	stream.indirect.gather [hbm4b:s2+s12], $0x80, s8, s12, $0xb8;
	[tilespmem:$0x1E000] =	vst v63  }
0x89: {  	_ =	swait.ge [sflag:s16], $0x4000  }
0x8a: {  	[sflag:s16] =	ssyncset.done $0x0  }
0x8b: {  	s9 =	rddreg [dreg:$0x14];
	[sflag:s16] =	ssyncadd.s32 $0xFFFFC000  }
0x8c: {  	[spmem:s3] =	stream.indirect.scatter.add.f32 [tilespmem:s14], [sflag:$0x3], $0x80, s9, s12, $0xb8;
	[tilespmem:$0x1E000] =	vst v63  }
0x8d: {  	_ =	swait.ge [sflag:s10], $0x4000  }
0x8e: {  	[sflag:s10] =	ssyncset.done $0x0  }
0x8f: {  	s7 =	rddreg [dreg:$0x15];
	[sflag:s10] =	ssyncadd.s32 $0xFFFFC000  }
0x90: {  	[tilespmem:s14], [sflag:$0x2] =	stream.indirect.gather [hbm4b:s2+s12], $0x80, s7, s12, $0xb8;
	[tilespmem:$0x1E000] =	vst v63  }
0x91: {  	_ =	swait.ge [sflag:s15], $0x4000  }
0x92: {  	[sflag:s15] =	ssyncset.done $0x0  }
0x93: {  	s8 =	rddreg [dreg:$0x16];
	[sflag:s15] =	ssyncadd.s32 $0xFFFFC000  }
0x94: {  	[spmem:s3] =	stream.indirect.scatter.add.f32 [tilespmem:s13], [sflag:$0x3], $0x80, s8, s12, $0xb8;
	[tilespmem:$0x1E000] =	vst v63  }
0x95: {  	_ =	swait.ge [sflag:s10], $0x4000  }
0x96: {  	[sflag:s10] =	ssyncset.done $0x0  }
0x97: {  	s9 =	rddreg [dreg:$0x17];
	[sflag:s10] =	ssyncadd.s32 $0xFFFFC000  }
0x98: {  	[tilespmem:s13], [sflag:$0x1] =	stream.indirect.gather [hbm4b:s2+s12], $0x80, s9, s12, $0xb8;
	[tilespmem:$0x1E000] =	vst v63  }
0x99: {  	_ =	swait.ge [sflag:s16], $0x4000  }
0x9a: {  	[sflag:s16] =	ssyncset.done $0x0  }
0x9b: {  	s7 =	rddreg [dreg:$0x18];
	[sflag:s16] =	ssyncadd.s32 $0xFFFFC000  }
0x9c: {  	[spmem:s3] =	stream.indirect.scatter.add.f32 [tilespmem:s14], [sflag:$0x3], $0x80, s7, s12, $0xb8;
	[tilespmem:$0x1E000] =	vst v63  }
0x9d: {  	_ =	swait.ge [sflag:s10], $0x4000  }
0x9e: {  	[sflag:s10] =	ssyncset.done $0x0  }
0x9f: {  	s8 =	rddreg [dreg:$0x19];
	[sflag:s10] =	ssyncadd.s32 $0xFFFFC000  }
0xa0: {  	[tilespmem:s14], [sflag:$0x2] =	stream.indirect.gather [hbm4b:s2+s12], $0x80, s8, s12, $0xb8;
	[tilespmem:$0x1E000] =	vst v63  }
0xa1: {  	_ =	swait.ge [sflag:s15], $0x4000  }
0xa2: {  	[sflag:s15] =	ssyncset.done $0x0  }
0xa3: {  	s9 =	rddreg [dreg:$0x1a];
	[sflag:s15] =	ssyncadd.s32 $0xFFFFC000  }
0xa4: {  	[spmem:s3] =	stream.indirect.scatter.add.f32 [tilespmem:s13], [sflag:$0x3], $0x80, s9, s12, $0xb8;
	[tilespmem:$0x1E000] =	vst v63  }
0xa5: {  	_ =	swait.ge [sflag:s10], $0x4000  }
0xa6: {  	[sflag:s10] =	ssyncset.done $0x0  }
0xa7: {  	s7 =	rddreg [dreg:$0x1b];
	[sflag:s10] =	ssyncadd.s32 $0xFFFFC000  }
0xa8: {  	[tilespmem:s13], [sflag:$0x1] =	stream.indirect.gather [hbm4b:s2+s12], $0x80, s7, s12, $0xb8;
	[tilespmem:$0x1E000] =	vst v63  }
0xa9: {  	_ =	swait.ge [sflag:s16], $0x4000  }
0xaa: {  	[sflag:s16] =	ssyncset.done $0x0  }
0xab: {  	s8 =	rddreg [dreg:$0x1c];
	[sflag:s16] =	ssyncadd.s32 $0xFFFFC000  }
0xac: {  	[spmem:s3] =	stream.indirect.scatter.add.f32 [tilespmem:s14], [sflag:$0x3], $0x80, s8, s12, $0xb8;
	[tilespmem:$0x1E000] =	vst v63  }
0xad: {  	_ =	swait.ge [sflag:s10], $0x4000  }
0xae: {  	[sflag:s10] =	ssyncset.done $0x0  }
0xaf: {  	s9 =	rddreg [dreg:$0x1d];
	[sflag:s10] =	ssyncadd.s32 $0xFFFFC000  }
0xb0: {  	[tilespmem:s14], [sflag:$0x2] =	stream.indirect.gather [hbm4b:s2+s12], $0x80, s9, s12, $0xb8;
	[tilespmem:$0x1E000] =	vst v63  }
0xb1: {  	_ =	swait.ge [sflag:s15], $0x4000  }
0xb2: {  	[sflag:s15] =	ssyncset.done $0x0  }
0xb3: {  	s7 =	rddreg [dreg:$0x1e];
	[sflag:s15] =	ssyncadd.s32 $0xFFFFC000  }
0xb4: {  	[spmem:s3] =	stream.indirect.scatter.add.f32 [tilespmem:s13], [sflag:$0x3], $0x80, s7, s12, $0xb8;
	[tilespmem:$0x1E000] =	vst v63  }
0xb5: {  	_ =	swait.ge [sflag:s10], $0x4000  }
0xb6: {  	[sflag:s10] =	ssyncset.done $0x0  }
0xb7: {  	s8 =	rddreg [dreg:$0x1f];
	[sflag:s10] =	ssyncadd.s32 $0xFFFFC000  }
0xb8: {  	[tilespmem:s13], [sflag:$0x1] =	stream.indirect.gather [hbm4b:s2+s12], $0x80, s8, s12, $0xb8;
	[tilespmem:$0x1E000] =	vst v63  }
0xb9: {  	_ =	swait.ge [sflag:s16], $0x4000  }
0xba: {  	s9 =	sld [smem:$0x7E7]  }
0xbb: {  	[sflag:s16] =	ssyncset.done $0x0  }
0xbc: {  	[sflag:s16] =	ssyncadd.s32 $0xFFFFC000  }
0xbd: {  	[spmem:s3] =	stream.indirect.scatter.add.f32 [tilespmem:s14], [sflag:$0x3], $0x80, s9, s12, $0xb8;
	[tilespmem:$0x1E000] =	vst v63  }
0xbe: {  	_ =	swait.ge [sflag:s10], $0x4000  }
0xbf: {  	s7 =	sld [smem:$0x7E8]  }
0xc0: {  	[sflag:s10] =	ssyncset.done $0x0  }
0xc1: {  	[sflag:s10] =	ssyncadd.s32 $0xFFFFC000  }
0xc2: {  	[tilespmem:s14], [sflag:$0x2] =	stream.indirect.gather [hbm4b:s2+s12], $0x80, s7, s12, $0xb8;
	[tilespmem:$0x1E000] =	vst v63  }
0xc3: {  	_ =	swait.ge [sflag:s15], $0x4000  }
0xc4: {  	s8 =	sld [smem:$0x7E9]  }
0xc5: {  	[sflag:s15] =	ssyncset.done $0x0  }
0xc6: {  	[sflag:s15] =	ssyncadd.s32 $0xFFFFC000  }
0xc7: {  	[spmem:s3] =	stream.indirect.scatter.add.f32 [tilespmem:s13], [sflag:$0x3], $0x80, s8, s12, $0xb8;
	[tilespmem:$0x1E000] =	vst v63  }
0xc8: {  	_ =	swait.ge [sflag:s10], $0x4000  }
0xc9: {  	s9 =	sld [smem:$0x7EA]  }
0xca: {  	[sflag:s10] =	ssyncset.done $0x0  }
0xcb: {  	[sflag:s10] =	ssyncadd.s32 $0xFFFFC000  }
0xcc: {  	[tilespmem:s13], [sflag:$0x1] =	stream.indirect.gather [hbm4b:s2+s12], $0x80, s9, s12, $0xb8;
	[tilespmem:$0x1E000] =	vst v63  }
0xcd: {  	_ =	swait.ge [sflag:s16], $0x4000  }
0xce: {  	s7 =	sld [smem:$0x7EB]  }
0xcf: {  	[sflag:s16] =	ssyncset.done $0x0  }
0xd0: {  	[sflag:s16] =	ssyncadd.s32 $0xFFFFC000  }
0xd1: {  	[spmem:s3] =	stream.indirect.scatter.add.f32 [tilespmem:s14], [sflag:$0x3], $0x80, s7, s12, $0xb8;
	[tilespmem:$0x1E000] =	vst v63  }
0xd2: {  	_ =	swait.ge [sflag:s10], $0x4000  }
0xd3: {  	s8 =	sld [smem:$0x7EC]  }
0xd4: {  	[sflag:s10] =	ssyncset.done $0x0  }
0xd5: {  	[sflag:s10] =	ssyncadd.s32 $0xFFFFC000  }
0xd6: {  	[tilespmem:s14], [sflag:$0x2] =	stream.indirect.gather [hbm4b:s2+s12], $0x80, s8, s12, $0xb8;
	[tilespmem:$0x1E000] =	vst v63  }
0xd7: {  	_ =	swait.ge [sflag:s15], $0x4000  }
0xd8: {  	s9 =	sld [smem:$0x7ED]  }
0xd9: {  	[sflag:s15] =	ssyncset.done $0x0  }
0xda: {  	[sflag:s15] =	ssyncadd.s32 $0xFFFFC000  }
0xdb: {  	[spmem:s3] =	stream.indirect.scatter.add.f32 [tilespmem:s13], [sflag:$0x3], $0x80, s9, s12, $0xb8;
	[tilespmem:$0x1E000] =	vst v63  }
0xdc: {  	_ =	swait.ge [sflag:s10], $0x4000  }
0xdd: {  	s7 =	sld [smem:$0x7EE]  }
0xde: {  	[sflag:s10] =	ssyncset.done $0x0  }
0xdf: {  	[sflag:s10] =	ssyncadd.s32 $0xFFFFC000  }
0xe0: {  	[tilespmem:s13], [sflag:$0x1] =	stream.indirect.gather [hbm4b:s2+s12], $0x80, s7, s12, $0xb8;
	[tilespmem:$0x1E000] =	vst v63  }
0xe1: {  	_ =	swait.ge [sflag:s16], $0x4000  }
0xe2: {  	s8 =	sld [smem:$0x7EF]  }
0xe3: {  	[sflag:s16] =	ssyncset.done $0x0  }
0xe4: {  	[sflag:s16] =	ssyncadd.s32 $0xFFFFC000  }
0xe5: {  	[spmem:s3] =	stream.indirect.scatter.add.f32 [tilespmem:s14], [sflag:$0x3], $0x80, s8, s12, $0xb8;
	[tilespmem:$0x1E000] =	vst v63  }
0xe6: {  	_ =	swait.ge [sflag:s10], $0x4000  }
0xe7: {  	s9 =	sld [smem:$0x7F0]  }
0xe8: {  	[sflag:s10] =	ssyncset.done $0x0  }
0xe9: {  	[sflag:s10] =	ssyncadd.s32 $0xFFFFC000  }
0xea: {  	[tilespmem:s14], [sflag:$0x2] =	stream.indirect.gather [hbm4b:s2+s12], $0x80, s9, s12, $0xb8;
	[tilespmem:$0x1E000] =	vst v63  }
0xeb: {  	_ =	swait.ge [sflag:s15], $0x4000  }
0xec: {  	s7 =	sld [smem:$0x7F2]  }
0xed: {  	[sflag:s15] =	ssyncset.done $0x0  }
0xee: {  	[sflag:s15] =	ssyncadd.s32 $0xFFFFC000  }
0xef: {  	[spmem:s3] =	stream.indirect.scatter.add.f32 [tilespmem:s13], [sflag:$0x3], $0x80, s7, s12, $0xb8;
	[tilespmem:$0x1E000] =	vst v63  }
0xf0: {  	_ =	swait.ge [sflag:s10], $0x4000  }
0xf1: {  	s8 =	sld [smem:$0x7F4]  }
0xf2: {  	[sflag:s10] =	ssyncset.done $0x0  }
0xf3: {  	[sflag:s10] =	ssyncadd.s32 $0xFFFFC000  }
0xf4: {  	[tilespmem:s13], [sflag:$0x1] =	stream.indirect.gather [hbm4b:s2+s12], $0x80, s8, s12, $0xb8;
	[tilespmem:$0x1E000] =	vst v63  }
0xf5: {  	_ =	swait.ge [sflag:s16], $0x4000  }
0xf6: {  	s9 =	sld [smem:$0x7F5]  }
0xf7: {  	[sflag:s16] =	ssyncset.done $0x0  }
0xf8: {  	[sflag:s16] =	ssyncadd.s32 $0xFFFFC000  }
0xf9: {  	[spmem:s3] =	stream.indirect.scatter.add.f32 [tilespmem:s14], [sflag:$0x3], $0x80, s9, s12, $0xb8;
	[tilespmem:$0x1E000] =	vst v63  }
0xfa: {  	_ =	swait.ge [sflag:s10], $0x4000  }
0xfb: {  	s7 =	sld [smem:$0x7F6]  }
0xfc: {  	[sflag:s10] =	ssyncset.done $0x0  }
0xfd: {  	[sflag:s10] =	ssyncadd.s32 $0xFFFFC000  }
0xfe: {  	[tilespmem:s14], [sflag:$0x2] =	stream.indirect.gather [hbm4b:s2+s12], $0x80, s7, s12, $0xb8;
	[tilespmem:$0x1E000] =	vst v63  }
0xff: {  	_ =	swait.ge [sflag:s15], $0x4000  }
0x100: {  	s8 =	sld [smem:$0x7F7]  }
0x101: {  	[sflag:s15] =	ssyncset.done $0x0  }
0x102: {  	[sflag:s15] =	ssyncadd.s32 $0xFFFFC000  }
0x103: {  	[spmem:s3] =	stream.indirect.scatter.add.f32 [tilespmem:s13], [sflag:$0x3], $0x80, s8, s12, $0xb8;
	[tilespmem:$0x1E000] =	vst v63  }
0x104: {  	_ =	swait.ge [sflag:s10], $0x4000  }
0x105: {  	s9 =	sld [smem:$0x7F8]  }
0x106: {  	[sflag:s10] =	ssyncset.done $0x0  }
0x107: {  	[sflag:s10] =	ssyncadd.s32 $0xFFFFC000  }
0x108: {  	[tilespmem:s13], [sflag:$0x1] =	stream.indirect.gather [hbm4b:s2+s12], $0x80, s9, s12, $0xb8;
	[tilespmem:$0x1E000] =	vst v63  }
0x109: {  	_ =	swait.ge [sflag:s16], $0x4000  }
0x10a: {  	s7 =	sld [smem:$0x7F9]  }
0x10b: {  	[sflag:s16] =	ssyncset.done $0x0  }
0x10c: {  	[sflag:s16] =	ssyncadd.s32 $0xFFFFC000  }
0x10d: {  	[spmem:s3] =	stream.indirect.scatter.add.f32 [tilespmem:s14], [sflag:$0x3], $0x80, s7, s12, $0xb8;
	[tilespmem:$0x1E000] =	vst v63  }
0x10e: {  	_ =	swait.ge [sflag:s10], $0x4000  }
0x10f: {  	s8 =	sld [smem:$0x7FA]  }
0x110: {  	[sflag:s10] =	ssyncset.done $0x0  }
0x111: {  	[sflag:s10] =	ssyncadd.s32 $0xFFFFC000  }
0x112: {  	[tilespmem:s14], [sflag:$0x2] =	stream.indirect.gather [hbm4b:s2+s12], $0x80, s8, s12, $0xb8;
	[tilespmem:$0x1E000] =	vst v63  }
0x113: {  	_ =	swait.ge [sflag:s15], $0x4000  }
0x114: {  	s9 =	sld [smem:$0x7FB]  }
0x115: {  	[sflag:s15] =	ssyncset.done $0x0  }
0x116: {  	[sflag:s15] =	ssyncadd.s32 $0xFFFFC000  }
0x117: {  	[spmem:s3] =	stream.indirect.scatter.add.f32 [tilespmem:s13], [sflag:$0x3], $0x80, s9, s12, $0xb8;
	[tilespmem:$0x1E000] =	vst v63  }
0x118: {  	_ =	swait.ge [sflag:s10], $0x4000  }
0x119: {  	[sflag:s10] =	ssyncset.done $0x0  }
0x11a: {  	[sflag:s10] =	ssyncadd.s32 $0xFFFFC000  }
0x11b: {  	[tilespmem:s13], [sflag:$0x1] =	stream.indirect.gather [hbm4b:s2+s12], $0x80, s17, s12, $0xb8;
	[tilespmem:$0x1E000] =	vst v63  }
0x11c: {  	_ =	swait.ge [sflag:s16], $0x4000  }
0x11d: {  	[sflag:s16] =	ssyncset.done $0x0  }
0x11e: {  	[sflag:s16] =	ssyncadd.s32 $0xFFFFC000  }
0x11f: {  	[spmem:s3] =	stream.indirect.scatter.add.f32 [tilespmem:s14], [sflag:$0x3], $0x80, s18, s12, $0xb8;
	[tilespmem:$0x1E000] =	vst v63  }
0x120: {  	_ =	swait.ge [sflag:s10], $0x4000  }
0x121: {  	[sflag:s10] =	ssyncset.done $0x0  }
0x122: {  	[sflag:s10] =	ssyncadd.s32 $0xFFFFC000  }
0x123: {  	[tilespmem:s14], [sflag:$0x2] =	stream.indirect.gather [hbm4b:s2+s12], $0x80, s19, s12, $0xb8;
	[tilespmem:$0x1E000] =	vst v63  }
0x124: {  	_ =	swait.ge [sflag:s15], $0x4000  }
0x125: {  	[sflag:s15] =	ssyncset.done $0x0  }
0x126: {  	[sflag:s15] =	ssyncadd.s32 $0xFFFFC000  }
0x127: {  	[spmem:s3] =	stream.indirect.scatter.add.f32 [tilespmem:s13], [sflag:$0x3], $0x80, s20, s12, $0xb8;
	[tilespmem:$0x1E000] =	vst v63  }
0x128: {  	_ =	swait.ge [sflag:s10], $0x4000  }
0x129: {  	[sflag:s10] =	ssyncset.done $0x0  }
0x12a: {  	[sflag:s10] =	ssyncadd.s32 $0xFFFFC000  }
0x12b: {  	[tilespmem:s13], [sflag:$0x1] =	stream.indirect.gather [hbm4b:s2+s12], $0x80, s21, s12, $0xb8;
	[tilespmem:$0x1E000] =	vst v63  }
0x12c: {  	_ =	swait.ge [sflag:s16], $0x4000  }
0x12d: {  	[sflag:s16] =	ssyncset.done $0x0  }
0x12e: {  	[sflag:s16] =	ssyncadd.s32 $0xFFFFC000  }
0x12f: {  	[spmem:s3] =	stream.indirect.scatter.add.f32 [tilespmem:s14], [sflag:$0x3], $0x80, s22, s12, $0xb8;
	[tilespmem:$0x1E000] =	vst v63  }
0x130: {  	_ =	swait.ge [sflag:s10], $0x4000  }
0x131: {  	[sflag:s10] =	ssyncset.done $0x0  }
0x132: {  	[sflag:s10] =	ssyncadd.s32 $0xFFFFC000  }
0x133: {  	[tilespmem:s14], [sflag:$0x2] =	stream.indirect.gather [hbm4b:s2+s12], $0x80, s23, s12, $0xb8;
	[tilespmem:$0x1E000] =	vst v63  }
0x134: {  	_ =	swait.ge [sflag:s15], $0x4000  }
0x135: {  	[sflag:s15] =	ssyncset.done $0x0  }
0x136: {  	[sflag:s15] =	ssyncadd.s32 $0xFFFFC000  }
0x137: {  	[spmem:s3] =	stream.indirect.scatter.add.f32 [tilespmem:s13], [sflag:$0x3], $0x80, s24, s12, $0xb8;
	[tilespmem:$0x1E000] =	vst v63  }
0x138: {  	_ =	swait.ge [sflag:s10], $0x4000  }
0x139: {  	[sflag:s10] =	ssyncset.done $0x0  }
0x13a: {  	[sflag:s10] =	ssyncadd.s32 $0xFFFFC000  }
0x13b: {  	[tilespmem:s13], [sflag:$0x1] =	stream.indirect.gather [hbm4b:s2+s12], $0x80, s25, s12, $0xb8;
	[tilespmem:$0x1E000] =	vst v63  }
0x13c: {  	_ =	swait.ge [sflag:s16], $0x4000  }
0x13d: {  	[sflag:s16] =	ssyncset.done $0x0  }
0x13e: {  	[sflag:s16] =	ssyncadd.s32 $0xFFFFC000  }
0x13f: {  	[spmem:s3] =	stream.indirect.scatter.add.f32 [tilespmem:s14], [sflag:$0x3], $0x80, s26, s12, $0xb8;
	[tilespmem:$0x1E000] =	vst v63  }
0x140: {  	_ =	swait.ge [sflag:s10], $0x4000  }
0x141: {  	[sflag:s10] =	ssyncset.done $0x0  }
0x142: {  	[sflag:s10] =	ssyncadd.s32 $0xFFFFC000  }
0x143: {  	[tilespmem:s14], [sflag:$0x2] =	stream.indirect.gather [hbm4b:s2+s12], $0x80, s28, s12, $0xb8;
	[tilespmem:$0x1E000] =	vst v63  }
0x144: {  	_ =	swait.ge [sflag:s15], $0x4000  }
0x145: {  	[sflag:s15] =	ssyncset.done $0x0  }
0x146: {  	[sflag:s15] =	ssyncadd.s32 $0xFFFFC000  }
0x147: {  	[spmem:s3] =	stream.indirect.scatter.add.f32 [tilespmem:s13], [sflag:$0x3], $0x80, s29, s12, $0xb8;
	[tilespmem:$0x1E000] =	vst v63  }
0x148: {  	_ =	swait.ge [sflag:s10], $0x4000  }
0x149: {  	[sflag:s10] =	ssyncset.done $0x0  }
0x14a: {  	[sflag:s10] =	ssyncadd.s32 $0xFFFFC000  }
0x14b: {  	[tilespmem:s13], [sflag:$0x1] =	stream.indirect.gather [hbm4b:s2+s12], $0x80, s30, s12, $0xb8;
	[tilespmem:$0x1E000] =	vst v63  }
0x14c: {  	_ =	swait.ge [sflag:s16], $0x4000  }
0x14d: {  	[sflag:s16] =	ssyncset.done $0x0  }
0x14e: {  	[sflag:s16] =	ssyncadd.s32 $0xFFFFC000  }
0x14f: {  	[spmem:s3] =	stream.indirect.scatter.add.f32 [tilespmem:s14], [sflag:$0x3], $0x80, s31, s12, $0xb8;
	[tilespmem:$0x1E000] =	vst v63  }
0x150: {  	_ =	swait.ge [sflag:s10], $0x4000  }
0x151: {  	[sflag:s10] =	ssyncset.done $0x0  }
0x152: {  	[sflag:s10] =	ssyncadd.s32 $0xFFFFC000  }
0x153: {  	[tilespmem:s14], [sflag:$0x2] =	stream.indirect.gather [hbm4b:s2+s12], $0x80, s1, s12, $0xb8;
	[tilespmem:$0x1E000] =	vst v63  }
0x154: {  	_ =	swait.ge [sflag:s15], $0x4000  }
0x155: {  	[sflag:s15] =	ssyncset.done $0x0  }
0x156: {  	[sflag:s15] =	ssyncadd.s32 $0xFFFFC000  }
0x157: {  	[spmem:s3] =	stream.indirect.scatter.add.f32 [tilespmem:s13], [sflag:$0x3], $0x80, s0, s12, $0xb8;
	[tilespmem:$0x1E000] =	vst v63  }
0x158: {  	_ =	swait.ge [sflag:s10], $0x4000  }
0x159: {  	[sflag:s10] =	ssyncset.done $0x0  }
0x15a: {  	[sflag:s10] =	ssyncadd.s32 $0xFFFFC000  }
0x15b: {  	_ =	swait.ge [sflag:s16], $0x4000  }
0x15c: {  	[sflag:s16] =	ssyncset.done $0x0  }
0x15d: {  	[sflag:s16] =	ssyncadd.s32 $0xFFFFC000  }
0x15e: {  	[spmem:s3] =	stream.indirect.scatter.add.f32 [tilespmem:s14], [sflag:$0x3], $0x80, s5, s12, $0xb8;
	[tilespmem:$0x1E000] =	vst v63  }
0x15f: {  	s6 =	simm.s32 $0x400;
	_ =	swait.ge [sflag:s10], $0x4000  }
0x160: {  	s8 =	simm.s32 $0x200;
	s9 =	rddreg [dreg:$0x6];
	[sflag:s10] =	ssyncset.done $0x0  }
.LBB2_2:
0x161: {  	[sflag:s10] =	ssyncadd.s32 $0xFFFFC000;
	s9 =	sadd.s32 s8, s9  }
0x162: {  	[tilespmem:s4], [sflag:$0x3] =	stream.linear.gather [hbm4b:s9+s4], $0x1000, $0x38;
	[tilespmem:$0x1E000] =	vst v63  }
0x163: {  	_ =	swait.ge [sflag:s10], $0x1000  }
0x164: {  	s9 =	rddreg [dreg:$0x5];
	[sflag:s10] =	ssyncset.done $0x0  }
0x165: {  	[sflag:s10] =	ssyncadd.s32 $0xFFFFF000;
	s9 =	sadd.s32 s8, s9  }
0x166: {  	[tilespmem:s11], [sflag:$0x3] =	stream.linear.gather [hbm4b:s9+s4], $0x1000, $0x38;
	[tilespmem:$0x1E000] =	vst v63  }
0x167: {  	_ =	swait.ge [sflag:s10], $0x1000  }
0x168: {  	[sflag:s10] =	ssyncset.done $0x0  }
0x169: {  	[sflag:s10] =	ssyncadd.s32 $0xFFFFF000  }
0x16a: {  	[tilespmem:s13], [sflag:$0x1] =	stream.indirect.gather [hbm4b:s2+s12], $0x80, s4, s12, $0xb8;
	[tilespmem:$0x1E000] =	vst v63  }
0x16b: {  	_ = 	snop  }
0x16c: {  	[tilespmem:s14], [sflag:$0x2] =	stream.indirect.gather [hbm4b:s2+s12], $0x80, s12, s12, $0xb8;
	[tilespmem:$0x1E000] =	vst v63  }
0x16d: {  	_ =	swait.ge [sflag:s15], $0x4000  }
0x16e: {  	[sflag:s15] =	ssyncset.done $0x0  }
0x16f: {  	[sflag:s15] =	ssyncadd.s32 $0xFFFFC000  }
0x170: {  	[spmem:s3] =	stream.indirect.scatter.add.f32 [tilespmem:s13], [sflag:$0x3], $0x80, s11, s12, $0xb8;
	[tilespmem:$0x1E000] =	vst v63  }
0x171: {  	_ =	swait.ge [sflag:s10], $0x4000  }
0x172: {  	[sflag:s10] =	ssyncset.done $0x0  }
0x173: {  	s9 =	rddreg [dreg:$0x7];
	[sflag:s10] =	ssyncadd.s32 $0xFFFFC000  }
0x174: {  	[tilespmem:s13], [sflag:$0x1] =	stream.indirect.gather [hbm4b:s2+s12], $0x80, s9, s12, $0xb8;
	[tilespmem:$0x1E000] =	vst v63  }
0x175: {  	_ =	swait.ge [sflag:s16], $0x4000  }
0x176: {  	[sflag:s16] =	ssyncset.done $0x0  }
0x177: {  	s9 =	rddreg [dreg:$0x8];
	[sflag:s16] =	ssyncadd.s32 $0xFFFFC000  }
0x178: {  	[spmem:s3] =	stream.indirect.scatter.add.f32 [tilespmem:s14], [sflag:$0x3], $0x80, s9, s12, $0xb8;
	[tilespmem:$0x1E000] =	vst v63  }
0x179: {  	_ =	swait.ge [sflag:s10], $0x4000  }
0x17a: {  	[sflag:s10] =	ssyncset.done $0x0  }
0x17b: {  	s9 =	rddreg [dreg:$0x9];
	[sflag:s10] =	ssyncadd.s32 $0xFFFFC000  }
0x17c: {  	[tilespmem:s14], [sflag:$0x2] =	stream.indirect.gather [hbm4b:s2+s12], $0x80, s9, s12, $0xb8;
	[tilespmem:$0x1E000] =	vst v63  }
0x17d: {  	_ =	swait.ge [sflag:s15], $0x4000  }
0x17e: {  	[sflag:s15] =	ssyncset.done $0x0  }
0x17f: {  	s9 =	rddreg [dreg:$0xa];
	[sflag:s15] =	ssyncadd.s32 $0xFFFFC000  }
0x180: {  	[spmem:s3] =	stream.indirect.scatter.add.f32 [tilespmem:s13], [sflag:$0x3], $0x80, s9, s12, $0xb8;
	[tilespmem:$0x1E000] =	vst v63  }
0x181: {  	_ =	swait.ge [sflag:s10], $0x4000  }
0x182: {  	[sflag:s10] =	ssyncset.done $0x0  }
0x183: {  	s9 =	rddreg [dreg:$0xb];
	[sflag:s10] =	ssyncadd.s32 $0xFFFFC000  }
0x184: {  	[tilespmem:s13], [sflag:$0x1] =	stream.indirect.gather [hbm4b:s2+s12], $0x80, s9, s12, $0xb8;
	[tilespmem:$0x1E000] =	vst v63  }
0x185: {  	_ =	swait.ge [sflag:s16], $0x4000  }
0x186: {  	[sflag:s16] =	ssyncset.done $0x0  }
0x187: {  	s9 =	rddreg [dreg:$0xc];
	[sflag:s16] =	ssyncadd.s32 $0xFFFFC000  }
0x188: {  	[spmem:s3] =	stream.indirect.scatter.add.f32 [tilespmem:s14], [sflag:$0x3], $0x80, s9, s12, $0xb8;
	[tilespmem:$0x1E000] =	vst v63  }
0x189: {  	_ =	swait.ge [sflag:s10], $0x4000  }
0x18a: {  	[sflag:s10] =	ssyncset.done $0x0  }
0x18b: {  	s9 =	rddreg [dreg:$0xd];
	[sflag:s10] =	ssyncadd.s32 $0xFFFFC000  }
0x18c: {  	[tilespmem:s14], [sflag:$0x2] =	stream.indirect.gather [hbm4b:s2+s12], $0x80, s9, s12, $0xb8;
	[tilespmem:$0x1E000] =	vst v63  }
0x18d: {  	_ =	swait.ge [sflag:s15], $0x4000  }
0x18e: {  	[sflag:s15] =	ssyncset.done $0x0  }
0x18f: {  	s9 =	rddreg [dreg:$0xe];
	[sflag:s15] =	ssyncadd.s32 $0xFFFFC000  }
0x190: {  	[spmem:s3] =	stream.indirect.scatter.add.f32 [tilespmem:s13], [sflag:$0x3], $0x80, s9, s12, $0xb8;
	[tilespmem:$0x1E000] =	vst v63  }
0x191: {  	_ =	swait.ge [sflag:s10], $0x4000  }
0x192: {  	[sflag:s10] =	ssyncset.done $0x0  }
0x193: {  	s9 =	rddreg [dreg:$0xf];
	[sflag:s10] =	ssyncadd.s32 $0xFFFFC000  }
0x194: {  	[tilespmem:s13], [sflag:$0x1] =	stream.indirect.gather [hbm4b:s2+s12], $0x80, s9, s12, $0xb8;
	[tilespmem:$0x1E000] =	vst v63  }
0x195: {  	_ =	swait.ge [sflag:s16], $0x4000  }
0x196: {  	[sflag:s16] =	ssyncset.done $0x0  }
0x197: {  	s9 =	rddreg [dreg:$0x10];
	[sflag:s16] =	ssyncadd.s32 $0xFFFFC000  }
0x198: {  	[spmem:s3] =	stream.indirect.scatter.add.f32 [tilespmem:s14], [sflag:$0x3], $0x80, s9, s12, $0xb8;
	[tilespmem:$0x1E000] =	vst v63  }
0x199: {  	_ =	swait.ge [sflag:s10], $0x4000  }
0x19a: {  	[sflag:s10] =	ssyncset.done $0x0  }
0x19b: {  	s9 =	rddreg [dreg:$0x11];
	[sflag:s10] =	ssyncadd.s32 $0xFFFFC000  }
0x19c: {  	[tilespmem:s14], [sflag:$0x2] =	stream.indirect.gather [hbm4b:s2+s12], $0x80, s9, s12, $0xb8;
	[tilespmem:$0x1E000] =	vst v63  }
0x19d: {  	_ =	swait.ge [sflag:s15], $0x4000  }
0x19e: {  	[sflag:s15] =	ssyncset.done $0x0  }
0x19f: {  	s9 =	rddreg [dreg:$0x12];
	[sflag:s15] =	ssyncadd.s32 $0xFFFFC000  }
0x1a0: {  	[spmem:s3] =	stream.indirect.scatter.add.f32 [tilespmem:s13], [sflag:$0x3], $0x80, s9, s12, $0xb8;
	[tilespmem:$0x1E000] =	vst v63  }
0x1a1: {  	_ =	swait.ge [sflag:s10], $0x4000  }
0x1a2: {  	[sflag:s10] =	ssyncset.done $0x0  }
0x1a3: {  	s9 =	rddreg [dreg:$0x13];
	[sflag:s10] =	ssyncadd.s32 $0xFFFFC000  }
0x1a4: {  	[tilespmem:s13], [sflag:$0x1] =	stream.indirect.gather [hbm4b:s2+s12], $0x80, s9, s12, $0xb8;
	[tilespmem:$0x1E000] =	vst v63  }
0x1a5: {  	_ =	swait.ge [sflag:s16], $0x4000  }
0x1a6: {  	[sflag:s16] =	ssyncset.done $0x0  }
0x1a7: {  	s9 =	rddreg [dreg:$0x14];
	[sflag:s16] =	ssyncadd.s32 $0xFFFFC000  }
0x1a8: {  	[spmem:s3] =	stream.indirect.scatter.add.f32 [tilespmem:s14], [sflag:$0x3], $0x80, s9, s12, $0xb8;
	[tilespmem:$0x1E000] =	vst v63  }
0x1a9: {  	_ =	swait.ge [sflag:s10], $0x4000  }
0x1aa: {  	[sflag:s10] =	ssyncset.done $0x0  }
0x1ab: {  	s9 =	rddreg [dreg:$0x15];
	[sflag:s10] =	ssyncadd.s32 $0xFFFFC000  }
0x1ac: {  	[tilespmem:s14], [sflag:$0x2] =	stream.indirect.gather [hbm4b:s2+s12], $0x80, s9, s12, $0xb8;
	[tilespmem:$0x1E000] =	vst v63  }
0x1ad: {  	_ =	swait.ge [sflag:s15], $0x4000  }
0x1ae: {  	[sflag:s15] =	ssyncset.done $0x0  }
0x1af: {  	s9 =	rddreg [dreg:$0x16];
	[sflag:s15] =	ssyncadd.s32 $0xFFFFC000  }
0x1b0: {  	[spmem:s3] =	stream.indirect.scatter.add.f32 [tilespmem:s13], [sflag:$0x3], $0x80, s9, s12, $0xb8;
	[tilespmem:$0x1E000] =	vst v63  }
0x1b1: {  	_ =	swait.ge [sflag:s10], $0x4000  }
0x1b2: {  	[sflag:s10] =	ssyncset.done $0x0  }
0x1b3: {  	s9 =	rddreg [dreg:$0x17];
	[sflag:s10] =	ssyncadd.s32 $0xFFFFC000  }
0x1b4: {  	[tilespmem:s13], [sflag:$0x1] =	stream.indirect.gather [hbm4b:s2+s12], $0x80, s9, s12, $0xb8;
	[tilespmem:$0x1E000] =	vst v63  }
0x1b5: {  	_ =	swait.ge [sflag:s16], $0x4000  }
0x1b6: {  	[sflag:s16] =	ssyncset.done $0x0  }
0x1b7: {  	s9 =	rddreg [dreg:$0x18];
	[sflag:s16] =	ssyncadd.s32 $0xFFFFC000  }
0x1b8: {  	[spmem:s3] =	stream.indirect.scatter.add.f32 [tilespmem:s14], [sflag:$0x3], $0x80, s9, s12, $0xb8;
	[tilespmem:$0x1E000] =	vst v63  }
0x1b9: {  	_ =	swait.ge [sflag:s10], $0x4000  }
0x1ba: {  	[sflag:s10] =	ssyncset.done $0x0  }
0x1bb: {  	s9 =	rddreg [dreg:$0x19];
	[sflag:s10] =	ssyncadd.s32 $0xFFFFC000  }
0x1bc: {  	[tilespmem:s14], [sflag:$0x2] =	stream.indirect.gather [hbm4b:s2+s12], $0x80, s9, s12, $0xb8;
	[tilespmem:$0x1E000] =	vst v63  }
0x1bd: {  	_ =	swait.ge [sflag:s15], $0x4000  }
0x1be: {  	[sflag:s15] =	ssyncset.done $0x0  }
0x1bf: {  	s9 =	rddreg [dreg:$0x1a];
	[sflag:s15] =	ssyncadd.s32 $0xFFFFC000  }
0x1c0: {  	[spmem:s3] =	stream.indirect.scatter.add.f32 [tilespmem:s13], [sflag:$0x3], $0x80, s9, s12, $0xb8;
	[tilespmem:$0x1E000] =	vst v63  }
0x1c1: {  	_ =	swait.ge [sflag:s10], $0x4000  }
0x1c2: {  	[sflag:s10] =	ssyncset.done $0x0  }
0x1c3: {  	s9 =	rddreg [dreg:$0x1b];
	[sflag:s10] =	ssyncadd.s32 $0xFFFFC000  }
0x1c4: {  	[tilespmem:s13], [sflag:$0x1] =	stream.indirect.gather [hbm4b:s2+s12], $0x80, s9, s12, $0xb8;
	[tilespmem:$0x1E000] =	vst v63  }
0x1c5: {  	_ =	swait.ge [sflag:s16], $0x4000  }
0x1c6: {  	[sflag:s16] =	ssyncset.done $0x0  }
0x1c7: {  	s9 =	rddreg [dreg:$0x1c];
	[sflag:s16] =	ssyncadd.s32 $0xFFFFC000  }
0x1c8: {  	[spmem:s3] =	stream.indirect.scatter.add.f32 [tilespmem:s14], [sflag:$0x3], $0x80, s9, s12, $0xb8;
	[tilespmem:$0x1E000] =	vst v63  }
0x1c9: {  	_ =	swait.ge [sflag:s10], $0x4000  }
0x1ca: {  	[sflag:s10] =	ssyncset.done $0x0  }
0x1cb: {  	s9 =	rddreg [dreg:$0x1d];
	[sflag:s10] =	ssyncadd.s32 $0xFFFFC000  }
0x1cc: {  	[tilespmem:s14], [sflag:$0x2] =	stream.indirect.gather [hbm4b:s2+s12], $0x80, s9, s12, $0xb8;
	[tilespmem:$0x1E000] =	vst v63  }
0x1cd: {  	_ =	swait.ge [sflag:s15], $0x4000  }
0x1ce: {  	[sflag:s15] =	ssyncset.done $0x0  }
0x1cf: {  	s9 =	rddreg [dreg:$0x1e];
	[sflag:s15] =	ssyncadd.s32 $0xFFFFC000  }
0x1d0: {  	[spmem:s3] =	stream.indirect.scatter.add.f32 [tilespmem:s13], [sflag:$0x3], $0x80, s9, s12, $0xb8;
	[tilespmem:$0x1E000] =	vst v63  }
0x1d1: {  	_ =	swait.ge [sflag:s10], $0x4000  }
0x1d2: {  	[sflag:s10] =	ssyncset.done $0x0  }
0x1d3: {  	s9 =	rddreg [dreg:$0x1f];
	[sflag:s10] =	ssyncadd.s32 $0xFFFFC000  }
0x1d4: {  	[tilespmem:s13], [sflag:$0x1] =	stream.indirect.gather [hbm4b:s2+s12], $0x80, s9, s12, $0xb8;
	[tilespmem:$0x1E000] =	vst v63  }
0x1d5: {  	_ =	swait.ge [sflag:s16], $0x4000  }
0x1d6: {  	s9 =	sld [smem:$0x7E7]  }
0x1d7: {  	[sflag:s16] =	ssyncset.done $0x0  }
0x1d8: {  	[sflag:s16] =	ssyncadd.s32 $0xFFFFC000  }
0x1d9: {  	[spmem:s3] =	stream.indirect.scatter.add.f32 [tilespmem:s14], [sflag:$0x3], $0x80, s9, s12, $0xb8;
	[tilespmem:$0x1E000] =	vst v63  }
0x1da: {  	_ =	swait.ge [sflag:s10], $0x4000  }
0x1db: {  	s9 =	sld [smem:$0x7E8]  }
0x1dc: {  	[sflag:s10] =	ssyncset.done $0x0  }
0x1dd: {  	[sflag:s10] =	ssyncadd.s32 $0xFFFFC000  }
0x1de: {  	[tilespmem:s14], [sflag:$0x2] =	stream.indirect.gather [hbm4b:s2+s12], $0x80, s9, s12, $0xb8;
	[tilespmem:$0x1E000] =	vst v63  }
0x1df: {  	_ =	swait.ge [sflag:s15], $0x4000  }
0x1e0: {  	s9 =	sld [smem:$0x7E9]  }
0x1e1: {  	[sflag:s15] =	ssyncset.done $0x0  }
0x1e2: {  	[sflag:s15] =	ssyncadd.s32 $0xFFFFC000  }
0x1e3: {  	[spmem:s3] =	stream.indirect.scatter.add.f32 [tilespmem:s13], [sflag:$0x3], $0x80, s9, s12, $0xb8;
	[tilespmem:$0x1E000] =	vst v63  }
0x1e4: {  	_ =	swait.ge [sflag:s10], $0x4000  }
0x1e5: {  	s9 =	sld [smem:$0x7EA]  }
0x1e6: {  	[sflag:s10] =	ssyncset.done $0x0  }
0x1e7: {  	[sflag:s10] =	ssyncadd.s32 $0xFFFFC000  }
0x1e8: {  	[tilespmem:s13], [sflag:$0x1] =	stream.indirect.gather [hbm4b:s2+s12], $0x80, s9, s12, $0xb8;
	[tilespmem:$0x1E000] =	vst v63  }
0x1e9: {  	_ =	swait.ge [sflag:s16], $0x4000  }
0x1ea: {  	s9 =	sld [smem:$0x7EB]  }
0x1eb: {  	[sflag:s16] =	ssyncset.done $0x0  }
0x1ec: {  	[sflag:s16] =	ssyncadd.s32 $0xFFFFC000  }
0x1ed: {  	[spmem:s3] =	stream.indirect.scatter.add.f32 [tilespmem:s14], [sflag:$0x3], $0x80, s9, s12, $0xb8;
	[tilespmem:$0x1E000] =	vst v63  }
0x1ee: {  	_ =	swait.ge [sflag:s10], $0x4000  }
0x1ef: {  	s9 =	sld [smem:$0x7EC]  }
0x1f0: {  	[sflag:s10] =	ssyncset.done $0x0  }
0x1f1: {  	[sflag:s10] =	ssyncadd.s32 $0xFFFFC000  }
0x1f2: {  	[tilespmem:s14], [sflag:$0x2] =	stream.indirect.gather [hbm4b:s2+s12], $0x80, s9, s12, $0xb8;
	[tilespmem:$0x1E000] =	vst v63  }
0x1f3: {  	_ =	swait.ge [sflag:s15], $0x4000  }
0x1f4: {  	s9 =	sld [smem:$0x7ED]  }
0x1f5: {  	[sflag:s15] =	ssyncset.done $0x0  }
0x1f6: {  	[sflag:s15] =	ssyncadd.s32 $0xFFFFC000  }
0x1f7: {  	[spmem:s3] =	stream.indirect.scatter.add.f32 [tilespmem:s13], [sflag:$0x3], $0x80, s9, s12, $0xb8;
	[tilespmem:$0x1E000] =	vst v63  }
0x1f8: {  	_ =	swait.ge [sflag:s10], $0x4000  }
0x1f9: {  	s9 =	sld [smem:$0x7EE]  }
0x1fa: {  	[sflag:s10] =	ssyncset.done $0x0  }
0x1fb: {  	[sflag:s10] =	ssyncadd.s32 $0xFFFFC000  }
0x1fc: {  	[tilespmem:s13], [sflag:$0x1] =	stream.indirect.gather [hbm4b:s2+s12], $0x80, s9, s12, $0xb8;
	[tilespmem:$0x1E000] =	vst v63  }
0x1fd: {  	_ =	swait.ge [sflag:s16], $0x4000  }
0x1fe: {  	s9 =	sld [smem:$0x7EF]  }
0x1ff: {  	[sflag:s16] =	ssyncset.done $0x0  }
0x200: {  	[sflag:s16] =	ssyncadd.s32 $0xFFFFC000  }
0x201: {  	[spmem:s3] =	stream.indirect.scatter.add.f32 [tilespmem:s14], [sflag:$0x3], $0x80, s9, s12, $0xb8;
	[tilespmem:$0x1E000] =	vst v63  }
0x202: {  	_ =	swait.ge [sflag:s10], $0x4000  }
0x203: {  	s9 =	sld [smem:$0x7F0]  }
0x204: {  	[sflag:s10] =	ssyncset.done $0x0  }
0x205: {  	[sflag:s10] =	ssyncadd.s32 $0xFFFFC000  }
0x206: {  	[tilespmem:s14], [sflag:$0x2] =	stream.indirect.gather [hbm4b:s2+s12], $0x80, s9, s12, $0xb8;
	[tilespmem:$0x1E000] =	vst v63  }
0x207: {  	_ =	swait.ge [sflag:s15], $0x4000  }
0x208: {  	s9 =	sld [smem:$0x7F2]  }
0x209: {  	[sflag:s15] =	ssyncset.done $0x0  }
0x20a: {  	[sflag:s15] =	ssyncadd.s32 $0xFFFFC000  }
0x20b: {  	[spmem:s3] =	stream.indirect.scatter.add.f32 [tilespmem:s13], [sflag:$0x3], $0x80, s9, s12, $0xb8;
	[tilespmem:$0x1E000] =	vst v63  }
0x20c: {  	_ =	swait.ge [sflag:s10], $0x4000  }
0x20d: {  	s9 =	sld [smem:$0x7F4]  }
0x20e: {  	[sflag:s10] =	ssyncset.done $0x0  }
0x20f: {  	[sflag:s10] =	ssyncadd.s32 $0xFFFFC000  }
0x210: {  	[tilespmem:s13], [sflag:$0x1] =	stream.indirect.gather [hbm4b:s2+s12], $0x80, s9, s12, $0xb8;
	[tilespmem:$0x1E000] =	vst v63  }
0x211: {  	_ =	swait.ge [sflag:s16], $0x4000  }
0x212: {  	s9 =	sld [smem:$0x7F5]  }
0x213: {  	[sflag:s16] =	ssyncset.done $0x0  }
0x214: {  	[sflag:s16] =	ssyncadd.s32 $0xFFFFC000  }
0x215: {  	[spmem:s3] =	stream.indirect.scatter.add.f32 [tilespmem:s14], [sflag:$0x3], $0x80, s9, s12, $0xb8;
	[tilespmem:$0x1E000] =	vst v63  }
0x216: {  	_ =	swait.ge [sflag:s10], $0x4000  }
0x217: {  	s9 =	sld [smem:$0x7F6]  }
0x218: {  	[sflag:s10] =	ssyncset.done $0x0  }
0x219: {  	[sflag:s10] =	ssyncadd.s32 $0xFFFFC000  }
0x21a: {  	[tilespmem:s14], [sflag:$0x2] =	stream.indirect.gather [hbm4b:s2+s12], $0x80, s9, s12, $0xb8;
	[tilespmem:$0x1E000] =	vst v63  }
0x21b: {  	_ =	swait.ge [sflag:s15], $0x4000  }
0x21c: {  	s9 =	sld [smem:$0x7F7]  }
0x21d: {  	[sflag:s15] =	ssyncset.done $0x0  }
0x21e: {  	[sflag:s15] =	ssyncadd.s32 $0xFFFFC000  }
0x21f: {  	[spmem:s3] =	stream.indirect.scatter.add.f32 [tilespmem:s13], [sflag:$0x3], $0x80, s9, s12, $0xb8;
	[tilespmem:$0x1E000] =	vst v63  }
0x220: {  	_ =	swait.ge [sflag:s10], $0x4000  }
0x221: {  	s9 =	sld [smem:$0x7F8]  }
0x222: {  	[sflag:s10] =	ssyncset.done $0x0  }
0x223: {  	[sflag:s10] =	ssyncadd.s32 $0xFFFFC000  }
0x224: {  	[tilespmem:s13], [sflag:$0x1] =	stream.indirect.gather [hbm4b:s2+s12], $0x80, s9, s12, $0xb8;
	[tilespmem:$0x1E000] =	vst v63  }
0x225: {  	_ =	swait.ge [sflag:s16], $0x4000  }
0x226: {  	s9 =	sld [smem:$0x7F9]  }
0x227: {  	[sflag:s16] =	ssyncset.done $0x0  }
0x228: {  	[sflag:s16] =	ssyncadd.s32 $0xFFFFC000  }
0x229: {  	[spmem:s3] =	stream.indirect.scatter.add.f32 [tilespmem:s14], [sflag:$0x3], $0x80, s9, s12, $0xb8;
	[tilespmem:$0x1E000] =	vst v63  }
0x22a: {  	_ =	swait.ge [sflag:s10], $0x4000  }
0x22b: {  	s9 =	sld [smem:$0x7FA]  }
0x22c: {  	[sflag:s10] =	ssyncset.done $0x0  }
0x22d: {  	[sflag:s10] =	ssyncadd.s32 $0xFFFFC000  }
0x22e: {  	[tilespmem:s14], [sflag:$0x2] =	stream.indirect.gather [hbm4b:s2+s12], $0x80, s9, s12, $0xb8;
	[tilespmem:$0x1E000] =	vst v63  }
0x22f: {  	_ =	swait.ge [sflag:s15], $0x4000  }
0x230: {  	s9 =	sld [smem:$0x7FB]  }
0x231: {  	[sflag:s15] =	ssyncset.done $0x0  }
0x232: {  	[sflag:s15] =	ssyncadd.s32 $0xFFFFC000  }
0x233: {  	[spmem:s3] =	stream.indirect.scatter.add.f32 [tilespmem:s13], [sflag:$0x3], $0x80, s9, s12, $0xb8;
	[tilespmem:$0x1E000] =	vst v63  }
0x234: {  	_ =	swait.ge [sflag:s10], $0x4000  }
0x235: {  	[sflag:s10] =	ssyncset.done $0x0  }
0x236: {  	[sflag:s10] =	ssyncadd.s32 $0xFFFFC000  }
0x237: {  	[tilespmem:s13], [sflag:$0x1] =	stream.indirect.gather [hbm4b:s2+s12], $0x80, s17, s12, $0xb8;
	[tilespmem:$0x1E000] =	vst v63  }
0x238: {  	_ =	swait.ge [sflag:s16], $0x4000  }
0x239: {  	[sflag:s16] =	ssyncset.done $0x0  }
0x23a: {  	[sflag:s16] =	ssyncadd.s32 $0xFFFFC000  }
0x23b: {  	[spmem:s3] =	stream.indirect.scatter.add.f32 [tilespmem:s14], [sflag:$0x3], $0x80, s18, s12, $0xb8;
	[tilespmem:$0x1E000] =	vst v63  }
0x23c: {  	_ =	swait.ge [sflag:s10], $0x4000  }
0x23d: {  	[sflag:s10] =	ssyncset.done $0x0  }
0x23e: {  	[sflag:s10] =	ssyncadd.s32 $0xFFFFC000  }
0x23f: {  	[tilespmem:s14], [sflag:$0x2] =	stream.indirect.gather [hbm4b:s2+s12], $0x80, s19, s12, $0xb8;
	[tilespmem:$0x1E000] =	vst v63  }
0x240: {  	_ =	swait.ge [sflag:s15], $0x4000  }
0x241: {  	[sflag:s15] =	ssyncset.done $0x0  }
0x242: {  	[sflag:s15] =	ssyncadd.s32 $0xFFFFC000  }
0x243: {  	[spmem:s3] =	stream.indirect.scatter.add.f32 [tilespmem:s13], [sflag:$0x3], $0x80, s20, s12, $0xb8;
	[tilespmem:$0x1E000] =	vst v63  }
0x244: {  	_ =	swait.ge [sflag:s10], $0x4000  }
0x245: {  	[sflag:s10] =	ssyncset.done $0x0  }
0x246: {  	[sflag:s10] =	ssyncadd.s32 $0xFFFFC000  }
0x247: {  	[tilespmem:s13], [sflag:$0x1] =	stream.indirect.gather [hbm4b:s2+s12], $0x80, s21, s12, $0xb8;
	[tilespmem:$0x1E000] =	vst v63  }
0x248: {  	_ =	swait.ge [sflag:s16], $0x4000  }
0x249: {  	[sflag:s16] =	ssyncset.done $0x0  }
0x24a: {  	[sflag:s16] =	ssyncadd.s32 $0xFFFFC000  }
0x24b: {  	[spmem:s3] =	stream.indirect.scatter.add.f32 [tilespmem:s14], [sflag:$0x3], $0x80, s22, s12, $0xb8;
	[tilespmem:$0x1E000] =	vst v63  }
0x24c: {  	_ =	swait.ge [sflag:s10], $0x4000  }
0x24d: {  	[sflag:s10] =	ssyncset.done $0x0  }
0x24e: {  	[sflag:s10] =	ssyncadd.s32 $0xFFFFC000  }
0x24f: {  	[tilespmem:s14], [sflag:$0x2] =	stream.indirect.gather [hbm4b:s2+s12], $0x80, s23, s12, $0xb8;
	[tilespmem:$0x1E000] =	vst v63  }
0x250: {  	_ =	swait.ge [sflag:s15], $0x4000  }
0x251: {  	[sflag:s15] =	ssyncset.done $0x0  }
0x252: {  	[sflag:s15] =	ssyncadd.s32 $0xFFFFC000  }
0x253: {  	[spmem:s3] =	stream.indirect.scatter.add.f32 [tilespmem:s13], [sflag:$0x3], $0x80, s24, s12, $0xb8;
	[tilespmem:$0x1E000] =	vst v63  }
0x254: {  	_ =	swait.ge [sflag:s10], $0x4000  }
0x255: {  	[sflag:s10] =	ssyncset.done $0x0  }
0x256: {  	[sflag:s10] =	ssyncadd.s32 $0xFFFFC000  }
0x257: {  	[tilespmem:s13], [sflag:$0x1] =	stream.indirect.gather [hbm4b:s2+s12], $0x80, s25, s12, $0xb8;
	[tilespmem:$0x1E000] =	vst v63  }
0x258: {  	_ =	swait.ge [sflag:s16], $0x4000  }
0x259: {  	[sflag:s16] =	ssyncset.done $0x0  }
0x25a: {  	[sflag:s16] =	ssyncadd.s32 $0xFFFFC000  }
0x25b: {  	[spmem:s3] =	stream.indirect.scatter.add.f32 [tilespmem:s14], [sflag:$0x3], $0x80, s26, s12, $0xb8;
	[tilespmem:$0x1E000] =	vst v63  }
0x25c: {  	_ =	swait.ge [sflag:s10], $0x4000  }
0x25d: {  	[sflag:s10] =	ssyncset.done $0x0  }
0x25e: {  	[sflag:s10] =	ssyncadd.s32 $0xFFFFC000  }
0x25f: {  	[tilespmem:s14], [sflag:$0x2] =	stream.indirect.gather [hbm4b:s2+s12], $0x80, s28, s12, $0xb8;
	[tilespmem:$0x1E000] =	vst v63  }
0x260: {  	_ =	swait.ge [sflag:s15], $0x4000  }
0x261: {  	[sflag:s15] =	ssyncset.done $0x0  }
0x262: {  	[sflag:s15] =	ssyncadd.s32 $0xFFFFC000  }
0x263: {  	[spmem:s3] =	stream.indirect.scatter.add.f32 [tilespmem:s13], [sflag:$0x3], $0x80, s29, s12, $0xb8;
	[tilespmem:$0x1E000] =	vst v63  }
0x264: {  	_ =	swait.ge [sflag:s10], $0x4000  }
0x265: {  	[sflag:s10] =	ssyncset.done $0x0  }
0x266: {  	[sflag:s10] =	ssyncadd.s32 $0xFFFFC000  }
0x267: {  	[tilespmem:s13], [sflag:$0x1] =	stream.indirect.gather [hbm4b:s2+s12], $0x80, s30, s12, $0xb8;
	[tilespmem:$0x1E000] =	vst v63  }
0x268: {  	_ =	swait.ge [sflag:s16], $0x4000  }
0x269: {  	[sflag:s16] =	ssyncset.done $0x0  }
0x26a: {  	[sflag:s16] =	ssyncadd.s32 $0xFFFFC000  }
0x26b: {  	[spmem:s3] =	stream.indirect.scatter.add.f32 [tilespmem:s14], [sflag:$0x3], $0x80, s31, s12, $0xb8;
	[tilespmem:$0x1E000] =	vst v63  }
0x26c: {  	_ =	swait.ge [sflag:s10], $0x4000  }
0x26d: {  	[sflag:s10] =	ssyncset.done $0x0  }
0x26e: {  	[sflag:s10] =	ssyncadd.s32 $0xFFFFC000  }
0x26f: {  	[tilespmem:s14], [sflag:$0x2] =	stream.indirect.gather [hbm4b:s2+s12], $0x80, s1, s12, $0xb8;
	[tilespmem:$0x1E000] =	vst v63  }
0x270: {  	_ =	swait.ge [sflag:s15], $0x4000  }
0x271: {  	[sflag:s15] =	ssyncset.done $0x0  }
0x272: {  	[sflag:s15] =	ssyncadd.s32 $0xFFFFC000  }
0x273: {  	[spmem:s3] =	stream.indirect.scatter.add.f32 [tilespmem:s13], [sflag:$0x3], $0x80, s0, s12, $0xb8;
	[tilespmem:$0x1E000] =	vst v63  }
0x274: {  	_ =	swait.ge [sflag:s10], $0x4000  }
0x275: {  	[sflag:s10] =	ssyncset.done $0x0  }
0x276: {  	[sflag:s10] =	ssyncadd.s32 $0xFFFFC000  }
0x277: {  	p0 =	sne.s32 s6, $0x800;
	_ =	swait.ge [sflag:s16], $0x4000  }
.Ltmp0:
0x278: {  	[sflag:s16] =	ssyncset.done $0x0;
	(pc) =	sbr.rel @p0 .LBB2_2-.Ltmp0, $4  }
0x279: {  	[sflag:s16] =	ssyncadd.s32 $0xFFFFC000  }
0x27a: {  	[spmem:s3] =	stream.indirect.scatter.add.f32 [tilespmem:s14], [sflag:$0x3], $0x80, s5, s12, $0xb8;
	[tilespmem:$0x1E000] =	vst v63  }
0x27b: {  	s7 =	smov.u32 s6;
	s6 =	sadd.s32 $0x200, s6;
	_ =	swait.ge [sflag:s10], $0x4000  }
0x27c: {  	s8 =	smov.u32 s7;
	s9 =	rddreg [dreg:$0x6];
	[sflag:s10] =	ssyncset.done $0x0  }
0x27d: {  	[sflag:s10] =	ssyncadd.s32 $0xFFFFC000;
	s6 =	sadd.s32 s8, s9  }
0x27e: {  	[tilespmem:s4], [sflag:$0x3] =	stream.linear.gather [hbm4b:s6+s4], $0x1000, $0x38;
	[tilespmem:$0x1E000] =	vst v63  }
0x27f: {  	_ =	swait.ge [sflag:s10], $0x1000  }
0x280: {  	s9 =	rddreg [dreg:$0x5];
	[sflag:s10] =	ssyncset.done $0x0  }
0x281: {  	s6 =	sadd.s32 s8, s9;
	[sflag:s10] =	ssyncadd.s32 $0xFFFFF000  }
0x282: {  	[tilespmem:s11], [sflag:$0x3] =	stream.linear.gather [hbm4b:s6+s4], $0x1000, $0x38;
	[tilespmem:$0x1E000] =	vst v63  }
0x283: {  	_ =	swait.ge [sflag:s10], $0x1000  }
0x284: {  	[sflag:s10] =	ssyncset.done $0x0  }
0x285: {  	[sflag:s10] =	ssyncadd.s32 $0xFFFFF000  }
0x286: {  	[tilespmem:s13], [sflag:$0x1] =	stream.indirect.gather [hbm4b:s2+s12], $0x80, s4, s12, $0xb8;
	[tilespmem:$0x1E000] =	vst v63  }
0x287: {  	_ = 	snop  }
0x288: {  	[tilespmem:s14], [sflag:$0x2] =	stream.indirect.gather [hbm4b:s2+s12], $0x80, s12, s12, $0xb8;
	[tilespmem:$0x1E000] =	vst v63  }
0x289: {  	_ =	swait.ge [sflag:s15], $0x4000  }
0x28a: {  	[sflag:s15] =	ssyncset.done $0x0  }
0x28b: {  	[sflag:s15] =	ssyncadd.s32 $0xFFFFC000  }
0x28c: {  	[spmem:s3] =	stream.indirect.scatter.add.f32 [tilespmem:s13], [sflag:$0x3], $0x80, s11, s12, $0xb8;
	[tilespmem:$0x1E000] =	vst v63  }
0x28d: {  	_ =	swait.ge [sflag:s10], $0x4000  }
0x28e: {  	[sflag:s10] =	ssyncset.done $0x0  }
0x28f: {  	s7 =	rddreg [dreg:$0x7];
	[sflag:s10] =	ssyncadd.s32 $0xFFFFC000  }
0x290: {  	[tilespmem:s13], [sflag:$0x1] =	stream.indirect.gather [hbm4b:s2+s12], $0x80, s7, s12, $0xb8;
	[tilespmem:$0x1E000] =	vst v63  }
0x291: {  	_ =	swait.ge [sflag:s16], $0x4000  }
0x292: {  	[sflag:s16] =	ssyncset.done $0x0  }
0x293: {  	s8 =	rddreg [dreg:$0x8];
	[sflag:s16] =	ssyncadd.s32 $0xFFFFC000  }
0x294: {  	[spmem:s3] =	stream.indirect.scatter.add.f32 [tilespmem:s14], [sflag:$0x3], $0x80, s8, s12, $0xb8;
	[tilespmem:$0x1E000] =	vst v63  }
0x295: {  	_ =	swait.ge [sflag:s10], $0x4000  }
0x296: {  	[sflag:s10] =	ssyncset.done $0x0  }
0x297: {  	s9 =	rddreg [dreg:$0x9];
	[sflag:s10] =	ssyncadd.s32 $0xFFFFC000  }
0x298: {  	[tilespmem:s14], [sflag:$0x2] =	stream.indirect.gather [hbm4b:s2+s12], $0x80, s9, s12, $0xb8;
	[tilespmem:$0x1E000] =	vst v63  }
0x299: {  	_ =	swait.ge [sflag:s15], $0x4000  }
0x29a: {  	[sflag:s15] =	ssyncset.done $0x0  }
0x29b: {  	s7 =	rddreg [dreg:$0xa];
	[sflag:s15] =	ssyncadd.s32 $0xFFFFC000  }
0x29c: {  	[spmem:s3] =	stream.indirect.scatter.add.f32 [tilespmem:s13], [sflag:$0x3], $0x80, s7, s12, $0xb8;
	[tilespmem:$0x1E000] =	vst v63  }
0x29d: {  	_ =	swait.ge [sflag:s10], $0x4000  }
0x29e: {  	[sflag:s10] =	ssyncset.done $0x0  }
0x29f: {  	s8 =	rddreg [dreg:$0xb];
	[sflag:s10] =	ssyncadd.s32 $0xFFFFC000  }
0x2a0: {  	[tilespmem:s13], [sflag:$0x1] =	stream.indirect.gather [hbm4b:s2+s12], $0x80, s8, s12, $0xb8;
	[tilespmem:$0x1E000] =	vst v63  }
0x2a1: {  	_ =	swait.ge [sflag:s16], $0x4000  }
0x2a2: {  	[sflag:s16] =	ssyncset.done $0x0  }
0x2a3: {  	s9 =	rddreg [dreg:$0xc];
	[sflag:s16] =	ssyncadd.s32 $0xFFFFC000  }
0x2a4: {  	[spmem:s3] =	stream.indirect.scatter.add.f32 [tilespmem:s14], [sflag:$0x3], $0x80, s9, s12, $0xb8;
	[tilespmem:$0x1E000] =	vst v63  }
0x2a5: {  	_ =	swait.ge [sflag:s10], $0x4000  }
0x2a6: {  	[sflag:s10] =	ssyncset.done $0x0  }
0x2a7: {  	s7 =	rddreg [dreg:$0xd];
	[sflag:s10] =	ssyncadd.s32 $0xFFFFC000  }
0x2a8: {  	[tilespmem:s14], [sflag:$0x2] =	stream.indirect.gather [hbm4b:s2+s12], $0x80, s7, s12, $0xb8;
	[tilespmem:$0x1E000] =	vst v63  }
0x2a9: {  	_ =	swait.ge [sflag:s15], $0x4000  }
0x2aa: {  	[sflag:s15] =	ssyncset.done $0x0  }
0x2ab: {  	s8 =	rddreg [dreg:$0xe];
	[sflag:s15] =	ssyncadd.s32 $0xFFFFC000  }
0x2ac: {  	[spmem:s3] =	stream.indirect.scatter.add.f32 [tilespmem:s13], [sflag:$0x3], $0x80, s8, s12, $0xb8;
	[tilespmem:$0x1E000] =	vst v63  }
0x2ad: {  	_ =	swait.ge [sflag:s10], $0x4000  }
0x2ae: {  	[sflag:s10] =	ssyncset.done $0x0  }
0x2af: {  	s9 =	rddreg [dreg:$0xf];
	[sflag:s10] =	ssyncadd.s32 $0xFFFFC000  }
0x2b0: {  	[tilespmem:s13], [sflag:$0x1] =	stream.indirect.gather [hbm4b:s2+s12], $0x80, s9, s12, $0xb8;
	[tilespmem:$0x1E000] =	vst v63  }
0x2b1: {  	_ =	swait.ge [sflag:s16], $0x4000  }
0x2b2: {  	[sflag:s16] =	ssyncset.done $0x0  }
0x2b3: {  	s7 =	rddreg [dreg:$0x10];
	[sflag:s16] =	ssyncadd.s32 $0xFFFFC000  }
0x2b4: {  	[spmem:s3] =	stream.indirect.scatter.add.f32 [tilespmem:s14], [sflag:$0x3], $0x80, s7, s12, $0xb8;
	[tilespmem:$0x1E000] =	vst v63  }
0x2b5: {  	_ =	swait.ge [sflag:s10], $0x4000  }
0x2b6: {  	[sflag:s10] =	ssyncset.done $0x0  }
0x2b7: {  	s8 =	rddreg [dreg:$0x11];
	[sflag:s10] =	ssyncadd.s32 $0xFFFFC000  }
0x2b8: {  	[tilespmem:s14], [sflag:$0x2] =	stream.indirect.gather [hbm4b:s2+s12], $0x80, s8, s12, $0xb8;
	[tilespmem:$0x1E000] =	vst v63  }
0x2b9: {  	_ =	swait.ge [sflag:s15], $0x4000  }
0x2ba: {  	[sflag:s15] =	ssyncset.done $0x0  }
0x2bb: {  	s9 =	rddreg [dreg:$0x12];
	[sflag:s15] =	ssyncadd.s32 $0xFFFFC000  }
0x2bc: {  	[spmem:s3] =	stream.indirect.scatter.add.f32 [tilespmem:s13], [sflag:$0x3], $0x80, s9, s12, $0xb8;
	[tilespmem:$0x1E000] =	vst v63  }
0x2bd: {  	_ =	swait.ge [sflag:s10], $0x4000  }
0x2be: {  	[sflag:s10] =	ssyncset.done $0x0  }
0x2bf: {  	s7 =	rddreg [dreg:$0x13];
	[sflag:s10] =	ssyncadd.s32 $0xFFFFC000  }
0x2c0: {  	[tilespmem:s13], [sflag:$0x1] =	stream.indirect.gather [hbm4b:s2+s12], $0x80, s7, s12, $0xb8;
	[tilespmem:$0x1E000] =	vst v63  }
0x2c1: {  	_ =	swait.ge [sflag:s16], $0x4000  }
0x2c2: {  	[sflag:s16] =	ssyncset.done $0x0  }
0x2c3: {  	s8 =	rddreg [dreg:$0x14];
	[sflag:s16] =	ssyncadd.s32 $0xFFFFC000  }
0x2c4: {  	[spmem:s3] =	stream.indirect.scatter.add.f32 [tilespmem:s14], [sflag:$0x3], $0x80, s8, s12, $0xb8;
	[tilespmem:$0x1E000] =	vst v63  }
0x2c5: {  	_ =	swait.ge [sflag:s10], $0x4000  }
0x2c6: {  	[sflag:s10] =	ssyncset.done $0x0  }
0x2c7: {  	s9 =	rddreg [dreg:$0x15];
	[sflag:s10] =	ssyncadd.s32 $0xFFFFC000  }
0x2c8: {  	[tilespmem:s14], [sflag:$0x2] =	stream.indirect.gather [hbm4b:s2+s12], $0x80, s9, s12, $0xb8;
	[tilespmem:$0x1E000] =	vst v63  }
0x2c9: {  	_ =	swait.ge [sflag:s15], $0x4000  }
0x2ca: {  	[sflag:s15] =	ssyncset.done $0x0  }
0x2cb: {  	s7 =	rddreg [dreg:$0x16];
	[sflag:s15] =	ssyncadd.s32 $0xFFFFC000  }
0x2cc: {  	[spmem:s3] =	stream.indirect.scatter.add.f32 [tilespmem:s13], [sflag:$0x3], $0x80, s7, s12, $0xb8;
	[tilespmem:$0x1E000] =	vst v63  }
0x2cd: {  	_ =	swait.ge [sflag:s10], $0x4000  }
0x2ce: {  	[sflag:s10] =	ssyncset.done $0x0  }
0x2cf: {  	s8 =	rddreg [dreg:$0x17];
	[sflag:s10] =	ssyncadd.s32 $0xFFFFC000  }
0x2d0: {  	[tilespmem:s13], [sflag:$0x1] =	stream.indirect.gather [hbm4b:s2+s12], $0x80, s8, s12, $0xb8;
	[tilespmem:$0x1E000] =	vst v63  }
0x2d1: {  	_ =	swait.ge [sflag:s16], $0x4000  }
0x2d2: {  	[sflag:s16] =	ssyncset.done $0x0  }
0x2d3: {  	s9 =	rddreg [dreg:$0x18];
	[sflag:s16] =	ssyncadd.s32 $0xFFFFC000  }
0x2d4: {  	[spmem:s3] =	stream.indirect.scatter.add.f32 [tilespmem:s14], [sflag:$0x3], $0x80, s9, s12, $0xb8;
	[tilespmem:$0x1E000] =	vst v63  }
0x2d5: {  	_ =	swait.ge [sflag:s10], $0x4000  }
0x2d6: {  	[sflag:s10] =	ssyncset.done $0x0  }
0x2d7: {  	s7 =	rddreg [dreg:$0x19];
	[sflag:s10] =	ssyncadd.s32 $0xFFFFC000  }
0x2d8: {  	[tilespmem:s14], [sflag:$0x2] =	stream.indirect.gather [hbm4b:s2+s12], $0x80, s7, s12, $0xb8;
	[tilespmem:$0x1E000] =	vst v63  }
0x2d9: {  	_ =	swait.ge [sflag:s15], $0x4000  }
0x2da: {  	[sflag:s15] =	ssyncset.done $0x0  }
0x2db: {  	s8 =	rddreg [dreg:$0x1a];
	[sflag:s15] =	ssyncadd.s32 $0xFFFFC000  }
0x2dc: {  	[spmem:s3] =	stream.indirect.scatter.add.f32 [tilespmem:s13], [sflag:$0x3], $0x80, s8, s12, $0xb8;
	[tilespmem:$0x1E000] =	vst v63  }
0x2dd: {  	_ =	swait.ge [sflag:s10], $0x4000  }
0x2de: {  	[sflag:s10] =	ssyncset.done $0x0  }
0x2df: {  	s9 =	rddreg [dreg:$0x1b];
	[sflag:s10] =	ssyncadd.s32 $0xFFFFC000  }
0x2e0: {  	[tilespmem:s13], [sflag:$0x1] =	stream.indirect.gather [hbm4b:s2+s12], $0x80, s9, s12, $0xb8;
	[tilespmem:$0x1E000] =	vst v63  }
0x2e1: {  	_ =	swait.ge [sflag:s16], $0x4000  }
0x2e2: {  	[sflag:s16] =	ssyncset.done $0x0  }
0x2e3: {  	s7 =	rddreg [dreg:$0x1c];
	[sflag:s16] =	ssyncadd.s32 $0xFFFFC000  }
0x2e4: {  	[spmem:s3] =	stream.indirect.scatter.add.f32 [tilespmem:s14], [sflag:$0x3], $0x80, s7, s12, $0xb8;
	[tilespmem:$0x1E000] =	vst v63  }
0x2e5: {  	_ =	swait.ge [sflag:s10], $0x4000  }
0x2e6: {  	[sflag:s10] =	ssyncset.done $0x0  }
0x2e7: {  	s8 =	rddreg [dreg:$0x1d];
	[sflag:s10] =	ssyncadd.s32 $0xFFFFC000  }
0x2e8: {  	[tilespmem:s14], [sflag:$0x2] =	stream.indirect.gather [hbm4b:s2+s12], $0x80, s8, s12, $0xb8;
	[tilespmem:$0x1E000] =	vst v63  }
0x2e9: {  	_ =	swait.ge [sflag:s15], $0x4000  }
0x2ea: {  	[sflag:s15] =	ssyncset.done $0x0  }
0x2eb: {  	s9 =	rddreg [dreg:$0x1e];
	[sflag:s15] =	ssyncadd.s32 $0xFFFFC000  }
0x2ec: {  	[spmem:s3] =	stream.indirect.scatter.add.f32 [tilespmem:s13], [sflag:$0x3], $0x80, s9, s12, $0xb8;
	[tilespmem:$0x1E000] =	vst v63  }
0x2ed: {  	_ =	swait.ge [sflag:s10], $0x4000  }
0x2ee: {  	[sflag:s10] =	ssyncset.done $0x0  }
0x2ef: {  	s7 =	rddreg [dreg:$0x1f];
	[sflag:s10] =	ssyncadd.s32 $0xFFFFC000  }
0x2f0: {  	[tilespmem:s13], [sflag:$0x1] =	stream.indirect.gather [hbm4b:s2+s12], $0x80, s7, s12, $0xb8;
	[tilespmem:$0x1E000] =	vst v63  }
0x2f1: {  	_ =	swait.ge [sflag:s16], $0x4000  }
0x2f2: {  	s8 =	sld [smem:$0x7E7]  }
0x2f3: {  	[sflag:s16] =	ssyncset.done $0x0  }
0x2f4: {  	[sflag:s16] =	ssyncadd.s32 $0xFFFFC000  }
0x2f5: {  	[spmem:s3] =	stream.indirect.scatter.add.f32 [tilespmem:s14], [sflag:$0x3], $0x80, s8, s12, $0xb8;
	[tilespmem:$0x1E000] =	vst v63  }
0x2f6: {  	_ =	swait.ge [sflag:s10], $0x4000  }
0x2f7: {  	s9 =	sld [smem:$0x7E8]  }
0x2f8: {  	[sflag:s10] =	ssyncset.done $0x0  }
0x2f9: {  	[sflag:s10] =	ssyncadd.s32 $0xFFFFC000  }
0x2fa: {  	[tilespmem:s14], [sflag:$0x2] =	stream.indirect.gather [hbm4b:s2+s12], $0x80, s9, s12, $0xb8;
	[tilespmem:$0x1E000] =	vst v63  }
0x2fb: {  	_ =	swait.ge [sflag:s15], $0x4000  }
0x2fc: {  	s7 =	sld [smem:$0x7E9]  }
0x2fd: {  	[sflag:s15] =	ssyncset.done $0x0  }
0x2fe: {  	[sflag:s15] =	ssyncadd.s32 $0xFFFFC000  }
0x2ff: {  	[spmem:s3] =	stream.indirect.scatter.add.f32 [tilespmem:s13], [sflag:$0x3], $0x80, s7, s12, $0xb8;
	[tilespmem:$0x1E000] =	vst v63  }
0x300: {  	_ =	swait.ge [sflag:s10], $0x4000  }
0x301: {  	s8 =	sld [smem:$0x7EA]  }
0x302: {  	[sflag:s10] =	ssyncset.done $0x0  }
0x303: {  	[sflag:s10] =	ssyncadd.s32 $0xFFFFC000  }
0x304: {  	[tilespmem:s13], [sflag:$0x1] =	stream.indirect.gather [hbm4b:s2+s12], $0x80, s8, s12, $0xb8;
	[tilespmem:$0x1E000] =	vst v63  }
0x305: {  	_ =	swait.ge [sflag:s16], $0x4000  }
0x306: {  	s9 =	sld [smem:$0x7EB]  }
0x307: {  	[sflag:s16] =	ssyncset.done $0x0  }
0x308: {  	[sflag:s16] =	ssyncadd.s32 $0xFFFFC000  }
0x309: {  	[spmem:s3] =	stream.indirect.scatter.add.f32 [tilespmem:s14], [sflag:$0x3], $0x80, s9, s12, $0xb8;
	[tilespmem:$0x1E000] =	vst v63  }
0x30a: {  	_ =	swait.ge [sflag:s10], $0x4000  }
0x30b: {  	s7 =	sld [smem:$0x7EC]  }
0x30c: {  	[sflag:s10] =	ssyncset.done $0x0  }
0x30d: {  	[sflag:s10] =	ssyncadd.s32 $0xFFFFC000  }
0x30e: {  	[tilespmem:s14], [sflag:$0x2] =	stream.indirect.gather [hbm4b:s2+s12], $0x80, s7, s12, $0xb8;
	[tilespmem:$0x1E000] =	vst v63  }
0x30f: {  	_ =	swait.ge [sflag:s15], $0x4000  }
0x310: {  	s8 =	sld [smem:$0x7ED]  }
0x311: {  	[sflag:s15] =	ssyncset.done $0x0  }
0x312: {  	[sflag:s15] =	ssyncadd.s32 $0xFFFFC000  }
0x313: {  	[spmem:s3] =	stream.indirect.scatter.add.f32 [tilespmem:s13], [sflag:$0x3], $0x80, s8, s12, $0xb8;
	[tilespmem:$0x1E000] =	vst v63  }
0x314: {  	_ =	swait.ge [sflag:s10], $0x4000  }
0x315: {  	s9 =	sld [smem:$0x7EE]  }
0x316: {  	[sflag:s10] =	ssyncset.done $0x0  }
0x317: {  	[sflag:s10] =	ssyncadd.s32 $0xFFFFC000  }
0x318: {  	[tilespmem:s13], [sflag:$0x1] =	stream.indirect.gather [hbm4b:s2+s12], $0x80, s9, s12, $0xb8;
	[tilespmem:$0x1E000] =	vst v63  }
0x319: {  	_ =	swait.ge [sflag:s16], $0x4000  }
0x31a: {  	s7 =	sld [smem:$0x7EF]  }
0x31b: {  	[sflag:s16] =	ssyncset.done $0x0  }
0x31c: {  	[sflag:s16] =	ssyncadd.s32 $0xFFFFC000  }
0x31d: {  	[spmem:s3] =	stream.indirect.scatter.add.f32 [tilespmem:s14], [sflag:$0x3], $0x80, s7, s12, $0xb8;
	[tilespmem:$0x1E000] =	vst v63  }
0x31e: {  	_ =	swait.ge [sflag:s10], $0x4000  }
0x31f: {  	s8 =	sld [smem:$0x7F0]  }
0x320: {  	[sflag:s10] =	ssyncset.done $0x0  }
0x321: {  	[sflag:s10] =	ssyncadd.s32 $0xFFFFC000  }
0x322: {  	[tilespmem:s14], [sflag:$0x2] =	stream.indirect.gather [hbm4b:s2+s12], $0x80, s8, s12, $0xb8;
	[tilespmem:$0x1E000] =	vst v63  }
0x323: {  	_ =	swait.ge [sflag:s15], $0x4000  }
0x324: {  	s9 =	sld [smem:$0x7F2]  }
0x325: {  	[sflag:s15] =	ssyncset.done $0x0  }
0x326: {  	[sflag:s15] =	ssyncadd.s32 $0xFFFFC000  }
0x327: {  	[spmem:s3] =	stream.indirect.scatter.add.f32 [tilespmem:s13], [sflag:$0x3], $0x80, s9, s12, $0xb8;
	[tilespmem:$0x1E000] =	vst v63  }
0x328: {  	_ =	swait.ge [sflag:s10], $0x4000  }
0x329: {  	s7 =	sld [smem:$0x7F4]  }
0x32a: {  	[sflag:s10] =	ssyncset.done $0x0  }
0x32b: {  	[sflag:s10] =	ssyncadd.s32 $0xFFFFC000  }
0x32c: {  	[tilespmem:s13], [sflag:$0x1] =	stream.indirect.gather [hbm4b:s2+s12], $0x80, s7, s12, $0xb8;
	[tilespmem:$0x1E000] =	vst v63  }
0x32d: {  	_ =	swait.ge [sflag:s16], $0x4000  }
0x32e: {  	s8 =	sld [smem:$0x7F5]  }
0x32f: {  	[sflag:s16] =	ssyncset.done $0x0  }
0x330: {  	[sflag:s16] =	ssyncadd.s32 $0xFFFFC000  }
0x331: {  	[spmem:s3] =	stream.indirect.scatter.add.f32 [tilespmem:s14], [sflag:$0x3], $0x80, s8, s12, $0xb8;
	[tilespmem:$0x1E000] =	vst v63  }
0x332: {  	_ =	swait.ge [sflag:s10], $0x4000  }
0x333: {  	s9 =	sld [smem:$0x7F6]  }
0x334: {  	[sflag:s10] =	ssyncset.done $0x0  }
0x335: {  	[sflag:s10] =	ssyncadd.s32 $0xFFFFC000  }
0x336: {  	[tilespmem:s14], [sflag:$0x2] =	stream.indirect.gather [hbm4b:s2+s12], $0x80, s9, s12, $0xb8;
	[tilespmem:$0x1E000] =	vst v63  }
0x337: {  	_ =	swait.ge [sflag:s15], $0x4000  }
0x338: {  	s7 =	sld [smem:$0x7F7]  }
0x339: {  	[sflag:s15] =	ssyncset.done $0x0  }
0x33a: {  	[sflag:s15] =	ssyncadd.s32 $0xFFFFC000  }
0x33b: {  	[spmem:s3] =	stream.indirect.scatter.add.f32 [tilespmem:s13], [sflag:$0x3], $0x80, s7, s12, $0xb8;
	[tilespmem:$0x1E000] =	vst v63  }
0x33c: {  	_ =	swait.ge [sflag:s10], $0x4000  }
0x33d: {  	s8 =	sld [smem:$0x7F8]  }
0x33e: {  	[sflag:s10] =	ssyncset.done $0x0  }
0x33f: {  	[sflag:s10] =	ssyncadd.s32 $0xFFFFC000  }
0x340: {  	[tilespmem:s13], [sflag:$0x1] =	stream.indirect.gather [hbm4b:s2+s12], $0x80, s8, s12, $0xb8;
	[tilespmem:$0x1E000] =	vst v63  }
0x341: {  	_ =	swait.ge [sflag:s16], $0x4000  }
0x342: {  	s9 =	sld [smem:$0x7F9]  }
0x343: {  	[sflag:s16] =	ssyncset.done $0x0  }
0x344: {  	[sflag:s16] =	ssyncadd.s32 $0xFFFFC000  }
0x345: {  	[spmem:s3] =	stream.indirect.scatter.add.f32 [tilespmem:s14], [sflag:$0x3], $0x80, s9, s12, $0xb8;
	[tilespmem:$0x1E000] =	vst v63  }
0x346: {  	_ =	swait.ge [sflag:s10], $0x4000  }
0x347: {  	s7 =	sld [smem:$0x7FA]  }
0x348: {  	[sflag:s10] =	ssyncset.done $0x0  }
0x349: {  	[sflag:s10] =	ssyncadd.s32 $0xFFFFC000  }
0x34a: {  	[tilespmem:s14], [sflag:$0x2] =	stream.indirect.gather [hbm4b:s2+s12], $0x80, s7, s12, $0xb8;
	[tilespmem:$0x1E000] =	vst v63  }
0x34b: {  	_ =	swait.ge [sflag:s15], $0x4000  }
0x34c: {  	s8 =	sld [smem:$0x7FB]  }
0x34d: {  	[sflag:s15] =	ssyncset.done $0x0  }
0x34e: {  	[sflag:s15] =	ssyncadd.s32 $0xFFFFC000  }
0x34f: {  	[spmem:s3] =	stream.indirect.scatter.add.f32 [tilespmem:s13], [sflag:$0x3], $0x80, s8, s12, $0xb8;
	[tilespmem:$0x1E000] =	vst v63  }
0x350: {  	_ =	swait.ge [sflag:s10], $0x4000  }
0x351: {  	[sflag:s10] =	ssyncset.done $0x0  }
0x352: {  	[sflag:s10] =	ssyncadd.s32 $0xFFFFC000  }
0x353: {  	[tilespmem:s13], [sflag:$0x1] =	stream.indirect.gather [hbm4b:s2+s12], $0x80, s17, s12, $0xb8;
	[tilespmem:$0x1E000] =	vst v63  }
0x354: {  	_ =	swait.ge [sflag:s16], $0x4000  }
0x355: {  	[sflag:s16] =	ssyncset.done $0x0  }
0x356: {  	[sflag:s16] =	ssyncadd.s32 $0xFFFFC000  }
0x357: {  	[spmem:s3] =	stream.indirect.scatter.add.f32 [tilespmem:s14], [sflag:$0x3], $0x80, s18, s12, $0xb8;
	[tilespmem:$0x1E000] =	vst v63  }
0x358: {  	_ =	swait.ge [sflag:s10], $0x4000  }
0x359: {  	[sflag:s10] =	ssyncset.done $0x0  }
0x35a: {  	[sflag:s10] =	ssyncadd.s32 $0xFFFFC000  }
0x35b: {  	[tilespmem:s14], [sflag:$0x2] =	stream.indirect.gather [hbm4b:s2+s12], $0x80, s19, s12, $0xb8;
	[tilespmem:$0x1E000] =	vst v63  }
0x35c: {  	_ =	swait.ge [sflag:s15], $0x4000  }
0x35d: {  	[sflag:s15] =	ssyncset.done $0x0  }
0x35e: {  	[sflag:s15] =	ssyncadd.s32 $0xFFFFC000  }
0x35f: {  	[spmem:s3] =	stream.indirect.scatter.add.f32 [tilespmem:s13], [sflag:$0x3], $0x80, s20, s12, $0xb8;
	[tilespmem:$0x1E000] =	vst v63  }
0x360: {  	_ =	swait.ge [sflag:s10], $0x4000  }
0x361: {  	[sflag:s10] =	ssyncset.done $0x0  }
0x362: {  	[sflag:s10] =	ssyncadd.s32 $0xFFFFC000  }
0x363: {  	[tilespmem:s13], [sflag:$0x1] =	stream.indirect.gather [hbm4b:s2+s12], $0x80, s21, s12, $0xb8;
	[tilespmem:$0x1E000] =	vst v63  }
0x364: {  	_ =	swait.ge [sflag:s16], $0x4000  }
0x365: {  	[sflag:s16] =	ssyncset.done $0x0  }
0x366: {  	[sflag:s16] =	ssyncadd.s32 $0xFFFFC000  }
0x367: {  	[spmem:s3] =	stream.indirect.scatter.add.f32 [tilespmem:s14], [sflag:$0x3], $0x80, s22, s12, $0xb8;
	[tilespmem:$0x1E000] =	vst v63  }
0x368: {  	_ =	swait.ge [sflag:s10], $0x4000  }
0x369: {  	[sflag:s10] =	ssyncset.done $0x0  }
0x36a: {  	[sflag:s10] =	ssyncadd.s32 $0xFFFFC000  }
0x36b: {  	[tilespmem:s14], [sflag:$0x2] =	stream.indirect.gather [hbm4b:s2+s12], $0x80, s23, s12, $0xb8;
	[tilespmem:$0x1E000] =	vst v63  }
0x36c: {  	_ =	swait.ge [sflag:s15], $0x4000  }
0x36d: {  	[sflag:s15] =	ssyncset.done $0x0  }
0x36e: {  	[sflag:s15] =	ssyncadd.s32 $0xFFFFC000  }
0x36f: {  	[spmem:s3] =	stream.indirect.scatter.add.f32 [tilespmem:s13], [sflag:$0x3], $0x80, s24, s12, $0xb8;
	[tilespmem:$0x1E000] =	vst v63  }
0x370: {  	_ =	swait.ge [sflag:s10], $0x4000  }
0x371: {  	[sflag:s10] =	ssyncset.done $0x0  }
0x372: {  	[sflag:s10] =	ssyncadd.s32 $0xFFFFC000  }
0x373: {  	[tilespmem:s13], [sflag:$0x1] =	stream.indirect.gather [hbm4b:s2+s12], $0x80, s25, s12, $0xb8;
	[tilespmem:$0x1E000] =	vst v63  }
0x374: {  	_ =	swait.ge [sflag:s16], $0x4000  }
0x375: {  	[sflag:s16] =	ssyncset.done $0x0  }
0x376: {  	[sflag:s16] =	ssyncadd.s32 $0xFFFFC000  }
0x377: {  	[spmem:s3] =	stream.indirect.scatter.add.f32 [tilespmem:s14], [sflag:$0x3], $0x80, s26, s12, $0xb8;
	[tilespmem:$0x1E000] =	vst v63  }
0x378: {  	_ =	swait.ge [sflag:s10], $0x4000  }
0x379: {  	[sflag:s10] =	ssyncset.done $0x0  }
0x37a: {  	[sflag:s10] =	ssyncadd.s32 $0xFFFFC000  }
0x37b: {  	[tilespmem:s14], [sflag:$0x2] =	stream.indirect.gather [hbm4b:s2+s12], $0x80, s28, s12, $0xb8;
	[tilespmem:$0x1E000] =	vst v63  }
0x37c: {  	_ =	swait.ge [sflag:s15], $0x4000  }
0x37d: {  	[sflag:s15] =	ssyncset.done $0x0  }
0x37e: {  	[sflag:s15] =	ssyncadd.s32 $0xFFFFC000  }
0x37f: {  	[spmem:s3] =	stream.indirect.scatter.add.f32 [tilespmem:s13], [sflag:$0x3], $0x80, s29, s12, $0xb8;
	[tilespmem:$0x1E000] =	vst v63  }
0x380: {  	_ =	swait.ge [sflag:s10], $0x4000  }
0x381: {  	[sflag:s10] =	ssyncset.done $0x0  }
0x382: {  	[sflag:s10] =	ssyncadd.s32 $0xFFFFC000  }
0x383: {  	[tilespmem:s13], [sflag:$0x1] =	stream.indirect.gather [hbm4b:s2+s12], $0x80, s30, s12, $0xb8;
	[tilespmem:$0x1E000] =	vst v63  }
0x384: {  	_ =	swait.ge [sflag:s16], $0x4000  }
0x385: {  	[sflag:s16] =	ssyncset.done $0x0  }
0x386: {  	[sflag:s16] =	ssyncadd.s32 $0xFFFFC000  }
0x387: {  	[spmem:s3] =	stream.indirect.scatter.add.f32 [tilespmem:s14], [sflag:$0x3], $0x80, s31, s12, $0xb8;
	[tilespmem:$0x1E000] =	vst v63  }
0x388: {  	_ =	swait.ge [sflag:s10], $0x4000  }
0x389: {  	[sflag:s10] =	ssyncset.done $0x0  }
0x38a: {  	[sflag:s10] =	ssyncadd.s32 $0xFFFFC000  }
0x38b: {  	[tilespmem:s14], [sflag:$0x2] =	stream.indirect.gather [hbm4b:s2+s12], $0x80, s1, s12, $0xb8;
	[tilespmem:$0x1E000] =	vst v63  }
0x38c: {  	_ =	swait.ge [sflag:s15], $0x4000  }
0x38d: {  	[sflag:s15] =	ssyncset.done $0x0  }
0x38e: {  	[sflag:s15] =	ssyncadd.s32 $0xFFFFC000  }
0x38f: {  	[spmem:s3] =	stream.indirect.scatter.add.f32 [tilespmem:s13], [sflag:$0x3], $0x80, s0, s12, $0xb8;
	[tilespmem:$0x1E000] =	vst v63  }
0x390: {  	_ =	swait.ge [sflag:s10], $0x4000  }
0x391: {  	[sflag:s10] =	ssyncset.done $0x0  }
0x392: {  	[sflag:s10] =	ssyncadd.s32 $0xFFFFC000  }
0x393: {  	_ =	swait.ge [sflag:s16], $0x4000  }
0x394: {  	[sflag:s16] =	ssyncset.done $0x0  }
0x395: {  	[sflag:s16] =	ssyncadd.s32 $0xFFFFC000  }
0x396: {  	[spmem:s3] =	stream.indirect.scatter.add.f32 [tilespmem:s14], [sflag:$0x3], $0x80, s5, s12, $0xb8;
	[tilespmem:$0x1E000] =	vst v63  }
0x397: {  	_ =	swait.ge [sflag:s10], $0x4000  }
0x398: {  	[sflag:s10] =	ssyncset.done $0x0  }
0x399: {  	[sflag:s10] =	ssyncadd.s32 $0xFFFFC000  }
0x39a: {  	[bflag:$0x0] =	sbarrier.arrive $0xFFFF  }
0x39b: {  	s7 =	sld [smem:$0x7FC]  }
0x39c: {  	s9 =	sld [smem:$0x7F1]  }
0x39d: {  	s8 =	sld [smem:$0x7FD];
	_ =	sdelay $0x2  }
0x39e: {  	[hbm:s9], [sflag:s7] =	dma.local [spmem:s8], $0x2800  }
0x39f: {  	_ =	swait.ge [sflag:s10], $0x2800  }
0x3a0: {  	s6 =	sld [smem:$0x7E5];
	_ =	sdelay $0x2  }
0x3a1: {  	s9 =	sadd.s32 $0x1, s6;
	s6 =	sld [smem:$0x7F3];
	_ =	sdelay $0x2  }
0x3a2: {  	p0 =	sne.s32 s9, s6  }
.Ltmp1:
0x3a3: {  	_ = 	snop;
	(pc) =	sbr.rel @p0 .LBB2_1-.Ltmp1, $3  }
0x3a4: {  	_ =	sdelay $0x1  }
0x3a5: {  	[sflag:s10] =	ssyncset.done $0x0  }
0x3a6: {  	[sflag:s10] =	ssyncadd.s32 $0xFFFFD800  }
0x3a7: {  	_ =	sfence.sel $0x180000  }
0x3a8: {  	[bflag:$0x0] =	sbarrier.arrive $0xFFFF  }
0x3a9: {  	_ =	strace $0x90000047  }
0x3aa: {  	s0 =	stileid.u32;
	[bflag:$0x2] =	sbarrier.arrive $0xFFFF  }
0x3ab: {  	p0 =	sne.s32 s0, $0x0;
	s0 =	rddreg [dreg:$0x4]  }
0x3ac: {  	s0 =	sadd.s32 @!p0 $0x100000, s0  }
0x3ad: {  	[sflag:s0] =	ssyncadd.tile.s32 @!p0 $0x1;
	_ =	shalt  }
.Lfunc_end2:
_tile_overlayer_lowered:
.L_overlay_start_2:
0x3ae: {  	(tag) =	ssettag $0x2  }
0x3af: {  	s0 =	rddreg [dreg:$0x0];
	s2 =	stileid.u32  }
0x3b0: {  	s1 =	rddreg [dreg:$0x1];
	p0 =	sne.s32 s2, $0x0  }
0x3b1: {  	s3 =	rddreg [dreg:$0x2];
	[bflag:$0x3] =	sbarrier.arrive $0xFFFF;
	s2 =	simm.s32 @!p0 $0x1C03  }
0x3b2: {  	[timem:s3], [sflag:s2] =	dma.local @!p0 [hbm:s0], s1  }
0x3b3: {  	s0 =	simm.s32 @!p0 $0x3  }
0x3b4: {  	_ =	swait.ge @!p0 [sflag:s0], s1  }
0x3b5: {  	s1 =	ssub.s32 @!p0 $0x0, s1;
	[sflag:s0] =	ssyncset.done @!p0 $0x0  }
0x3b6: {  	[sflag:s0] =	ssyncadd.s32 @!p0 s1  }
0x3b7: {  	[bflag:$0x3] =	sbarrier.arrive $0xFFFF  }
0x3b8: {  	_ =	shalt  }

</sc_bundles>
